<compile_context>
chip_gen: v7x
topology: tpu7x:2x2x1
jax: 0.10.2.dev20260603
libtpu: 0.0.44.dev20260713+nightly
codegen_flags: <defaults>
</compile_context>

<pallas_src>
import functools

import jax
import jax.numpy as jnp
from jax import lax
from jax.experimental import pallas as pl
from jax.experimental.pallas import tpu as pltpu
from jax.experimental.pallas import tpu_sc as plsc

N = 10000
E = 320000
D = 128
H = 128
WIN = 8

NC = 2
NS = 16
NW = NC * NS
EW = E // NW
C = 64
NCHUNK = EW // C
REM = EW - NCHUNK * C
RPT = 624
ROT = 1


def _node_encode_body(cur_ref, gc_ref, adj_ref, w_ref, b_ref, nw_ref, nb_ref,
                      aw_ref, nf_ref, proj_ref, ts_ref):
    t = cur_ref[0]
    adj = adj_ref[...]
    dt = jnp.abs(t - adj)
    wv = w_ref[...]
    bv = b_ref[...]
    per = jnp.cos(dt * wv + bv)
    lin = w_ref[0, 0] * dt + b_ref[0, 0]
    lane = lax.broadcasted_iota(jnp.int32, per.shape, 1)
    tv = jnp.where(lane == 0, lin, per)
    eff = gc_ref[...] * nw_ref[...] + nb_ref[...]
    nf0 = jnp.maximum(eff + tv, 0.0)
    nrm = jnp.sqrt(jnp.sum(nf0 * nf0, axis=1, keepdims=True))
    nf = nf0 / jnp.maximum(nrm, 1e-12)
    nf_ref[...] = nf
    proj_ref[...] = jnp.dot(nf, aw_ref[...], preferred_element_type=jnp.float32)
    ts_ref[...] = 1.0 / jnp.log(jnp.e + 2.0 * (t - adj))


def _node_encode(cur_time, dict_gc, adj_time, t2v_w, t2v_b, node_w, node_b, att_w):
    b = 1000
    grid = (N // b,)
    return pl.pallas_call(
        _node_encode_body,
        grid=grid,
        in_specs=[
            pl.BlockSpec(memory_space=pltpu.SMEM),
            pl.BlockSpec((b, 1), lambda i: (i, 0)),
            pl.BlockSpec((b, 1), lambda i: (i, 0)),
            pl.BlockSpec((1, D), lambda i: (0, 0)),
            pl.BlockSpec((1, D), lambda i: (0, 0)),
            pl.BlockSpec((1, D), lambda i: (0, 0)),
            pl.BlockSpec((1, D), lambda i: (0, 0)),
            pl.BlockSpec((D, D), lambda i: (0, 0)),
        ],
        out_specs=[
            pl.BlockSpec((b, D), lambda i: (i, 0)),
            pl.BlockSpec((b, D), lambda i: (i, 0)),
            pl.BlockSpec((b, 1), lambda i: (i, 0)),
        ],
        out_shape=[
            jax.ShapeDtypeStruct((N, D), jnp.float32),
            jax.ShapeDtypeStruct((N, D), jnp.float32),
            jax.ShapeDtypeStruct((N, 1), jnp.float32),
        ],
    )(cur_time, dict_gc.reshape(N, 1), adj_time.reshape(N, 1),
      t2v_w.reshape(1, D), t2v_b.reshape(1, D), node_w.reshape(1, D),
      node_b.reshape(1, D), att_w)


def _hist_body(cur_ref, ht_ref, hf_ref, fh_ref):
    t = cur_ref[0]
    w = 1.0 / (1.0 + 2.0 * (t - ht_ref[...]))
    fh_ref[...] = jnp.sum(w[..., None] * hf_ref[...], axis=1)


def _hist_reduce(cur_time, hist_time, hist_feat):
    b = 400
    grid = (N // b,)
    return pl.pallas_call(
        _hist_body,
        grid=grid,
        in_specs=[
            pl.BlockSpec(memory_space=pltpu.SMEM),
            pl.BlockSpec((b, WIN), lambda i: (i, 0)),
            pl.BlockSpec((b, WIN, 2 * D), lambda i: (i, 0, 0)),
        ],
        out_specs=pl.BlockSpec((b, 2 * D), lambda i: (i, 0)),
        out_shape=jax.ShapeDtypeStruct((N, 2 * D), jnp.float32),
    )(cur_time, hist_time, hist_feat)


def _sc_edge_body(nf_hbm, pj_hbm, ts_hbm, sd_hbm, src_hbm, dst_hbm, zero_hbm,
                  out_hbm, sdv0, sdv1, nfr0, pjr0, nfr1, pjr1,
                  tsr0, tsr1, msg, dstm, srcr, dstr, acc, sem0, sem1, semsc):
    c = lax.axis_index("c")
    s = lax.axis_index("s")
    wid = c * NS + s

    rbase = pl.multiple_of(s * RPT, 8)
    pltpu.sync_copy(zero_hbm.at[pl.ds(rbase, RPT)], acc.at[pl.ds(rbase, RPT)])

    @pl.when(s == NS - 1)
    def _():
        pltpu.sync_copy(zero_hbm.at[pl.ds(NS * RPT, N - NS * RPT)],
                        acc.at[pl.ds(NS * RPT, N - NS * RPT)])

    plsc.subcore_barrier()

    lanes = lax.iota(jnp.int32, 16)
    rot = lanes * ROT
    bufs = ((sdv0, nfr0, pjr0, tsr0, sem0),
            (sdv1, nfr1, pjr1, tsr1, sem1))

    def issue(k, g):
        sdv, nfr, pjr, tsr, sem = bufs[k]
        pltpu.sync_copy(sd_hbm.at[wid, g], sdv)
        pltpu.async_copy(nf_hbm.at[sdv.at[0]], nfr, sem)
        pltpu.async_copy(pj_hbm.at[sdv.at[1]], pjr, sem)
        pltpu.async_copy(ts_hbm.at[sdv.at[0]], tsr, sem)

    def drain(k):
        sdv, nfr, pjr, tsr, sem = bufs[k]
        pltpu.make_async_copy(nf_hbm.at[sdv.at[0]], nfr, sem).wait()
        pltpu.make_async_copy(pj_hbm.at[sdv.at[1]], pjr, sem).wait()
        pltpu.make_async_copy(ts_hbm.at[sdv.at[0]], tsr, sem).wait()

    def att_all(k):
        _, nfr, pjr, tsr, _ = bufs[k]
        scores = []
        for i in range(C // 16):
            row16 = lanes + (i * 16)

            def dbody(dd, a):
                col = jnp.bitwise_and(rot + dd, D - 1)
                x = plsc.load_gather(nfr, [row16, col])
                y = plsc.load_gather(pjr, [row16, col])
                return a + x * y

            att = plsc.parallel_loop(
                0, D, unroll=8, carry=jnp.zeros((16,), jnp.float32))(dbody)
            sc = tsr[pl.ds(i * 16, 16)] + att
            scores.append(jnp.where(sc > 0.0, sc, 0.01 * sc))
        return scores

    def msg_all(k, scores):
        sdv, nfr, pjr, tsr, _ = bufs[k]
        for i in range(C // 16):
            row16 = lanes + (i * 16)
            score = scores[i]
            dstm[pl.ds(i * 16, 16)] = sdv[1, pl.ds(i * 16, 16)]

            def mbody(dd):
                col = jnp.bitwise_and(rot + dd, D - 1)
                x = plsc.load_gather(nfr, [row16, col])
                plsc.store_scatter(msg, [row16, col], x * score)

            plsc.parallel_loop(0, D, unroll=8)(mbody)

    def scatter_issue():
        pltpu.async_copy(msg, acc.at[dstm], sem=semsc, add=True)

    def scatter_drain():
        pltpu.make_async_copy(msg, acc.at[dstm], semsc).wait()

    issue(0, 0)

    @pl.loop(0, NCHUNK, step=2)
    def _(g):
        issue(1, g + 1)
        drain(0)
        scores = att_all(0)

        @pl.when(g > 0)
        def _():
            scatter_drain()

        msg_all(0, scores)
        scatter_issue()

        @pl.when(g + 2 < NCHUNK)
        def _():
            issue(0, g + 2)

        drain(1)
        scores = att_all(1)
        scatter_drain()
        msg_all(1, scores)
        scatter_issue()

    scatter_drain()

    rembase = wid * EW + NCHUNK * C
    pltpu.sync_copy(src_hbm.at[pl.ds(rembase, REM)], srcr)
    pltpu.sync_copy(dst_hbm.at[pl.ds(rembase, REM)], dstr)
    pltpu.async_copy(nf_hbm.at[srcr], nfr0.at[pl.ds(0, REM)], sem0).wait()
    pltpu.async_copy(pj_hbm.at[dstr], pjr0.at[pl.ds(0, REM)], sem0).wait()
    pltpu.async_copy(ts_hbm.at[srcr], tsr0.at[pl.ds(0, REM)], sem0).wait()
    row16 = lanes

    def dbody_r(dd, a):
        col = jnp.bitwise_and(rot + dd, D - 1)
        x = plsc.load_gather(nfr0, [row16, col])
        y = plsc.load_gather(pjr0, [row16, col])
        return a + x * y

    att_r = plsc.parallel_loop(
        0, D, unroll=8, carry=jnp.zeros((16,), jnp.float32))(dbody_r)
    sc_r = tsr0[pl.ds(0, 16)] + att_r
    score_r = jnp.where(sc_r > 0.0, sc_r, 0.01 * sc_r)

    def mbody_r(dd):
        col = jnp.bitwise_and(rot + dd, D - 1)
        x = plsc.load_gather(nfr0, [row16, col])
        plsc.store_scatter(msg, [row16, col], x * score_r)

    plsc.parallel_loop(0, D, unroll=8)(mbody_r)
    pltpu.sync_copy(msg.at[pl.ds(0, REM)], acc.at[dstr], add=True)

    plsc.subcore_barrier()
    obase = pl.multiple_of(c * N + s * RPT, 8)
    pltpu.sync_copy(acc.at[pl.ds(rbase, RPT)], out_hbm.at[pl.ds(obase, RPT)])

    @pl.when(s == NS - 1)
    def _():
        pltpu.sync_copy(acc.at[pl.ds(NS * RPT, N - NS * RPT)],
                        out_hbm.at[pl.ds(c * N + NS * RPT, N - NS * RPT)])


def _sc_edge(nf, proj, ts, src, dst):
    mesh = plsc.VectorSubcoreMesh(core_axis_name="c", subcore_axis_name="s")
    zero = jnp.zeros((N, D), jnp.float32)
    nring = NCHUNK * C
    sd = jnp.stack([src.reshape(NW, EW)[:, :nring].reshape(NW, NCHUNK, C),
                    dst.reshape(NW, EW)[:, :nring].reshape(NW, NCHUNK, C)],
                   axis=2)
    fn = pl.kernel(
        _sc_edge_body,
        out_type=jax.ShapeDtypeStruct((NC * N, D), jnp.float32),
        mesh=mesh,
        scratch_types=[
            pltpu.VMEM((2, C), jnp.int32),
            pltpu.VMEM((2, C), jnp.int32),
            pltpu.VMEM((C, D), jnp.float32),
            pltpu.VMEM((C, D), jnp.float32),
            pltpu.VMEM((C, D), jnp.float32),
            pltpu.VMEM((C, D), jnp.float32),
            pltpu.VMEM((C,), jnp.float32),
            pltpu.VMEM((C,), jnp.float32),
            pltpu.VMEM((C, D), jnp.float32),
            pltpu.VMEM((C,), jnp.int32),
            pltpu.VMEM((16,), jnp.int32),
            pltpu.VMEM((16,), jnp.int32),
            pltpu.VMEM_SHARED((N, D), jnp.float32),
            pltpu.SemaphoreType.DMA,
            pltpu.SemaphoreType.DMA,
            pltpu.SemaphoreType.DMA,
        ],
        compiler_params=pltpu.CompilerParams(needs_layout_passes=False),
    )
    return fn(nf, proj, ts, sd, src, dst, zero)


def _combine_body(fh_ref, nf_ref, a0_ref, a1_ref, w1_ref, w2_ref, w3_ref, o_ref):
    neigh = a0_ref[...] + a1_ref[...]
    dn = (((1,), (1,)), ((), ()))
    acc = lax.dot_general(fh_ref[...], w1_ref[...], dn,
                          preferred_element_type=jnp.float32)
    acc += lax.dot_general(nf_ref[...], w2_ref[...], dn,
                           preferred_element_type=jnp.float32)
    acc += lax.dot_general(neigh, w3_ref[...], dn,
                           preferred_element_type=jnp.float32)
    o_ref[...] = jnp.maximum(acc, 0.0)


def _combine(fh, nf, accs, weight):
    b = 1000
    grid = (N // b,)
    w1 = weight[:, : 2 * D]
    w2 = weight[:, 2 * D: 3 * D]
    w3 = weight[:, 3 * D:]
    nb = N // b
    return pl.pallas_call(
        _combine_body,
        grid=grid,
        in_specs=[
            pl.BlockSpec((b, 2 * D), lambda i: (i, 0)),
            pl.BlockSpec((b, D), lambda i: (i, 0)),
            pl.BlockSpec((b, D), lambda i: (i, 0)),
            pl.BlockSpec((b, D), lambda i: (i + nb, 0)),
            pl.BlockSpec((H, 2 * D), lambda i: (0, 0)),
            pl.BlockSpec((H, D), lambda i: (0, 0)),
            pl.BlockSpec((H, D), lambda i: (0, 0)),
        ],
        out_specs=pl.BlockSpec((b, H), lambda i: (i, 0)),
        out_shape=jax.ShapeDtypeStruct((N, H), jnp.float32),
    )(fh, nf, accs, accs, w1, w2, w3)


def kernel(edge_index, dict_gc, adj_time, cur_time, hist_feat, hist_time,
           t2v_w, t2v_b, node_w, node_b, att_w, weight):
    src = edge_index[0].astype(jnp.int32)
    dst = edge_index[1].astype(jnp.int32)
    nf, proj, ts2 = _node_encode(cur_time, dict_gc, adj_time, t2v_w, t2v_b,
                                 node_w[:, 0], node_b, att_w)
    accs = _sc_edge(nf, proj, ts2.reshape(N), src, dst)
    fh = _hist_reduce(cur_time, hist_time, hist_feat)
    return _combine(fh, nf, accs, weight)

# --- scband reference (transcript-rebuilt; emitter-appended) ---
"""Pipeline reference for scband-model-58402965291291 (READ-ONLY COPY).

The authoritative reference and input builder live on the scoring server;
editing this copy changes nothing except your own understanding.
"""

import jax, jax.numpy as jnp
import numpy as np

N = 10000
E = 320000
D = 128
H = 128
WIN = 8


def setup_inputs(seed: int = 0) -> dict:
    key = jax.random.key(seed)
    ks = jax.random.split(key, 12)
    edge_index = jax.random.randint(ks[0], (2, E), 0, N)
    dict_gc = jax.random.uniform(ks[1], (N,), dtype=jnp.float32)
    adj_time = jax.random.uniform(ks[2], (N,), dtype=jnp.float32)
    cur_time = jnp.ones((1,), dtype=jnp.float32)
    hist_feat = jax.random.normal(ks[3], (N, WIN, 2 * D), dtype=jnp.float32)
    hist_time = jax.random.uniform(ks[4], (N, WIN), dtype=jnp.float32)
    t2v_w = jax.random.normal(ks[5], (D,), dtype=jnp.float32)
    t2v_b = jax.random.normal(ks[6], (D,), dtype=jnp.float32)
    node_w = jax.random.normal(ks[7], (D, 1), dtype=jnp.float32) * 0.1
    node_b = jnp.zeros((D,), dtype=jnp.float32)
    att_w = jax.random.normal(ks[8], (D, D), dtype=jnp.float32) * (1.0 / np.sqrt(D))
    weight = jax.random.normal(ks[9], (H, 4 * D), dtype=jnp.float32) * (1.0 / np.sqrt(4 * D))
    return {
        'edge_index': edge_index,
        'dict_gc': dict_gc,
        'adj_time': adj_time,
        'cur_time': cur_time,
        'hist_feat': hist_feat,
        'hist_time': hist_time,
        't2v_w': t2v_w,
        't2v_b': t2v_b,
        'node_w': node_w,
        'node_b': node_b,
        'att_w': att_w,
        'weight': weight,
    }


def _decayer_log(dt):
    # Decayer(2, 'log'): 1 / log(e + alpha * dt)
    return 1.0 / jnp.log(jnp.e + 2.0 * dt)


def _decayer_rev(dt):
    # Decayer(2, 'rev'): 1 / (1 + alpha * dt)
    return 1.0 / (1.0 + 2.0 * dt)


def _node_encoding(dict_gc, adj_time, t, t2v_w, t2v_b, node_w, node_b):
    # Vectorized node_encoding over all nodes.
    dt = jnp.abs(t - adj_time)  # [N]
    # Time2Vec('cos', D): first dim linear, rest cos(w*t + b)
    lin = (t2v_w[0] * dt + t2v_b[0])[:, None]
    per = jnp.cos(dt[:, None] * t2v_w[1:][None, :] + t2v_b[1:][None, :])
    tv = jnp.concatenate([lin, per], axis=-1)  # [N, D]
    # Linear(1, D) on centrality value
    eff = dict_gc[:, None] * node_w[:, 0][None, :] + node_b[None, :]  # [N, D]
    nf = jax.nn.relu(eff + tv)
    nrm = jnp.sqrt(jnp.sum(nf * nf, axis=-1, keepdims=True))
    nf = nf / jnp.maximum(nrm, 1e-12)  # F.normalize
    return nf


def reference(edge_index, dict_gc, adj_time, cur_time, hist_feat, hist_time, t2v_w, t2v_b, node_w, node_b, att_w, weight):
    t = cur_time[0]
    nf = _node_encoding(dict_gc, adj_time, t, t2v_w, t2v_b, node_w, node_b)  # [N, D]
    src = edge_index[0]
    dst = edge_index[1]
    # time decay score over in-edges (neighbor last-active time)
    time_score = _decayer_log(t - adj_time[src])  # [E]
    # bilinear attention score between target node and in-neighbor
    proj = nf @ att_w  # [N, D]
    att = jnp.sum(proj[dst] * nf[src], axis=-1)  # [E]
    score = jax.nn.leaky_relu(time_score + att, 0.01)
    msg = score[:, None] * nf[src]  # [E, D]
    neigh = jax.ops.segment_sum(msg, dst, num_segments=N)  # [N, D]
    combined = jnp.concatenate([nf, neigh], axis=-1)  # [N, 2D]
    # time-decayed sum over per-node feature history window
    w_hist = _decayer_rev(t - hist_time)  # [N, WIN]
    feat_hist = jnp.sum(w_hist[..., None] * hist_feat, axis=1)  # [N, 2D]
    combined_all = jnp.concatenate([feat_hist, combined], axis=-1)  # [N, 4D]
    out = jax.nn.relu(combined_all @ weight.T)  # [N, H]
    return out

if __name__ == "__main__":
    import jax
    _d = setup_inputs()
    print(jax.jit(kernel)(*tuple(_d.values())))

</pallas_src>

<mosaic_0001>
#map = affine_map<(d0, d1) -> (0, 0)>
#map1 = affine_map<(d0, d1) -> (0)>
#map2 = affine_map<(d0, d1) -> (0, 0, 0, 0)>
module attributes {stable_mosaic.version = 14 : i64} {
  func.func @_sc_edge_body(%arg0: i32, %arg1: i32, %arg2: memref<10000x128xf32, #tpu.memory_space<hbm>>, %arg3: memref<10000x128xf32, #tpu.memory_space<hbm>>, %arg4: memref<10000xf32, #tpu.memory_space<hbm>>, %arg5: memref<32x156x2x64xi32, #tpu.memory_space<hbm>>, %arg6: memref<320000xi32, #tpu.memory_space<hbm>>, %arg7: memref<320000xi32, #tpu.memory_space<hbm>>, %arg8: memref<10000x128xf32, #tpu.memory_space<hbm>>, %arg9: memref<20000x128xf32, #tpu.memory_space<hbm>>, %arg10: memref<2x64xi32, #tpu.memory_space<vmem>>, %arg11: memref<2x64xi32, #tpu.memory_space<vmem>>, %arg12: memref<64x128xf32, #tpu.memory_space<vmem>>, %arg13: memref<64x128xf32, #tpu.memory_space<vmem>>, %arg14: memref<64x128xf32, #tpu.memory_space<vmem>>, %arg15: memref<64x128xf32, #tpu.memory_space<vmem>>, %arg16: memref<64xf32, #tpu.memory_space<vmem>>, %arg17: memref<64xf32, #tpu.memory_space<vmem>>, %arg18: memref<64x128xf32, #tpu.memory_space<vmem>>, %arg19: memref<64xi32, #tpu.memory_space<vmem>>, %arg20: memref<16xi32, #tpu.memory_space<vmem>>, %arg21: memref<16xi32, #tpu.memory_space<vmem>>, %arg22: memref<10000x128xf32, #tpu.memory_space<vmem_shared>>, %arg23: memref<!tpu.dma_semaphore, #tpu.memory_space<semaphore_mem>>, %arg24: memref<!tpu.dma_semaphore, #tpu.memory_space<semaphore_mem>>, %arg25: memref<!tpu.dma_semaphore, #tpu.memory_space<semaphore_mem>>) attributes {dimension_semantics = [#tpu.dimension_semantics<core_parallel>, #tpu.dimension_semantics<subcore_parallel>], iteration_bounds = array<i64: 2, 16>, scalar_prefetch = 0 : i64, scratch_operands = 16 : i64, tpu.core_type = #tpu.core_type<sc_vector_subcore>, window_params = [{transform_indices = #map}, {transform_indices = #map}, {transform_indices = #map1}, {transform_indices = #map2}, {transform_indices = #map1}, {transform_indices = #map1}, {transform_indices = #map}, {transform_indices = #map}]} {
    %mul3A = arith.constant 16 : i32
    %mul3A_0 = arith.muli %arg0, %mul3A : i32
    %add3A = arith.addi %mul3A_0, %arg1 : i32
    %mul3A_1 = arith.constant 624 : i32
    %mul3A_2 = arith.muli %arg1, %mul3A_1 : i32
    %multiple_of3A = tpu.assume_multiple %mul3A_2, 8 : i32
    "tpu.region"() ({
      %run_scoped3A_95 = tpu.sem_alloc : memref<!tpu.dma_semaphore, #tpu.memory_space<semaphore_mem>>
      %dma_start3A_96 = arith.constant 0 : i32
      %dma_start3A_97 = tpu.memref_slice %arg22[%multiple_of3A, %dma_start3A_96] : memref<10000x128xf32, #tpu.memory_space<vmem_shared>> -> memref<624x128xf32, #tpu.memory_space<vmem_shared>>
      %dma_start3A_98 = arith.constant 0 : i32
      %dma_start3A_99 = tpu.memref_slice %arg8[%multiple_of3A, %dma_start3A_98] : memref<10000x128xf32, #tpu.memory_space<hbm>> -> memref<624x128xf32, #tpu.memory_space<hbm>>
      tpu.enqueue_dma source(%dma_start3A_99 : memref<624x128xf32, #tpu.memory_space<hbm>>) target(%dma_start3A_97 : memref<624x128xf32, #tpu.memory_space<vmem_shared>>) target_semaphore(%run_scoped3A_95 : memref<!tpu.dma_semaphore, #tpu.memory_space<semaphore_mem>>)
      %dma_wait3A_100 = arith.constant 0 : i32
      %dma_wait3A_101 = tpu.memref_slice %arg22[%multiple_of3A, %dma_wait3A_100] : memref<10000x128xf32, #tpu.memory_space<vmem_shared>> -> memref<624x128xf32, #tpu.memory_space<vmem_shared>>
      %dma_wait3A_102 = arith.constant 0 : i32
      %dma_wait3A_103 = tpu.memref_slice %arg8[%multiple_of3A, %dma_wait3A_102] : memref<10000x128xf32, #tpu.memory_space<hbm>> -> memref<624x128xf32, #tpu.memory_space<hbm>>
      tpu.wait_dma2 semaphore(%run_scoped3A_95 : memref<!tpu.dma_semaphore, #tpu.memory_space<semaphore_mem>>) src(%dma_wait3A_103 : memref<624x128xf32, #tpu.memory_space<hbm>>) dst(%dma_wait3A_101 : memref<624x128xf32, #tpu.memory_space<vmem_shared>>)
      tpu.yield
    }) : () -> ()
    %eq3A = arith.constant 15 : i32
    %eq3A_3 = arith.cmpi eq, %arg1, %eq3A : i32
    %convert_element_type3A = arith.extui %eq3A_3 : i1 to i32
    %cond3A = arith.constant 0 : i32
    %cond3A_4 = arith.cmpi ne, %convert_element_type3A, %cond3A : i32
    scf.if %cond3A_4 {
      "tpu.region"() ({
        %run_scoped3A_95 = tpu.sem_alloc : memref<!tpu.dma_semaphore, #tpu.memory_space<semaphore_mem>>
        %dma_start3A_96 = arith.constant 9984 : i32
        %dma_start3A_97 = arith.constant 0 : i32
        %dma_start3A_98 = tpu.memref_slice %arg22[%dma_start3A_96, %dma_start3A_97] : memref<10000x128xf32, #tpu.memory_space<vmem_shared>> -> memref<16x128xf32, #tpu.memory_space<vmem_shared>>
        %dma_start3A_99 = arith.constant 9984 : i32
        %dma_start3A_100 = arith.constant 0 : i32
        %dma_start3A_101 = tpu.memref_slice %arg8[%dma_start3A_99, %dma_start3A_100] : memref<10000x128xf32, #tpu.memory_space<hbm>> -> memref<16x128xf32, #tpu.memory_space<hbm>>
        tpu.enqueue_dma source(%dma_start3A_101 : memref<16x128xf32, #tpu.memory_space<hbm>>) target(%dma_start3A_98 : memref<16x128xf32, #tpu.memory_space<vmem_shared>>) target_semaphore(%run_scoped3A_95 : memref<!tpu.dma_semaphore, #tpu.memory_space<semaphore_mem>>)
        %dma_wait3A_102 = arith.constant 9984 : i32
        %dma_wait3A_103 = arith.constant 0 : i32
        %dma_wait3A_104 = tpu.memref_slice %arg22[%dma_wait3A_102, %dma_wait3A_103] : memref<10000x128xf32, #tpu.memory_space<vmem_shared>> -> memref<16x128xf32, #tpu.memory_space<vmem_shared>>
        %dma_wait3A_105 = arith.constant 9984 : i32
        %dma_wait3A_106 = arith.constant 0 : i32
        %dma_wait3A_107 = tpu.memref_slice %arg8[%dma_wait3A_105, %dma_wait3A_106] : memref<10000x128xf32, #tpu.memory_space<hbm>> -> memref<16x128xf32, #tpu.memory_space<hbm>>
        tpu.wait_dma2 semaphore(%run_scoped3A_95 : memref<!tpu.dma_semaphore, #tpu.memory_space<semaphore_mem>>) src(%dma_wait3A_107 : memref<16x128xf32, #tpu.memory_space<hbm>>) dst(%dma_wait3A_104 : memref<16x128xf32, #tpu.memory_space<vmem_shared>>)
        tpu.yield
      }) : () -> ()
    } else {
    }
    %barrier3A = arith.constant 0 : index
    tpu.barrier barrier_id(%barrier3A)
    %iota3A = tpu.iota {dimensions = array<i32: 0>} : vector<16xi32>
    %mul3A_5 = arith.constant 1 : i32
    %mul3A_6 = vector.broadcast %mul3A_5 : i32 to vector<16xi32>
    %mul3A_7 = arith.muli %iota3A, %mul3A_6 : vector<16xi32>
    %run_scoped3A = arith.constant 0 : i32
    "tpu.region"() ({
      %run_scoped3A_95 = tpu.sem_alloc : memref<!tpu.dma_semaphore, #tpu.memory_space<semaphore_mem>>
      %dma_start3A_96 = arith.constant 0 : i32
      %dma_start3A_97 = arith.constant 0 : i32
      %dma_start3A_98 = tpu.memref_slice %arg5[%add3A, %run_scoped3A, %dma_start3A_96, %dma_start3A_97] : memref<32x156x2x64xi32, #tpu.memory_space<hbm>> -> memref<1x1x2x64xi32, #tpu.memory_space<hbm>>
      %dma_start3A_99 = tpu.memref_squeeze %dma_start3A_98 : memref<1x1x2x64xi32, #tpu.memory_space<hbm>> -> memref<2x64xi32, #tpu.memory_space<hbm>>
      %dma_start3A_100 = arith.constant 0 : i32
      %dma_start3A_101 = arith.constant 0 : i32
      %dma_start3A_102 = tpu.memref_slice %arg5[%add3A, %run_scoped3A, %dma_start3A_100, %dma_start3A_101] : memref<32x156x2x64xi32, #tpu.memory_space<hbm>> -> memref<1x1x2x64xi32, #tpu.memory_space<hbm>>
      %dma_start3A_103 = tpu.memref_squeeze %dma_start3A_102 : memref<1x1x2x64xi32, #tpu.memory_space<hbm>> -> memref<2x64xi32, #tpu.memory_space<hbm>>
      tpu.enqueue_dma source(%dma_start3A_103 : memref<2x64xi32, #tpu.memory_space<hbm>>) target(%arg10 : memref<2x64xi32, #tpu.memory_space<vmem>>) target_semaphore(%run_scoped3A_95 : memref<!tpu.dma_semaphore, #tpu.memory_space<semaphore_mem>>)
      %dma_wait3A_104 = arith.constant 0 : i32
      %dma_wait3A_105 = arith.constant 0 : i32
      %dma_wait3A_106 = tpu.memref_slice %arg5[%add3A, %run_scoped3A, %dma_wait3A_104, %dma_wait3A_105] : memref<32x156x2x64xi32, #tpu.memory_space<hbm>> -> memref<1x1x2x64xi32, #tpu.memory_space<hbm>>
      %dma_wait3A_107 = tpu.memref_squeeze %dma_wait3A_106 : memref<1x1x2x64xi32, #tpu.memory_space<hbm>> -> memref<2x64xi32, #tpu.memory_space<hbm>>
      %dma_wait3A_108 = arith.constant 0 : i32
      %dma_wait3A_109 = arith.constant 0 : i32
      %dma_wait3A_110 = tpu.memref_slice %arg5[%add3A, %run_scoped3A, %dma_wait3A_108, %dma_wait3A_109] : memref<32x156x2x64xi32, #tpu.memory_space<hbm>> -> memref<1x1x2x64xi32, #tpu.memory_space<hbm>>
      %dma_wait3A_111 = tpu.memref_squeeze %dma_wait3A_110 : memref<1x1x2x64xi32, #tpu.memory_space<hbm>> -> memref<2x64xi32, #tpu.memory_space<hbm>>
      tpu.wait_dma2 semaphore(%run_scoped3A_95 : memref<!tpu.dma_semaphore, #tpu.memory_space<semaphore_mem>>) src(%dma_wait3A_111 : memref<2x64xi32, #tpu.memory_space<hbm>>) dst(%arg10 : memref<2x64xi32, #tpu.memory_space<vmem>>)
      tpu.yield
    }) : () -> ()
    %dma_start3A = arith.constant 0 : i32
    %dma_start3A_8 = arith.constant 0 : i32
    %dma_start3A_9 = tpu.memref_slice %arg10[%dma_start3A, %dma_start3A_8] : memref<2x64xi32, #tpu.memory_space<vmem>> -> memref<1x64xi32, #tpu.memory_space<vmem>>
    %dma_start3A_10 = tpu.memref_squeeze %dma_start3A_9 : memref<1x64xi32, #tpu.memory_space<vmem>> -> memref<64xi32, #tpu.memory_space<vmem>>
    %dma_start3A_11 = arith.constant 0 : i32
    %dma_start3A_12 = arith.constant 0 : i32
    %dma_start3A_13 = tpu.memref_slice %arg2[%dma_start3A_11, %dma_start3A_12] : memref<10000x128xf32, #tpu.memory_space<hbm>> -> memref<10000x128xf32, #tpu.memory_space<hbm>>
    tpu.enqueue_indirect_dma source(%dma_start3A_13 : memref<10000x128xf32, #tpu.memory_space<hbm>>) target(%arg12 : memref<64x128xf32, #tpu.memory_space<vmem>>) offsets(%dma_start3A_10 : memref<64xi32, #tpu.memory_space<vmem>>) semaphore(%arg23 : memref<!tpu.dma_semaphore, #tpu.memory_space<semaphore_mem>>)
    %dma_start3A_14 = arith.constant 1 : i32
    %dma_start3A_15 = arith.constant 0 : i32
    %dma_start3A_16 = tpu.memref_slice %arg10[%dma_start3A_14, %dma_start3A_15] : memref<2x64xi32, #tpu.memory_space<vmem>> -> memref<1x64xi32, #tpu.memory_space<vmem>>
    %dma_start3A_17 = tpu.memref_squeeze %dma_start3A_16 : memref<1x64xi32, #tpu.memory_space<vmem>> -> memref<64xi32, #tpu.memory_space<vmem>>
    %dma_start3A_18 = arith.constant 0 : i32
    %dma_start3A_19 = arith.constant 0 : i32
    %dma_start3A_20 = tpu.memref_slice %arg3[%dma_start3A_18, %dma_start3A_19] : memref<10000x128xf32, #tpu.memory_space<hbm>> -> memref<10000x128xf32, #tpu.memory_space<hbm>>
    tpu.enqueue_indirect_dma source(%dma_start3A_20 : memref<10000x128xf32, #tpu.memory_space<hbm>>) target(%arg13 : memref<64x128xf32, #tpu.memory_space<vmem>>) offsets(%dma_start3A_17 : memref<64xi32, #tpu.memory_space<vmem>>) semaphore(%arg23 : memref<!tpu.dma_semaphore, #tpu.memory_space<semaphore_mem>>)
    %dma_start3A_21 = arith.constant 0 : i32
    %dma_start3A_22 = arith.constant 0 : i32
    %dma_start3A_23 = tpu.memref_slice %arg10[%dma_start3A_21, %dma_start3A_22] : memref<2x64xi32, #tpu.memory_space<vmem>> -> memref<1x64xi32, #tpu.memory_space<vmem>>
    %dma_start3A_24 = tpu.memref_squeeze %dma_start3A_23 : memref<1x64xi32, #tpu.memory_space<vmem>> -> memref<64xi32, #tpu.memory_space<vmem>>
    %dma_start3A_25 = arith.constant 0 : i32
    %dma_start3A_26 = tpu.memref_slice %arg4[%dma_start3A_25] : memref<10000xf32, #tpu.memory_space<hbm>> -> memref<10000xf32, #tpu.memory_space<hbm>>
    tpu.enqueue_indirect_dma source(%dma_start3A_26 : memref<10000xf32, #tpu.memory_space<hbm>>) target(%arg16 : memref<64xf32, #tpu.memory_space<vmem>>) offsets(%dma_start3A_24 : memref<64xi32, #tpu.memory_space<vmem>>) semaphore(%arg23 : memref<!tpu.dma_semaphore, #tpu.memory_space<semaphore_mem>>)
    %scan3A = arith.constant 0 : i32
    %scan3A_27 = arith.constant 78 : i32
    %scan3A_28 = arith.addi %scan3A, %scan3A_27 : i32
    %scan3A_29 = arith.constant 1 : i32
    scf.for %scan3A_95 = %scan3A to %scan3A_28 step %scan3A_29  : i32 {
      %mul3A_96 = arith.constant 2 : i32
      %mul3A_97 = arith.muli %scan3A_95, %mul3A_96 : i32
      %add3A_98 = arith.constant 0 : i32
      %add3A_99 = arith.addi %add3A_98, %mul3A_97 : i32
      %add3A_100 = arith.constant 1 : i32
      %add3A_101 = arith.addi %add3A_99, %add3A_100 : i32
      "tpu.region"() ({
        %run_scoped3A_429 = tpu.sem_alloc : memref<!tpu.dma_semaphore, #tpu.memory_space<semaphore_mem>>
        %dma_start3A_430 = arith.constant 0 : i32
        %dma_start3A_431 = arith.constant 0 : i32
        %dma_start3A_432 = tpu.memref_slice %arg5[%add3A, %add3A_101, %dma_start3A_430, %dma_start3A_431] : memref<32x156x2x64xi32, #tpu.memory_space<hbm>> -> memref<1x1x2x64xi32, #tpu.memory_space<hbm>>
        %dma_start3A_433 = tpu.memref_squeeze %dma_start3A_432 : memref<1x1x2x64xi32, #tpu.memory_space<hbm>> -> memref<2x64xi32, #tpu.memory_space<hbm>>
        %dma_start3A_434 = arith.constant 0 : i32
        %dma_start3A_435 = arith.constant 0 : i32
        %dma_start3A_436 = tpu.memref_slice %arg5[%add3A, %add3A_101, %dma_start3A_434, %dma_start3A_435] : memref<32x156x2x64xi32, #tpu.memory_space<hbm>> -> memref<1x1x2x64xi32, #tpu.memory_space<hbm>>
        %dma_start3A_437 = tpu.memref_squeeze %dma_start3A_436 : memref<1x1x2x64xi32, #tpu.memory_space<hbm>> -> memref<2x64xi32, #tpu.memory_space<hbm>>
        tpu.enqueue_dma source(%dma_start3A_437 : memref<2x64xi32, #tpu.memory_space<hbm>>) target(%arg11 : memref<2x64xi32, #tpu.memory_space<vmem>>) target_semaphore(%run_scoped3A_429 : memref<!tpu.dma_semaphore, #tpu.memory_space<semaphore_mem>>)
        %dma_wait3A_438 = arith.constant 0 : i32
        %dma_wait3A_439 = arith.constant 0 : i32
        %dma_wait3A_440 = tpu.memref_slice %arg5[%add3A, %add3A_101, %dma_wait3A_438, %dma_wait3A_439] : memref<32x156x2x64xi32, #tpu.memory_space<hbm>> -> memref<1x1x2x64xi32, #tpu.memory_space<hbm>>
        %dma_wait3A_441 = tpu.memref_squeeze %dma_wait3A_440 : memref<1x1x2x64xi32, #tpu.memory_space<hbm>> -> memref<2x64xi32, #tpu.memory_space<hbm>>
        %dma_wait3A_442 = arith.constant 0 : i32
        %dma_wait3A_443 = arith.constant 0 : i32
        %dma_wait3A_444 = tpu.memref_slice %arg5[%add3A, %add3A_101, %dma_wait3A_442, %dma_wait3A_443] : memref<32x156x2x64xi32, #tpu.memory_space<hbm>> -> memref<1x1x2x64xi32, #tpu.memory_space<hbm>>
        %dma_wait3A_445 = tpu.memref_squeeze %dma_wait3A_444 : memref<1x1x2x64xi32, #tpu.memory_space<hbm>> -> memref<2x64xi32, #tpu.memory_space<hbm>>
        tpu.wait_dma2 semaphore(%run_scoped3A_429 : memref<!tpu.dma_semaphore, #tpu.memory_space<semaphore_mem>>) src(%dma_wait3A_445 : memref<2x64xi32, #tpu.memory_space<hbm>>) dst(%arg11 : memref<2x64xi32, #tpu.memory_space<vmem>>)
        tpu.yield
      }) : () -> ()
      %dma_start3A_102 = arith.constant 0 : i32
      %dma_start3A_103 = arith.constant 0 : i32
      %dma_start3A_104 = tpu.memref_slice %arg11[%dma_start3A_102, %dma_start3A_103] : memref<2x64xi32, #tpu.memory_space<vmem>> -> memref<1x64xi32, #tpu.memory_space<vmem>>
      %dma_start3A_105 = tpu.memref_squeeze %dma_start3A_104 : memref<1x64xi32, #tpu.memory_space<vmem>> -> memref<64xi32, #tpu.memory_space<vmem>>
      %dma_start3A_106 = arith.constant 0 : i32
      %dma_start3A_107 = arith.constant 0 : i32
      %dma_start3A_108 = tpu.memref_slice %arg2[%dma_start3A_106, %dma_start3A_107] : memref<10000x128xf32, #tpu.memory_space<hbm>> -> memref<10000x128xf32, #tpu.memory_space<hbm>>
      tpu.enqueue_indirect_dma source(%dma_start3A_108 : memref<10000x128xf32, #tpu.memory_space<hbm>>) target(%arg14 : memref<64x128xf32, #tpu.memory_space<vmem>>) offsets(%dma_start3A_105 : memref<64xi32, #tpu.memory_space<vmem>>) semaphore(%arg24 : memref<!tpu.dma_semaphore, #tpu.memory_space<semaphore_mem>>)
      %dma_start3A_109 = arith.constant 1 : i32
      %dma_start3A_110 = arith.constant 0 : i32
      %dma_start3A_111 = tpu.memref_slice %arg11[%dma_start3A_109, %dma_start3A_110] : memref<2x64xi32, #tpu.memory_space<vmem>> -> memref<1x64xi32, #tpu.memory_space<vmem>>
      %dma_start3A_112 = tpu.memref_squeeze %dma_start3A_111 : memref<1x64xi32, #tpu.memory_space<vmem>> -> memref<64xi32, #tpu.memory_space<vmem>>
      %dma_start3A_113 = arith.constant 0 : i32
      %dma_start3A_114 = arith.constant 0 : i32
      %dma_start3A_115 = tpu.memref_slice %arg3[%dma_start3A_113, %dma_start3A_114] : memref<10000x128xf32, #tpu.memory_space<hbm>> -> memref<10000x128xf32, #tpu.memory_space<hbm>>
      tpu.enqueue_indirect_dma source(%dma_start3A_115 : memref<10000x128xf32, #tpu.memory_space<hbm>>) target(%arg15 : memref<64x128xf32, #tpu.memory_space<vmem>>) offsets(%dma_start3A_112 : memref<64xi32, #tpu.memory_space<vmem>>) semaphore(%arg24 : memref<!tpu.dma_semaphore, #tpu.memory_space<semaphore_mem>>)
      %dma_start3A_116 = arith.constant 0 : i32
      %dma_start3A_117 = arith.constant 0 : i32
      %dma_start3A_118 = tpu.memref_slice %arg11[%dma_start3A_116, %dma_start3A_117] : memref<2x64xi32, #tpu.memory_space<vmem>> -> memref<1x64xi32, #tpu.memory_space<vmem>>
      %dma_start3A_119 = tpu.memref_squeeze %dma_start3A_118 : memref<1x64xi32, #tpu.memory_space<vmem>> -> memref<64xi32, #tpu.memory_space<vmem>>
      %dma_start3A_120 = arith.constant 0 : i32
      %dma_start3A_121 = tpu.memref_slice %arg4[%dma_start3A_120] : memref<10000xf32, #tpu.memory_space<hbm>> -> memref<10000xf32, #tpu.memory_space<hbm>>
      tpu.enqueue_indirect_dma source(%dma_start3A_121 : memref<10000xf32, #tpu.memory_space<hbm>>) target(%arg17 : memref<64xf32, #tpu.memory_space<vmem>>) offsets(%dma_start3A_119 : memref<64xi32, #tpu.memory_space<vmem>>) semaphore(%arg24 : memref<!tpu.dma_semaphore, #tpu.memory_space<semaphore_mem>>)
      %dma_wait3A_122 = arith.constant 0 : i32
      %dma_wait3A_123 = arith.constant 0 : i32
      %dma_wait3A_124 = tpu.memref_slice %arg10[%dma_wait3A_122, %dma_wait3A_123] : memref<2x64xi32, #tpu.memory_space<vmem>> -> memref<1x64xi32, #tpu.memory_space<vmem>>
      %dma_wait3A_125 = tpu.memref_squeeze %dma_wait3A_124 : memref<1x64xi32, #tpu.memory_space<vmem>> -> memref<64xi32, #tpu.memory_space<vmem>>
      %dma_wait3A_126 = arith.constant 0 : i32
      %dma_wait3A_127 = arith.constant 0 : i32
      %dma_wait3A_128 = tpu.memref_slice %arg2[%dma_wait3A_126, %dma_wait3A_127] : memref<10000x128xf32, #tpu.memory_space<hbm>> -> memref<10000x128xf32, #tpu.memory_space<hbm>>
      tpu.wait_indirect_dma semaphore(%arg23 : memref<!tpu.dma_semaphore, #tpu.memory_space<semaphore_mem>>) src(%dma_wait3A_128 : memref<10000x128xf32, #tpu.memory_space<hbm>>) dst(%arg12 : memref<64x128xf32, #tpu.memory_space<vmem>>)
      %dma_wait3A_129 = arith.constant 1 : i32
      %dma_wait3A_130 = arith.constant 0 : i32
      %dma_wait3A_131 = tpu.memref_slice %arg10[%dma_wait3A_129, %dma_wait3A_130] : memref<2x64xi32, #tpu.memory_space<vmem>> -> memref<1x64xi32, #tpu.memory_space<vmem>>
      %dma_wait3A_132 = tpu.memref_squeeze %dma_wait3A_131 : memref<1x64xi32, #tpu.memory_space<vmem>> -> memref<64xi32, #tpu.memory_space<vmem>>
      %dma_wait3A_133 = arith.constant 0 : i32
      %dma_wait3A_134 = arith.constant 0 : i32
      %dma_wait3A_135 = tpu.memref_slice %arg3[%dma_wait3A_133, %dma_wait3A_134] : memref<10000x128xf32, #tpu.memory_space<hbm>> -> memref<10000x128xf32, #tpu.memory_space<hbm>>
      tpu.wait_indirect_dma semaphore(%arg23 : memref<!tpu.dma_semaphore, #tpu.memory_space<semaphore_mem>>) src(%dma_wait3A_135 : memref<10000x128xf32, #tpu.memory_space<hbm>>) dst(%arg13 : memref<64x128xf32, #tpu.memory_space<vmem>>)
      %dma_wait3A_136 = arith.constant 0 : i32
      %dma_wait3A_137 = arith.constant 0 : i32
      %dma_wait3A_138 = tpu.memref_slice %arg10[%dma_wait3A_136, %dma_wait3A_137] : memref<2x64xi32, #tpu.memory_space<vmem>> -> memref<1x64xi32, #tpu.memory_space<vmem>>
      %dma_wait3A_139 = tpu.memref_squeeze %dma_wait3A_138 : memref<1x64xi32, #tpu.memory_space<vmem>> -> memref<64xi32, #tpu.memory_space<vmem>>
      %dma_wait3A_140 = arith.constant 0 : i32
      %dma_wait3A_141 = tpu.memref_slice %arg4[%dma_wait3A_140] : memref<10000xf32, #tpu.memory_space<hbm>> -> memref<10000xf32, #tpu.memory_space<hbm>>
      tpu.wait_indirect_dma semaphore(%arg23 : memref<!tpu.dma_semaphore, #tpu.memory_space<semaphore_mem>>) src(%dma_wait3A_141 : memref<10000xf32, #tpu.memory_space<hbm>>) dst(%arg16 : memref<64xf32, #tpu.memory_space<vmem>>)
      %add3A_142 = arith.constant 0 : i32
      %add3A_143 = vector.broadcast %add3A_142 : i32 to vector<16xi32>
      %add3A_144 = arith.addi %iota3A, %add3A_143 : vector<16xi32>
      %broadcast_in_dim3A_145 = arith.constant 0.000000e+00 : f32
      %broadcast_in_dim3A_146 = vector.broadcast %broadcast_in_dim3A_145 : f32 to vector<16xf32>
      %parallel_loop3A_147 = arith.constant 0 : i32
      %parallel_loop3A_148 = arith.constant 128 : i32
      %parallel_loop3A_149 = arith.constant 1 : i32
      %parallel_loop3A_150 = scf.for %parallel_loop3A_429 = %parallel_loop3A_147 to %parallel_loop3A_148 step %parallel_loop3A_149 iter_args(%parallel_loop3A_430 = %broadcast_in_dim3A_146) -> (vector<16xf32>)  : i32 {
        %parallel_loop3A_431 = vector.broadcast %parallel_loop3A_429 : i32 to vector<16xi32>
        %parallel_loop3A_432 = arith.addi %mul3A_7, %parallel_loop3A_431 : vector<16xi32>
        %parallel_loop3A_433 = arith.constant 127 : i32
        %parallel_loop3A_434 = vector.broadcast %parallel_loop3A_433 : i32 to vector<16xi32>
        %parallel_loop3A_435 = arith.andi %parallel_loop3A_432, %parallel_loop3A_434 : vector<16xi32>
        %parallel_loop3A_436 = tpu.vector_load_idx %arg12[%add3A_144, %parallel_loop3A_435] : memref<64x128xf32, #tpu.memory_space<vmem>>[vector<16xi32>, vector<16xi32>], vector<16xf32>,
        %parallel_loop3A_437 = tpu.vector_load_idx %arg13[%add3A_144, %parallel_loop3A_435] : memref<64x128xf32, #tpu.memory_space<vmem>>[vector<16xi32>, vector<16xi32>], vector<16xf32>,
        %parallel_loop3A_438 = arith.mulf %parallel_loop3A_436, %parallel_loop3A_437 : vector<16xf32>
        %parallel_loop3A_439 = arith.addf %parallel_loop3A_430, %parallel_loop3A_438 : vector<16xf32>
        scf.yield %parallel_loop3A_439 : vector<16xf32>
      } {sc.loop_unroll_factor = 8 : i64, sc.parallel_access}
      %get3A_151 = arith.constant 0 : index
      %get3A_152 = tpu.vector_load %arg16[%get3A_151] {strides = array<i32>} : memref<64xf32, #tpu.memory_space<vmem>>, vector<16xf32>,
      %add3A_153 = arith.addf %get3A_152, %parallel_loop3A_150 : vector<16xf32>
      %gt3A_154 = arith.constant 0.000000e+00 : f32
      %gt3A_155 = vector.broadcast %gt3A_154 : f32 to vector<16xf32>
      %gt3A_156 = arith.cmpf ogt, %add3A_153, %gt3A_155 : vector<16xf32>
      %mul3A_157 = arith.constant 0.00999999977 : f32
      %mul3A_158 = vector.broadcast %mul3A_157 : f32 to vector<16xf32>
      %mul3A_159 = arith.mulf %mul3A_158, %add3A_153 : vector<16xf32>
      %select_n3A_160 = arith.select %gt3A_156, %add3A_153, %mul3A_159 : vector<16xi1>, vector<16xf32>
      %add3A_161 = arith.constant 16 : i32
      %add3A_162 = vector.broadcast %add3A_161 : i32 to vector<16xi32>
      %add3A_163 = arith.addi %iota3A, %add3A_162 : vector<16xi32>
      %broadcast_in_dim3A_164 = arith.constant 0.000000e+00 : f32
      %broadcast_in_dim3A_165 = vector.broadcast %broadcast_in_dim3A_164 : f32 to vector<16xf32>
      %parallel_loop3A_166 = arith.constant 0 : i32
      %parallel_loop3A_167 = arith.constant 128 : i32
      %parallel_loop3A_168 = arith.constant 1 : i32
      %parallel_loop3A_169 = scf.for %parallel_loop3A_429 = %parallel_loop3A_166 to %parallel_loop3A_167 step %parallel_loop3A_168 iter_args(%parallel_loop3A_430 = %broadcast_in_dim3A_165) -> (vector<16xf32>)  : i32 {
        %parallel_loop3A_431 = vector.broadcast %parallel_loop3A_429 : i32 to vector<16xi32>
        %parallel_loop3A_432 = arith.addi %mul3A_7, %parallel_loop3A_431 : vector<16xi32>
        %parallel_loop3A_433 = arith.constant 127 : i32
        %parallel_loop3A_434 = vector.broadcast %parallel_loop3A_433 : i32 to vector<16xi32>
        %parallel_loop3A_435 = arith.andi %parallel_loop3A_432, %parallel_loop3A_434 : vector<16xi32>
        %parallel_loop3A_436 = tpu.vector_load_idx %arg12[%add3A_163, %parallel_loop3A_435] : memref<64x128xf32, #tpu.memory_space<vmem>>[vector<16xi32>, vector<16xi32>], vector<16xf32>,
        %parallel_loop3A_437 = tpu.vector_load_idx %arg13[%add3A_163, %parallel_loop3A_435] : memref<64x128xf32, #tpu.memory_space<vmem>>[vector<16xi32>, vector<16xi32>], vector<16xf32>,
        %parallel_loop3A_438 = arith.mulf %parallel_loop3A_436, %parallel_loop3A_437 : vector<16xf32>
        %parallel_loop3A_439 = arith.addf %parallel_loop3A_430, %parallel_loop3A_438 : vector<16xf32>
        scf.yield %parallel_loop3A_439 : vector<16xf32>
      } {sc.loop_unroll_factor = 8 : i64, sc.parallel_access}
      %get3A_170 = arith.constant 16 : index
      %get3A_171 = tpu.vector_load %arg16[%get3A_170] {strides = array<i32>} : memref<64xf32, #tpu.memory_space<vmem>>, vector<16xf32>,
      %add3A_172 = arith.addf %get3A_171, %parallel_loop3A_169 : vector<16xf32>
      %gt3A_173 = arith.constant 0.000000e+00 : f32
      %gt3A_174 = vector.broadcast %gt3A_173 : f32 to vector<16xf32>
      %gt3A_175 = arith.cmpf ogt, %add3A_172, %gt3A_174 : vector<16xf32>
      %mul3A_176 = arith.constant 0.00999999977 : f32
      %mul3A_177 = vector.broadcast %mul3A_176 : f32 to vector<16xf32>
      %mul3A_178 = arith.mulf %mul3A_177, %add3A_172 : vector<16xf32>
      %select_n3A_179 = arith.select %gt3A_175, %add3A_172, %mul3A_178 : vector<16xi1>, vector<16xf32>
      %add3A_180 = arith.constant 32 : i32
      %add3A_181 = vector.broadcast %add3A_180 : i32 to vector<16xi32>
      %add3A_182 = arith.addi %iota3A, %add3A_181 : vector<16xi32>
      %broadcast_in_dim3A_183 = arith.constant 0.000000e+00 : f32
      %broadcast_in_dim3A_184 = vector.broadcast %broadcast_in_dim3A_183 : f32 to vector<16xf32>
      %parallel_loop3A_185 = arith.constant 0 : i32
      %parallel_loop3A_186 = arith.constant 128 : i32
      %parallel_loop3A_187 = arith.constant 1 : i32
      %parallel_loop3A_188 = scf.for %parallel_loop3A_429 = %parallel_loop3A_185 to %parallel_loop3A_186 step %parallel_loop3A_187 iter_args(%parallel_loop3A_430 = %broadcast_in_dim3A_184) -> (vector<16xf32>)  : i32 {
        %parallel_loop3A_431 = vector.broadcast %parallel_loop3A_429 : i32 to vector<16xi32>
        %parallel_loop3A_432 = arith.addi %mul3A_7, %parallel_loop3A_431 : vector<16xi32>
        %parallel_loop3A_433 = arith.constant 127 : i32
        %parallel_loop3A_434 = vector.broadcast %parallel_loop3A_433 : i32 to vector<16xi32>
        %parallel_loop3A_435 = arith.andi %parallel_loop3A_432, %parallel_loop3A_434 : vector<16xi32>
        %parallel_loop3A_436 = tpu.vector_load_idx %arg12[%add3A_182, %parallel_loop3A_435] : memref<64x128xf32, #tpu.memory_space<vmem>>[vector<16xi32>, vector<16xi32>], vector<16xf32>,
        %parallel_loop3A_437 = tpu.vector_load_idx %arg13[%add3A_182, %parallel_loop3A_435] : memref<64x128xf32, #tpu.memory_space<vmem>>[vector<16xi32>, vector<16xi32>], vector<16xf32>,
        %parallel_loop3A_438 = arith.mulf %parallel_loop3A_436, %parallel_loop3A_437 : vector<16xf32>
        %parallel_loop3A_439 = arith.addf %parallel_loop3A_430, %parallel_loop3A_438 : vector<16xf32>
        scf.yield %parallel_loop3A_439 : vector<16xf32>
      } {sc.loop_unroll_factor = 8 : i64, sc.parallel_access}
      %get3A_189 = arith.constant 32 : index
      %get3A_190 = tpu.vector_load %arg16[%get3A_189] {strides = array<i32>} : memref<64xf32, #tpu.memory_space<vmem>>, vector<16xf32>,
      %add3A_191 = arith.addf %get3A_190, %parallel_loop3A_188 : vector<16xf32>
      %gt3A_192 = arith.constant 0.000000e+00 : f32
      %gt3A_193 = vector.broadcast %gt3A_192 : f32 to vector<16xf32>
      %gt3A_194 = arith.cmpf ogt, %add3A_191, %gt3A_193 : vector<16xf32>
      %mul3A_195 = arith.constant 0.00999999977 : f32
      %mul3A_196 = vector.broadcast %mul3A_195 : f32 to vector<16xf32>
      %mul3A_197 = arith.mulf %mul3A_196, %add3A_191 : vector<16xf32>
      %select_n3A_198 = arith.select %gt3A_194, %add3A_191, %mul3A_197 : vector<16xi1>, vector<16xf32>
      %add3A_199 = arith.constant 48 : i32
      %add3A_200 = vector.broadcast %add3A_199 : i32 to vector<16xi32>
      %add3A_201 = arith.addi %iota3A, %add3A_200 : vector<16xi32>
      %broadcast_in_dim3A_202 = arith.constant 0.000000e+00 : f32
      %broadcast_in_dim3A_203 = vector.broadcast %broadcast_in_dim3A_202 : f32 to vector<16xf32>
      %parallel_loop3A_204 = arith.constant 0 : i32
      %parallel_loop3A_205 = arith.constant 128 : i32
      %parallel_loop3A_206 = arith.constant 1 : i32
      %parallel_loop3A_207 = scf.for %parallel_loop3A_429 = %parallel_loop3A_204 to %parallel_loop3A_205 step %parallel_loop3A_206 iter_args(%parallel_loop3A_430 = %broadcast_in_dim3A_203) -> (vector<16xf32>)  : i32 {
        %parallel_loop3A_431 = vector.broadcast %parallel_loop3A_429 : i32 to vector<16xi32>
        %parallel_loop3A_432 = arith.addi %mul3A_7, %parallel_loop3A_431 : vector<16xi32>
        %parallel_loop3A_433 = arith.constant 127 : i32
        %parallel_loop3A_434 = vector.broadcast %parallel_loop3A_433 : i32 to vector<16xi32>
        %parallel_loop3A_435 = arith.andi %parallel_loop3A_432, %parallel_loop3A_434 : vector<16xi32>
        %parallel_loop3A_436 = tpu.vector_load_idx %arg12[%add3A_201, %parallel_loop3A_435] : memref<64x128xf32, #tpu.memory_space<vmem>>[vector<16xi32>, vector<16xi32>], vector<16xf32>,
        %parallel_loop3A_437 = tpu.vector_load_idx %arg13[%add3A_201, %parallel_loop3A_435] : memref<64x128xf32, #tpu.memory_space<vmem>>[vector<16xi32>, vector<16xi32>], vector<16xf32>,
        %parallel_loop3A_438 = arith.mulf %parallel_loop3A_436, %parallel_loop3A_437 : vector<16xf32>
        %parallel_loop3A_439 = arith.addf %parallel_loop3A_430, %parallel_loop3A_438 : vector<16xf32>
        scf.yield %parallel_loop3A_439 : vector<16xf32>
      } {sc.loop_unroll_factor = 8 : i64, sc.parallel_access}
      %get3A_208 = arith.constant 48 : index
      %get3A_209 = tpu.vector_load %arg16[%get3A_208] {strides = array<i32>} : memref<64xf32, #tpu.memory_space<vmem>>, vector<16xf32>,
      %add3A_210 = arith.addf %get3A_209, %parallel_loop3A_207 : vector<16xf32>
      %gt3A_211 = arith.constant 0.000000e+00 : f32
      %gt3A_212 = vector.broadcast %gt3A_211 : f32 to vector<16xf32>
      %gt3A_213 = arith.cmpf ogt, %add3A_210, %gt3A_212 : vector<16xf32>
      %mul3A_214 = arith.constant 0.00999999977 : f32
      %mul3A_215 = vector.broadcast %mul3A_214 : f32 to vector<16xf32>
      %mul3A_216 = arith.mulf %mul3A_215, %add3A_210 : vector<16xf32>
      %select_n3A_217 = arith.select %gt3A_213, %add3A_210, %mul3A_216 : vector<16xi1>, vector<16xf32>
      %gt3A_218 = arith.constant 0 : i32
      %gt3A_219 = arith.cmpi sgt, %add3A_99, %gt3A_218 : i32
      %convert_element_type3A_220 = arith.extui %gt3A_219 : i1 to i32
      %cond3A_221 = arith.constant 0 : i32
      %cond3A_222 = arith.cmpi ne, %convert_element_type3A_220, %cond3A_221 : i32
      scf.if %cond3A_222 {
        %dma_wait3A_429 = arith.constant 0 : i32
        %dma_wait3A_430 = arith.constant 0 : i32
        %dma_wait3A_431 = tpu.memref_slice %arg22[%dma_wait3A_429, %dma_wait3A_430] : memref<10000x128xf32, #tpu.memory_space<vmem_shared>> -> memref<10000x128xf32, #tpu.memory_space<vmem_shared>>
        tpu.wait_indirect_dma semaphore(%arg25 : memref<!tpu.dma_semaphore, #tpu.memory_space<semaphore_mem>>) src(%arg18 : memref<64x128xf32, #tpu.memory_space<vmem>>) dst(%dma_wait3A_431 : memref<10000x128xf32, #tpu.memory_space<vmem_shared>>)
      } else {
      }
      %add3A_223 = arith.constant 0 : i32
      %add3A_224 = vector.broadcast %add3A_223 : i32 to vector<16xi32>
      %add3A_225 = arith.addi %iota3A, %add3A_224 : vector<16xi32>
      %get3A_226 = arith.constant 1 : i32
      %get3A_227 = arith.index_cast %get3A_226 : i32 to index
      %get3A_228 = arith.constant 0 : index
      %get3A_229 = tpu.vector_load %arg10[%get3A_227, %get3A_228] {strides = array<i32>} : memref<2x64xi32, #tpu.memory_space<vmem>>, vector<16xi32>,
      %swap3A = arith.constant 0 : index
      %swap3A_230 = tpu.vector_load %arg19[%swap3A] {strides = array<i32>} : memref<64xi32, #tpu.memory_space<vmem>>, vector<16xi32>,
      tpu.vector_store %arg19[%swap3A], %get3A_229 {strides = array<i32>} : memref<64xi32, #tpu.memory_space<vmem>>, vector<16xi32>,
      %parallel_loop3A_231 = arith.constant 0 : i32
      %parallel_loop3A_232 = arith.constant 128 : i32
      %parallel_loop3A_233 = arith.constant 1 : i32
      scf.for %parallel_loop3A_429 = %parallel_loop3A_231 to %parallel_loop3A_232 step %parallel_loop3A_233  : i32 {
        %parallel_loop3A_430 = vector.broadcast %parallel_loop3A_429 : i32 to vector<16xi32>
        %parallel_loop3A_431 = arith.addi %mul3A_7, %parallel_loop3A_430 : vector<16xi32>
        %parallel_loop3A_432 = arith.constant 127 : i32
        %parallel_loop3A_433 = vector.broadcast %parallel_loop3A_432 : i32 to vector<16xi32>
        %parallel_loop3A_434 = arith.andi %parallel_loop3A_431, %parallel_loop3A_433 : vector<16xi32>
        %parallel_loop3A_435 = tpu.vector_load_idx %arg12[%add3A_225, %parallel_loop3A_434] : memref<64x128xf32, #tpu.memory_space<vmem>>[vector<16xi32>, vector<16xi32>], vector<16xf32>,
        %parallel_loop3A_436 = arith.mulf %parallel_loop3A_435, %select_n3A_160 : vector<16xf32>
        tpu.vector_store_idx %arg18[%add3A_225, %parallel_loop3A_434], %parallel_loop3A_436 : memref<64x128xf32, #tpu.memory_space<vmem>>[vector<16xi32>, vector<16xi32>], vector<16xf32>,
      } {sc.loop_unroll_factor = 8 : i64, sc.parallel_access}
      %add3A_234 = arith.constant 16 : i32
      %add3A_235 = vector.broadcast %add3A_234 : i32 to vector<16xi32>
      %add3A_236 = arith.addi %iota3A, %add3A_235 : vector<16xi32>
      %get3A_237 = arith.constant 1 : i32
      %get3A_238 = arith.index_cast %get3A_237 : i32 to index
      %get3A_239 = arith.constant 16 : index
      %get3A_240 = tpu.vector_load %arg10[%get3A_238, %get3A_239] {strides = array<i32>} : memref<2x64xi32, #tpu.memory_space<vmem>>, vector<16xi32>,
      %swap3A_241 = arith.constant 16 : index
      %swap3A_242 = tpu.vector_load %arg19[%swap3A_241] {strides = array<i32>} : memref<64xi32, #tpu.memory_space<vmem>>, vector<16xi32>,
      tpu.vector_store %arg19[%swap3A_241], %get3A_240 {strides = array<i32>} : memref<64xi32, #tpu.memory_space<vmem>>, vector<16xi32>,
      %parallel_loop3A_243 = arith.constant 0 : i32
      %parallel_loop3A_244 = arith.constant 128 : i32
      %parallel_loop3A_245 = arith.constant 1 : i32
      scf.for %parallel_loop3A_429 = %parallel_loop3A_243 to %parallel_loop3A_244 step %parallel_loop3A_245  : i32 {
        %parallel_loop3A_430 = vector.broadcast %parallel_loop3A_429 : i32 to vector<16xi32>
        %parallel_loop3A_431 = arith.addi %mul3A_7, %parallel_loop3A_430 : vector<16xi32>
        %parallel_loop3A_432 = arith.constant 127 : i32
        %parallel_loop3A_433 = vector.broadcast %parallel_loop3A_432 : i32 to vector<16xi32>
        %parallel_loop3A_434 = arith.andi %parallel_loop3A_431, %parallel_loop3A_433 : vector<16xi32>
        %parallel_loop3A_435 = tpu.vector_load_idx %arg12[%add3A_236, %parallel_loop3A_434] : memref<64x128xf32, #tpu.memory_space<vmem>>[vector<16xi32>, vector<16xi32>], vector<16xf32>,
        %parallel_loop3A_436 = arith.mulf %parallel_loop3A_435, %select_n3A_179 : vector<16xf32>
        tpu.vector_store_idx %arg18[%add3A_236, %parallel_loop3A_434], %parallel_loop3A_436 : memref<64x128xf32, #tpu.memory_space<vmem>>[vector<16xi32>, vector<16xi32>], vector<16xf32>,
      } {sc.loop_unroll_factor = 8 : i64, sc.parallel_access}
      %add3A_246 = arith.constant 32 : i32
      %add3A_247 = vector.broadcast %add3A_246 : i32 to vector<16xi32>
      %add3A_248 = arith.addi %iota3A, %add3A_247 : vector<16xi32>
      %get3A_249 = arith.constant 1 : i32
      %get3A_250 = arith.index_cast %get3A_249 : i32 to index
      %get3A_251 = arith.constant 32 : index
      %get3A_252 = tpu.vector_load %arg10[%get3A_250, %get3A_251] {strides = array<i32>} : memref<2x64xi32, #tpu.memory_space<vmem>>, vector<16xi32>,
      %swap3A_253 = arith.constant 32 : index
      %swap3A_254 = tpu.vector_load %arg19[%swap3A_253] {strides = array<i32>} : memref<64xi32, #tpu.memory_space<vmem>>, vector<16xi32>,
      tpu.vector_store %arg19[%swap3A_253], %get3A_252 {strides = array<i32>} : memref<64xi32, #tpu.memory_space<vmem>>, vector<16xi32>,
      %parallel_loop3A_255 = arith.constant 0 : i32
      %parallel_loop3A_256 = arith.constant 128 : i32
      %parallel_loop3A_257 = arith.constant 1 : i32
      scf.for %parallel_loop3A_429 = %parallel_loop3A_255 to %parallel_loop3A_256 step %parallel_loop3A_257  : i32 {
        %parallel_loop3A_430 = vector.broadcast %parallel_loop3A_429 : i32 to vector<16xi32>
        %parallel_loop3A_431 = arith.addi %mul3A_7, %parallel_loop3A_430 : vector<16xi32>
        %parallel_loop3A_432 = arith.constant 127 : i32
        %parallel_loop3A_433 = vector.broadcast %parallel_loop3A_432 : i32 to vector<16xi32>
        %parallel_loop3A_434 = arith.andi %parallel_loop3A_431, %parallel_loop3A_433 : vector<16xi32>
        %parallel_loop3A_435 = tpu.vector_load_idx %arg12[%add3A_248, %parallel_loop3A_434] : memref<64x128xf32, #tpu.memory_space<vmem>>[vector<16xi32>, vector<16xi32>], vector<16xf32>,
        %parallel_loop3A_436 = arith.mulf %parallel_loop3A_435, %select_n3A_198 : vector<16xf32>
        tpu.vector_store_idx %arg18[%add3A_248, %parallel_loop3A_434], %parallel_loop3A_436 : memref<64x128xf32, #tpu.memory_space<vmem>>[vector<16xi32>, vector<16xi32>], vector<16xf32>,
      } {sc.loop_unroll_factor = 8 : i64, sc.parallel_access}
      %add3A_258 = arith.constant 48 : i32
      %add3A_259 = vector.broadcast %add3A_258 : i32 to vector<16xi32>
      %add3A_260 = arith.addi %iota3A, %add3A_259 : vector<16xi32>
      %get3A_261 = arith.constant 1 : i32
      %get3A_262 = arith.index_cast %get3A_261 : i32 to index
      %get3A_263 = arith.constant 48 : index
      %get3A_264 = tpu.vector_load %arg10[%get3A_262, %get3A_263] {strides = array<i32>} : memref<2x64xi32, #tpu.memory_space<vmem>>, vector<16xi32>,
      %swap3A_265 = arith.constant 48 : index
      %swap3A_266 = tpu.vector_load %arg19[%swap3A_265] {strides = array<i32>} : memref<64xi32, #tpu.memory_space<vmem>>, vector<16xi32>,
      tpu.vector_store %arg19[%swap3A_265], %get3A_264 {strides = array<i32>} : memref<64xi32, #tpu.memory_space<vmem>>, vector<16xi32>,
      %parallel_loop3A_267 = arith.constant 0 : i32
      %parallel_loop3A_268 = arith.constant 128 : i32
      %parallel_loop3A_269 = arith.constant 1 : i32
      scf.for %parallel_loop3A_429 = %parallel_loop3A_267 to %parallel_loop3A_268 step %parallel_loop3A_269  : i32 {
        %parallel_loop3A_430 = vector.broadcast %parallel_loop3A_429 : i32 to vector<16xi32>
        %parallel_loop3A_431 = arith.addi %mul3A_7, %parallel_loop3A_430 : vector<16xi32>
        %parallel_loop3A_432 = arith.constant 127 : i32
        %parallel_loop3A_433 = vector.broadcast %parallel_loop3A_432 : i32 to vector<16xi32>
        %parallel_loop3A_434 = arith.andi %parallel_loop3A_431, %parallel_loop3A_433 : vector<16xi32>
        %parallel_loop3A_435 = tpu.vector_load_idx %arg12[%add3A_260, %parallel_loop3A_434] : memref<64x128xf32, #tpu.memory_space<vmem>>[vector<16xi32>, vector<16xi32>], vector<16xf32>,
        %parallel_loop3A_436 = arith.mulf %parallel_loop3A_435, %select_n3A_217 : vector<16xf32>
        tpu.vector_store_idx %arg18[%add3A_260, %parallel_loop3A_434], %parallel_loop3A_436 : memref<64x128xf32, #tpu.memory_space<vmem>>[vector<16xi32>, vector<16xi32>], vector<16xf32>,
      } {sc.loop_unroll_factor = 8 : i64, sc.parallel_access}
      %dma_start3A_270 = arith.constant 0 : i32
      %dma_start3A_271 = arith.constant 0 : i32
      %dma_start3A_272 = tpu.memref_slice %arg22[%dma_start3A_270, %dma_start3A_271] : memref<10000x128xf32, #tpu.memory_space<vmem_shared>> -> memref<10000x128xf32, #tpu.memory_space<vmem_shared>>
      tpu.enqueue_indirect_dma source(%arg18 : memref<64x128xf32, #tpu.memory_space<vmem>>) target(%dma_start3A_272 : memref<10000x128xf32, #tpu.memory_space<vmem_shared>>) offsets(%arg19 : memref<64xi32, #tpu.memory_space<vmem>>) semaphore(%arg25 : memref<!tpu.dma_semaphore, #tpu.memory_space<semaphore_mem>>) {add = true}
      %add3A_273 = arith.constant 2 : i32
      %add3A_274 = arith.addi %add3A_99, %add3A_273 : i32
      %lt3A = arith.constant 156 : i32
      %lt3A_275 = arith.cmpi slt, %add3A_274, %lt3A : i32
      %convert_element_type3A_276 = arith.extui %lt3A_275 : i1 to i32
      %cond3A_277 = arith.constant 0 : i32
      %cond3A_278 = arith.cmpi ne, %convert_element_type3A_276, %cond3A_277 : i32
      scf.if %cond3A_278 {
        %add3A_429 = arith.constant 2 : i32
        %add3A_430 = arith.addi %add3A_99, %add3A_429 : i32
        "tpu.region"() ({
          %run_scoped3A_451 = tpu.sem_alloc : memref<!tpu.dma_semaphore, #tpu.memory_space<semaphore_mem>>
          %dma_start3A_452 = arith.constant 0 : i32
          %dma_start3A_453 = arith.constant 0 : i32
          %dma_start3A_454 = tpu.memref_slice %arg5[%add3A, %add3A_430, %dma_start3A_452, %dma_start3A_453] : memref<32x156x2x64xi32, #tpu.memory_space<hbm>> -> memref<1x1x2x64xi32, #tpu.memory_space<hbm>>
          %dma_start3A_455 = tpu.memref_squeeze %dma_start3A_454 : memref<1x1x2x64xi32, #tpu.memory_space<hbm>> -> memref<2x64xi32, #tpu.memory_space<hbm>>
          %dma_start3A_456 = arith.constant 0 : i32
          %dma_start3A_457 = arith.constant 0 : i32
          %dma_start3A_458 = tpu.memref_slice %arg5[%add3A, %add3A_430, %dma_start3A_456, %dma_start3A_457] : memref<32x156x2x64xi32, #tpu.memory_space<hbm>> -> memref<1x1x2x64xi32, #tpu.memory_space<hbm>>
          %dma_start3A_459 = tpu.memref_squeeze %dma_start3A_458 : memref<1x1x2x64xi32, #tpu.memory_space<hbm>> -> memref<2x64xi32, #tpu.memory_space<hbm>>
          tpu.enqueue_dma source(%dma_start3A_459 : memref<2x64xi32, #tpu.memory_space<hbm>>) target(%arg10 : memref<2x64xi32, #tpu.memory_space<vmem>>) target_semaphore(%run_scoped3A_451 : memref<!tpu.dma_semaphore, #tpu.memory_space<semaphore_mem>>)
          %dma_wait3A_460 = arith.constant 0 : i32
          %dma_wait3A_461 = arith.constant 0 : i32
          %dma_wait3A_462 = tpu.memref_slice %arg5[%add3A, %add3A_430, %dma_wait3A_460, %dma_wait3A_461] : memref<32x156x2x64xi32, #tpu.memory_space<hbm>> -> memref<1x1x2x64xi32, #tpu.memory_space<hbm>>
          %dma_wait3A_463 = tpu.memref_squeeze %dma_wait3A_462 : memref<1x1x2x64xi32, #tpu.memory_space<hbm>> -> memref<2x64xi32, #tpu.memory_space<hbm>>
          %dma_wait3A_464 = arith.constant 0 : i32
          %dma_wait3A_465 = arith.constant 0 : i32
          %dma_wait3A_466 = tpu.memref_slice %arg5[%add3A, %add3A_430, %dma_wait3A_464, %dma_wait3A_465] : memref<32x156x2x64xi32, #tpu.memory_space<hbm>> -> memref<1x1x2x64xi32, #tpu.memory_space<hbm>>
          %dma_wait3A_467 = tpu.memref_squeeze %dma_wait3A_466 : memref<1x1x2x64xi32, #tpu.memory_space<hbm>> -> memref<2x64xi32, #tpu.memory_space<hbm>>
          tpu.wait_dma2 semaphore(%run_scoped3A_451 : memref<!tpu.dma_semaphore, #tpu.memory_space<semaphore_mem>>) src(%dma_wait3A_467 : memref<2x64xi32, #tpu.memory_space<hbm>>) dst(%arg10 : memref<2x64xi32, #tpu.memory_space<vmem>>)
          tpu.yield
        }) : () -> ()
        %dma_start3A_431 = arith.constant 0 : i32
        %dma_start3A_432 = arith.constant 0 : i32
        %dma_start3A_433 = tpu.memref_slice %arg10[%dma_start3A_431, %dma_start3A_432] : memref<2x64xi32, #tpu.memory_space<vmem>> -> memref<1x64xi32, #tpu.memory_space<vmem>>
        %dma_start3A_434 = tpu.memref_squeeze %dma_start3A_433 : memref<1x64xi32, #tpu.memory_space<vmem>> -> memref<64xi32, #tpu.memory_space<vmem>>
        %dma_start3A_435 = arith.constant 0 : i32
        %dma_start3A_436 = arith.constant 0 : i32
        %dma_start3A_437 = tpu.memref_slice %arg2[%dma_start3A_435, %dma_start3A_436] : memref<10000x128xf32, #tpu.memory_space<hbm>> -> memref<10000x128xf32, #tpu.memory_space<hbm>>
        tpu.enqueue_indirect_dma source(%dma_start3A_437 : memref<10000x128xf32, #tpu.memory_space<hbm>>) target(%arg12 : memref<64x128xf32, #tpu.memory_space<vmem>>) offsets(%dma_start3A_434 : memref<64xi32, #tpu.memory_space<vmem>>) semaphore(%arg23 : memref<!tpu.dma_semaphore, #tpu.memory_space<semaphore_mem>>)
        %dma_start3A_438 = arith.constant 1 : i32
        %dma_start3A_439 = arith.constant 0 : i32
        %dma_start3A_440 = tpu.memref_slice %arg10[%dma_start3A_438, %dma_start3A_439] : memref<2x64xi32, #tpu.memory_space<vmem>> -> memref<1x64xi32, #tpu.memory_space<vmem>>
        %dma_start3A_441 = tpu.memref_squeeze %dma_start3A_440 : memref<1x64xi32, #tpu.memory_space<vmem>> -> memref<64xi32, #tpu.memory_space<vmem>>
        %dma_start3A_442 = arith.constant 0 : i32
        %dma_start3A_443 = arith.constant 0 : i32
        %dma_start3A_444 = tpu.memref_slice %arg3[%dma_start3A_442, %dma_start3A_443] : memref<10000x128xf32, #tpu.memory_space<hbm>> -> memref<10000x128xf32, #tpu.memory_space<hbm>>
        tpu.enqueue_indirect_dma source(%dma_start3A_444 : memref<10000x128xf32, #tpu.memory_space<hbm>>) target(%arg13 : memref<64x128xf32, #tpu.memory_space<vmem>>) offsets(%dma_start3A_441 : memref<64xi32, #tpu.memory_space<vmem>>) semaphore(%arg23 : memref<!tpu.dma_semaphore, #tpu.memory_space<semaphore_mem>>)
        %dma_start3A_445 = arith.constant 0 : i32
        %dma_start3A_446 = arith.constant 0 : i32
        %dma_start3A_447 = tpu.memref_slice %arg10[%dma_start3A_445, %dma_start3A_446] : memref<2x64xi32, #tpu.memory_space<vmem>> -> memref<1x64xi32, #tpu.memory_space<vmem>>
        %dma_start3A_448 = tpu.memref_squeeze %dma_start3A_447 : memref<1x64xi32, #tpu.memory_space<vmem>> -> memref<64xi32, #tpu.memory_space<vmem>>
        %dma_start3A_449 = arith.constant 0 : i32
        %dma_start3A_450 = tpu.memref_slice %arg4[%dma_start3A_449] : memref<10000xf32, #tpu.memory_space<hbm>> -> memref<10000xf32, #tpu.memory_space<hbm>>
        tpu.enqueue_indirect_dma source(%dma_start3A_450 : memref<10000xf32, #tpu.memory_space<hbm>>) target(%arg16 : memref<64xf32, #tpu.memory_space<vmem>>) offsets(%dma_start3A_448 : memref<64xi32, #tpu.memory_space<vmem>>) semaphore(%arg23 : memref<!tpu.dma_semaphore, #tpu.memory_space<semaphore_mem>>)
      } else {
      }
      %dma_wait3A_279 = arith.constant 0 : i32
      %dma_wait3A_280 = arith.constant 0 : i32
      %dma_wait3A_281 = tpu.memref_slice %arg11[%dma_wait3A_279, %dma_wait3A_280] : memref<2x64xi32, #tpu.memory_space<vmem>> -> memref<1x64xi32, #tpu.memory_space<vmem>>
      %dma_wait3A_282 = tpu.memref_squeeze %dma_wait3A_281 : memref<1x64xi32, #tpu.memory_space<vmem>> -> memref<64xi32, #tpu.memory_space<vmem>>
      %dma_wait3A_283 = arith.constant 0 : i32
      %dma_wait3A_284 = arith.constant 0 : i32
      %dma_wait3A_285 = tpu.memref_slice %arg2[%dma_wait3A_283, %dma_wait3A_284] : memref<10000x128xf32, #tpu.memory_space<hbm>> -> memref<10000x128xf32, #tpu.memory_space<hbm>>
      tpu.wait_indirect_dma semaphore(%arg24 : memref<!tpu.dma_semaphore, #tpu.memory_space<semaphore_mem>>) src(%dma_wait3A_285 : memref<10000x128xf32, #tpu.memory_space<hbm>>) dst(%arg14 : memref<64x128xf32, #tpu.memory_space<vmem>>)
      %dma_wait3A_286 = arith.constant 1 : i32
      %dma_wait3A_287 = arith.constant 0 : i32
      %dma_wait3A_288 = tpu.memref_slice %arg11[%dma_wait3A_286, %dma_wait3A_287] : memref<2x64xi32, #tpu.memory_space<vmem>> -> memref<1x64xi32, #tpu.memory_space<vmem>>
      %dma_wait3A_289 = tpu.memref_squeeze %dma_wait3A_288 : memref<1x64xi32, #tpu.memory_space<vmem>> -> memref<64xi32, #tpu.memory_space<vmem>>
      %dma_wait3A_290 = arith.constant 0 : i32
      %dma_wait3A_291 = arith.constant 0 : i32
      %dma_wait3A_292 = tpu.memref_slice %arg3[%dma_wait3A_290, %dma_wait3A_291] : memref<10000x128xf32, #tpu.memory_space<hbm>> -> memref<10000x128xf32, #tpu.memory_space<hbm>>
      tpu.wait_indirect_dma semaphore(%arg24 : memref<!tpu.dma_semaphore, #tpu.memory_space<semaphore_mem>>) src(%dma_wait3A_292 : memref<10000x128xf32, #tpu.memory_space<hbm>>) dst(%arg15 : memref<64x128xf32, #tpu.memory_space<vmem>>)
      %dma_wait3A_293 = arith.constant 0 : i32
      %dma_wait3A_294 = arith.constant 0 : i32
      %dma_wait3A_295 = tpu.memref_slice %arg11[%dma_wait3A_293, %dma_wait3A_294] : memref<2x64xi32, #tpu.memory_space<vmem>> -> memref<1x64xi32, #tpu.memory_space<vmem>>
      %dma_wait3A_296 = tpu.memref_squeeze %dma_wait3A_295 : memref<1x64xi32, #tpu.memory_space<vmem>> -> memref<64xi32, #tpu.memory_space<vmem>>
      %dma_wait3A_297 = arith.constant 0 : i32
      %dma_wait3A_298 = tpu.memref_slice %arg4[%dma_wait3A_297] : memref<10000xf32, #tpu.memory_space<hbm>> -> memref<10000xf32, #tpu.memory_space<hbm>>
      tpu.wait_indirect_dma semaphore(%arg24 : memref<!tpu.dma_semaphore, #tpu.memory_space<semaphore_mem>>) src(%dma_wait3A_298 : memref<10000xf32, #tpu.memory_space<hbm>>) dst(%arg17 : memref<64xf32, #tpu.memory_space<vmem>>)
      %add3A_299 = arith.constant 0 : i32
      %add3A_300 = vector.broadcast %add3A_299 : i32 to vector<16xi32>
      %add3A_301 = arith.addi %iota3A, %add3A_300 : vector<16xi32>
      %broadcast_in_dim3A_302 = arith.constant 0.000000e+00 : f32
      %broadcast_in_dim3A_303 = vector.broadcast %broadcast_in_dim3A_302 : f32 to vector<16xf32>
      %parallel_loop3A_304 = arith.constant 0 : i32
      %parallel_loop3A_305 = arith.constant 128 : i32
      %parallel_loop3A_306 = arith.constant 1 : i32
      %parallel_loop3A_307 = scf.for %parallel_loop3A_429 = %parallel_loop3A_304 to %parallel_loop3A_305 step %parallel_loop3A_306 iter_args(%parallel_loop3A_430 = %broadcast_in_dim3A_303) -> (vector<16xf32>)  : i32 {
        %parallel_loop3A_431 = vector.broadcast %parallel_loop3A_429 : i32 to vector<16xi32>
        %parallel_loop3A_432 = arith.addi %mul3A_7, %parallel_loop3A_431 : vector<16xi32>
        %parallel_loop3A_433 = arith.constant 127 : i32
        %parallel_loop3A_434 = vector.broadcast %parallel_loop3A_433 : i32 to vector<16xi32>
        %parallel_loop3A_435 = arith.andi %parallel_loop3A_432, %parallel_loop3A_434 : vector<16xi32>
        %parallel_loop3A_436 = tpu.vector_load_idx %arg14[%add3A_301, %parallel_loop3A_435] : memref<64x128xf32, #tpu.memory_space<vmem>>[vector<16xi32>, vector<16xi32>], vector<16xf32>,
        %parallel_loop3A_437 = tpu.vector_load_idx %arg15[%add3A_301, %parallel_loop3A_435] : memref<64x128xf32, #tpu.memory_space<vmem>>[vector<16xi32>, vector<16xi32>], vector<16xf32>,
        %parallel_loop3A_438 = arith.mulf %parallel_loop3A_436, %parallel_loop3A_437 : vector<16xf32>
        %parallel_loop3A_439 = arith.addf %parallel_loop3A_430, %parallel_loop3A_438 : vector<16xf32>
        scf.yield %parallel_loop3A_439 : vector<16xf32>
      } {sc.loop_unroll_factor = 8 : i64, sc.parallel_access}
      %get3A_308 = arith.constant 0 : index
      %get3A_309 = tpu.vector_load %arg17[%get3A_308] {strides = array<i32>} : memref<64xf32, #tpu.memory_space<vmem>>, vector<16xf32>,
      %add3A_310 = arith.addf %get3A_309, %parallel_loop3A_307 : vector<16xf32>
      %gt3A_311 = arith.constant 0.000000e+00 : f32
      %gt3A_312 = vector.broadcast %gt3A_311 : f32 to vector<16xf32>
      %gt3A_313 = arith.cmpf ogt, %add3A_310, %gt3A_312 : vector<16xf32>
      %mul3A_314 = arith.constant 0.00999999977 : f32
      %mul3A_315 = vector.broadcast %mul3A_314 : f32 to vector<16xf32>
      %mul3A_316 = arith.mulf %mul3A_315, %add3A_310 : vector<16xf32>
      %select_n3A_317 = arith.select %gt3A_313, %add3A_310, %mul3A_316 : vector<16xi1>, vector<16xf32>
      %add3A_318 = arith.constant 16 : i32
      %add3A_319 = vector.broadcast %add3A_318 : i32 to vector<16xi32>
      %add3A_320 = arith.addi %iota3A, %add3A_319 : vector<16xi32>
      %broadcast_in_dim3A_321 = arith.constant 0.000000e+00 : f32
      %broadcast_in_dim3A_322 = vector.broadcast %broadcast_in_dim3A_321 : f32 to vector<16xf32>
      %parallel_loop3A_323 = arith.constant 0 : i32
      %parallel_loop3A_324 = arith.constant 128 : i32
      %parallel_loop3A_325 = arith.constant 1 : i32
      %parallel_loop3A_326 = scf.for %parallel_loop3A_429 = %parallel_loop3A_323 to %parallel_loop3A_324 step %parallel_loop3A_325 iter_args(%parallel_loop3A_430 = %broadcast_in_dim3A_322) -> (vector<16xf32>)  : i32 {
        %parallel_loop3A_431 = vector.broadcast %parallel_loop3A_429 : i32 to vector<16xi32>
        %parallel_loop3A_432 = arith.addi %mul3A_7, %parallel_loop3A_431 : vector<16xi32>
        %parallel_loop3A_433 = arith.constant 127 : i32
        %parallel_loop3A_434 = vector.broadcast %parallel_loop3A_433 : i32 to vector<16xi32>
        %parallel_loop3A_435 = arith.andi %parallel_loop3A_432, %parallel_loop3A_434 : vector<16xi32>
        %parallel_loop3A_436 = tpu.vector_load_idx %arg14[%add3A_320, %parallel_loop3A_435] : memref<64x128xf32, #tpu.memory_space<vmem>>[vector<16xi32>, vector<16xi32>], vector<16xf32>,
        %parallel_loop3A_437 = tpu.vector_load_idx %arg15[%add3A_320, %parallel_loop3A_435] : memref<64x128xf32, #tpu.memory_space<vmem>>[vector<16xi32>, vector<16xi32>], vector<16xf32>,
        %parallel_loop3A_438 = arith.mulf %parallel_loop3A_436, %parallel_loop3A_437 : vector<16xf32>
        %parallel_loop3A_439 = arith.addf %parallel_loop3A_430, %parallel_loop3A_438 : vector<16xf32>
        scf.yield %parallel_loop3A_439 : vector<16xf32>
      } {sc.loop_unroll_factor = 8 : i64, sc.parallel_access}
      %get3A_327 = arith.constant 16 : index
      %get3A_328 = tpu.vector_load %arg17[%get3A_327] {strides = array<i32>} : memref<64xf32, #tpu.memory_space<vmem>>, vector<16xf32>,
      %add3A_329 = arith.addf %get3A_328, %parallel_loop3A_326 : vector<16xf32>
      %gt3A_330 = arith.constant 0.000000e+00 : f32
      %gt3A_331 = vector.broadcast %gt3A_330 : f32 to vector<16xf32>
      %gt3A_332 = arith.cmpf ogt, %add3A_329, %gt3A_331 : vector<16xf32>
      %mul3A_333 = arith.constant 0.00999999977 : f32
      %mul3A_334 = vector.broadcast %mul3A_333 : f32 to vector<16xf32>
      %mul3A_335 = arith.mulf %mul3A_334, %add3A_329 : vector<16xf32>
      %select_n3A_336 = arith.select %gt3A_332, %add3A_329, %mul3A_335 : vector<16xi1>, vector<16xf32>
      %add3A_337 = arith.constant 32 : i32
      %add3A_338 = vector.broadcast %add3A_337 : i32 to vector<16xi32>
      %add3A_339 = arith.addi %iota3A, %add3A_338 : vector<16xi32>
      %broadcast_in_dim3A_340 = arith.constant 0.000000e+00 : f32
      %broadcast_in_dim3A_341 = vector.broadcast %broadcast_in_dim3A_340 : f32 to vector<16xf32>
      %parallel_loop3A_342 = arith.constant 0 : i32
      %parallel_loop3A_343 = arith.constant 128 : i32
      %parallel_loop3A_344 = arith.constant 1 : i32
      %parallel_loop3A_345 = scf.for %parallel_loop3A_429 = %parallel_loop3A_342 to %parallel_loop3A_343 step %parallel_loop3A_344 iter_args(%parallel_loop3A_430 = %broadcast_in_dim3A_341) -> (vector<16xf32>)  : i32 {
        %parallel_loop3A_431 = vector.broadcast %parallel_loop3A_429 : i32 to vector<16xi32>
        %parallel_loop3A_432 = arith.addi %mul3A_7, %parallel_loop3A_431 : vector<16xi32>
        %parallel_loop3A_433 = arith.constant 127 : i32
        %parallel_loop3A_434 = vector.broadcast %parallel_loop3A_433 : i32 to vector<16xi32>
        %parallel_loop3A_435 = arith.andi %parallel_loop3A_432, %parallel_loop3A_434 : vector<16xi32>
        %parallel_loop3A_436 = tpu.vector_load_idx %arg14[%add3A_339, %parallel_loop3A_435] : memref<64x128xf32, #tpu.memory_space<vmem>>[vector<16xi32>, vector<16xi32>], vector<16xf32>,
        %parallel_loop3A_437 = tpu.vector_load_idx %arg15[%add3A_339, %parallel_loop3A_435] : memref<64x128xf32, #tpu.memory_space<vmem>>[vector<16xi32>, vector<16xi32>], vector<16xf32>,
        %parallel_loop3A_438 = arith.mulf %parallel_loop3A_436, %parallel_loop3A_437 : vector<16xf32>
        %parallel_loop3A_439 = arith.addf %parallel_loop3A_430, %parallel_loop3A_438 : vector<16xf32>
        scf.yield %parallel_loop3A_439 : vector<16xf32>
      } {sc.loop_unroll_factor = 8 : i64, sc.parallel_access}
      %get3A_346 = arith.constant 32 : index
      %get3A_347 = tpu.vector_load %arg17[%get3A_346] {strides = array<i32>} : memref<64xf32, #tpu.memory_space<vmem>>, vector<16xf32>,
      %add3A_348 = arith.addf %get3A_347, %parallel_loop3A_345 : vector<16xf32>
      %gt3A_349 = arith.constant 0.000000e+00 : f32
      %gt3A_350 = vector.broadcast %gt3A_349 : f32 to vector<16xf32>
      %gt3A_351 = arith.cmpf ogt, %add3A_348, %gt3A_350 : vector<16xf32>
      %mul3A_352 = arith.constant 0.00999999977 : f32
      %mul3A_353 = vector.broadcast %mul3A_352 : f32 to vector<16xf32>
      %mul3A_354 = arith.mulf %mul3A_353, %add3A_348 : vector<16xf32>
      %select_n3A_355 = arith.select %gt3A_351, %add3A_348, %mul3A_354 : vector<16xi1>, vector<16xf32>
      %add3A_356 = arith.constant 48 : i32
      %add3A_357 = vector.broadcast %add3A_356 : i32 to vector<16xi32>
      %add3A_358 = arith.addi %iota3A, %add3A_357 : vector<16xi32>
      %broadcast_in_dim3A_359 = arith.constant 0.000000e+00 : f32
      %broadcast_in_dim3A_360 = vector.broadcast %broadcast_in_dim3A_359 : f32 to vector<16xf32>
      %parallel_loop3A_361 = arith.constant 0 : i32
      %parallel_loop3A_362 = arith.constant 128 : i32
      %parallel_loop3A_363 = arith.constant 1 : i32
      %parallel_loop3A_364 = scf.for %parallel_loop3A_429 = %parallel_loop3A_361 to %parallel_loop3A_362 step %parallel_loop3A_363 iter_args(%parallel_loop3A_430 = %broadcast_in_dim3A_360) -> (vector<16xf32>)  : i32 {
        %parallel_loop3A_431 = vector.broadcast %parallel_loop3A_429 : i32 to vector<16xi32>
        %parallel_loop3A_432 = arith.addi %mul3A_7, %parallel_loop3A_431 : vector<16xi32>
        %parallel_loop3A_433 = arith.constant 127 : i32
        %parallel_loop3A_434 = vector.broadcast %parallel_loop3A_433 : i32 to vector<16xi32>
        %parallel_loop3A_435 = arith.andi %parallel_loop3A_432, %parallel_loop3A_434 : vector<16xi32>
        %parallel_loop3A_436 = tpu.vector_load_idx %arg14[%add3A_358, %parallel_loop3A_435] : memref<64x128xf32, #tpu.memory_space<vmem>>[vector<16xi32>, vector<16xi32>], vector<16xf32>,
        %parallel_loop3A_437 = tpu.vector_load_idx %arg15[%add3A_358, %parallel_loop3A_435] : memref<64x128xf32, #tpu.memory_space<vmem>>[vector<16xi32>, vector<16xi32>], vector<16xf32>,
        %parallel_loop3A_438 = arith.mulf %parallel_loop3A_436, %parallel_loop3A_437 : vector<16xf32>
        %parallel_loop3A_439 = arith.addf %parallel_loop3A_430, %parallel_loop3A_438 : vector<16xf32>
        scf.yield %parallel_loop3A_439 : vector<16xf32>
      } {sc.loop_unroll_factor = 8 : i64, sc.parallel_access}
      %get3A_365 = arith.constant 48 : index
      %get3A_366 = tpu.vector_load %arg17[%get3A_365] {strides = array<i32>} : memref<64xf32, #tpu.memory_space<vmem>>, vector<16xf32>,
      %add3A_367 = arith.addf %get3A_366, %parallel_loop3A_364 : vector<16xf32>
      %gt3A_368 = arith.constant 0.000000e+00 : f32
      %gt3A_369 = vector.broadcast %gt3A_368 : f32 to vector<16xf32>
      %gt3A_370 = arith.cmpf ogt, %add3A_367, %gt3A_369 : vector<16xf32>
      %mul3A_371 = arith.constant 0.00999999977 : f32
      %mul3A_372 = vector.broadcast %mul3A_371 : f32 to vector<16xf32>
      %mul3A_373 = arith.mulf %mul3A_372, %add3A_367 : vector<16xf32>
      %select_n3A_374 = arith.select %gt3A_370, %add3A_367, %mul3A_373 : vector<16xi1>, vector<16xf32>
      %dma_wait3A_375 = arith.constant 0 : i32
      %dma_wait3A_376 = arith.constant 0 : i32
      %dma_wait3A_377 = tpu.memref_slice %arg22[%dma_wait3A_375, %dma_wait3A_376] : memref<10000x128xf32, #tpu.memory_space<vmem_shared>> -> memref<10000x128xf32, #tpu.memory_space<vmem_shared>>
      tpu.wait_indirect_dma semaphore(%arg25 : memref<!tpu.dma_semaphore, #tpu.memory_space<semaphore_mem>>) src(%arg18 : memref<64x128xf32, #tpu.memory_space<vmem>>) dst(%dma_wait3A_377 : memref<10000x128xf32, #tpu.memory_space<vmem_shared>>)
      %add3A_378 = arith.constant 0 : i32
      %add3A_379 = vector.broadcast %add3A_378 : i32 to vector<16xi32>
      %add3A_380 = arith.addi %iota3A, %add3A_379 : vector<16xi32>
      %get3A_381 = arith.constant 1 : i32
      %get3A_382 = arith.index_cast %get3A_381 : i32 to index
      %get3A_383 = arith.constant 0 : index
      %get3A_384 = tpu.vector_load %arg11[%get3A_382, %get3A_383] {strides = array<i32>} : memref<2x64xi32, #tpu.memory_space<vmem>>, vector<16xi32>,
      %swap3A_385 = arith.constant 0 : index
      %swap3A_386 = tpu.vector_load %arg19[%swap3A_385] {strides = array<i32>} : memref<64xi32, #tpu.memory_space<vmem>>, vector<16xi32>,
      tpu.vector_store %arg19[%swap3A_385], %get3A_384 {strides = array<i32>} : memref<64xi32, #tpu.memory_space<vmem>>, vector<16xi32>,
      %parallel_loop3A_387 = arith.constant 0 : i32
      %parallel_loop3A_388 = arith.constant 128 : i32
      %parallel_loop3A_389 = arith.constant 1 : i32
      scf.for %parallel_loop3A_429 = %parallel_loop3A_387 to %parallel_loop3A_388 step %parallel_loop3A_389  : i32 {
        %parallel_loop3A_430 = vector.broadcast %parallel_loop3A_429 : i32 to vector<16xi32>
        %parallel_loop3A_431 = arith.addi %mul3A_7, %parallel_loop3A_430 : vector<16xi32>
        %parallel_loop3A_432 = arith.constant 127 : i32
        %parallel_loop3A_433 = vector.broadcast %parallel_loop3A_432 : i32 to vector<16xi32>
        %parallel_loop3A_434 = arith.andi %parallel_loop3A_431, %parallel_loop3A_433 : vector<16xi32>
        %parallel_loop3A_435 = tpu.vector_load_idx %arg14[%add3A_380, %parallel_loop3A_434] : memref<64x128xf32, #tpu.memory_space<vmem>>[vector<16xi32>, vector<16xi32>], vector<16xf32>,
        %parallel_loop3A_436 = arith.mulf %parallel_loop3A_435, %select_n3A_317 : vector<16xf32>
        tpu.vector_store_idx %arg18[%add3A_380, %parallel_loop3A_434], %parallel_loop3A_436 : memref<64x128xf32, #tpu.memory_space<vmem>>[vector<16xi32>, vector<16xi32>], vector<16xf32>,
      } {sc.loop_unroll_factor = 8 : i64, sc.parallel_access}
      %add3A_390 = arith.constant 16 : i32
      %add3A_391 = vector.broadcast %add3A_390 : i32 to vector<16xi32>
      %add3A_392 = arith.addi %iota3A, %add3A_391 : vector<16xi32>
      %get3A_393 = arith.constant 1 : i32
      %get3A_394 = arith.index_cast %get3A_393 : i32 to index
      %get3A_395 = arith.constant 16 : index
      %get3A_396 = tpu.vector_load %arg11[%get3A_394, %get3A_395] {strides = array<i32>} : memref<2x64xi32, #tpu.memory_space<vmem>>, vector<16xi32>,
      %swap3A_397 = arith.constant 16 : index
      %swap3A_398 = tpu.vector_load %arg19[%swap3A_397] {strides = array<i32>} : memref<64xi32, #tpu.memory_space<vmem>>, vector<16xi32>,
      tpu.vector_store %arg19[%swap3A_397], %get3A_396 {strides = array<i32>} : memref<64xi32, #tpu.memory_space<vmem>>, vector<16xi32>,
      %parallel_loop3A_399 = arith.constant 0 : i32
      %parallel_loop3A_400 = arith.constant 128 : i32
      %parallel_loop3A_401 = arith.constant 1 : i32
      scf.for %parallel_loop3A_429 = %parallel_loop3A_399 to %parallel_loop3A_400 step %parallel_loop3A_401  : i32 {
        %parallel_loop3A_430 = vector.broadcast %parallel_loop3A_429 : i32 to vector<16xi32>
        %parallel_loop3A_431 = arith.addi %mul3A_7, %parallel_loop3A_430 : vector<16xi32>
        %parallel_loop3A_432 = arith.constant 127 : i32
        %parallel_loop3A_433 = vector.broadcast %parallel_loop3A_432 : i32 to vector<16xi32>
        %parallel_loop3A_434 = arith.andi %parallel_loop3A_431, %parallel_loop3A_433 : vector<16xi32>
        %parallel_loop3A_435 = tpu.vector_load_idx %arg14[%add3A_392, %parallel_loop3A_434] : memref<64x128xf32, #tpu.memory_space<vmem>>[vector<16xi32>, vector<16xi32>], vector<16xf32>,
        %parallel_loop3A_436 = arith.mulf %parallel_loop3A_435, %select_n3A_336 : vector<16xf32>
        tpu.vector_store_idx %arg18[%add3A_392, %parallel_loop3A_434], %parallel_loop3A_436 : memref<64x128xf32, #tpu.memory_space<vmem>>[vector<16xi32>, vector<16xi32>], vector<16xf32>,
      } {sc.loop_unroll_factor = 8 : i64, sc.parallel_access}
      %add3A_402 = arith.constant 32 : i32
      %add3A_403 = vector.broadcast %add3A_402 : i32 to vector<16xi32>
      %add3A_404 = arith.addi %iota3A, %add3A_403 : vector<16xi32>
      %get3A_405 = arith.constant 1 : i32
      %get3A_406 = arith.index_cast %get3A_405 : i32 to index
      %get3A_407 = arith.constant 32 : index
      %get3A_408 = tpu.vector_load %arg11[%get3A_406, %get3A_407] {strides = array<i32>} : memref<2x64xi32, #tpu.memory_space<vmem>>, vector<16xi32>,
      %swap3A_409 = arith.constant 32 : index
      %swap3A_410 = tpu.vector_load %arg19[%swap3A_409] {strides = array<i32>} : memref<64xi32, #tpu.memory_space<vmem>>, vector<16xi32>,
      tpu.vector_store %arg19[%swap3A_409], %get3A_408 {strides = array<i32>} : memref<64xi32, #tpu.memory_space<vmem>>, vector<16xi32>,
      %parallel_loop3A_411 = arith.constant 0 : i32
      %parallel_loop3A_412 = arith.constant 128 : i32
      %parallel_loop3A_413 = arith.constant 1 : i32
      scf.for %parallel_loop3A_429 = %parallel_loop3A_411 to %parallel_loop3A_412 step %parallel_loop3A_413  : i32 {
        %parallel_loop3A_430 = vector.broadcast %parallel_loop3A_429 : i32 to vector<16xi32>
        %parallel_loop3A_431 = arith.addi %mul3A_7, %parallel_loop3A_430 : vector<16xi32>
        %parallel_loop3A_432 = arith.constant 127 : i32
        %parallel_loop3A_433 = vector.broadcast %parallel_loop3A_432 : i32 to vector<16xi32>
        %parallel_loop3A_434 = arith.andi %parallel_loop3A_431, %parallel_loop3A_433 : vector<16xi32>
        %parallel_loop3A_435 = tpu.vector_load_idx %arg14[%add3A_404, %parallel_loop3A_434] : memref<64x128xf32, #tpu.memory_space<vmem>>[vector<16xi32>, vector<16xi32>], vector<16xf32>,
        %parallel_loop3A_436 = arith.mulf %parallel_loop3A_435, %select_n3A_355 : vector<16xf32>
        tpu.vector_store_idx %arg18[%add3A_404, %parallel_loop3A_434], %parallel_loop3A_436 : memref<64x128xf32, #tpu.memory_space<vmem>>[vector<16xi32>, vector<16xi32>], vector<16xf32>,
      } {sc.loop_unroll_factor = 8 : i64, sc.parallel_access}
      %add3A_414 = arith.constant 48 : i32
      %add3A_415 = vector.broadcast %add3A_414 : i32 to vector<16xi32>
      %add3A_416 = arith.addi %iota3A, %add3A_415 : vector<16xi32>
      %get3A_417 = arith.constant 1 : i32
      %get3A_418 = arith.index_cast %get3A_417 : i32 to index
      %get3A_419 = arith.constant 48 : index
      %get3A_420 = tpu.vector_load %arg11[%get3A_418, %get3A_419] {strides = array<i32>} : memref<2x64xi32, #tpu.memory_space<vmem>>, vector<16xi32>,
      %swap3A_421 = arith.constant 48 : index
      %swap3A_422 = tpu.vector_load %arg19[%swap3A_421] {strides = array<i32>} : memref<64xi32, #tpu.memory_space<vmem>>, vector<16xi32>,
      tpu.vector_store %arg19[%swap3A_421], %get3A_420 {strides = array<i32>} : memref<64xi32, #tpu.memory_space<vmem>>, vector<16xi32>,
      %parallel_loop3A_423 = arith.constant 0 : i32
      %parallel_loop3A_424 = arith.constant 128 : i32
      %parallel_loop3A_425 = arith.constant 1 : i32
      scf.for %parallel_loop3A_429 = %parallel_loop3A_423 to %parallel_loop3A_424 step %parallel_loop3A_425  : i32 {
        %parallel_loop3A_430 = vector.broadcast %parallel_loop3A_429 : i32 to vector<16xi32>
        %parallel_loop3A_431 = arith.addi %mul3A_7, %parallel_loop3A_430 : vector<16xi32>
        %parallel_loop3A_432 = arith.constant 127 : i32
        %parallel_loop3A_433 = vector.broadcast %parallel_loop3A_432 : i32 to vector<16xi32>
        %parallel_loop3A_434 = arith.andi %parallel_loop3A_431, %parallel_loop3A_433 : vector<16xi32>
        %parallel_loop3A_435 = tpu.vector_load_idx %arg14[%add3A_416, %parallel_loop3A_434] : memref<64x128xf32, #tpu.memory_space<vmem>>[vector<16xi32>, vector<16xi32>], vector<16xf32>,
        %parallel_loop3A_436 = arith.mulf %parallel_loop3A_435, %select_n3A_374 : vector<16xf32>
        tpu.vector_store_idx %arg18[%add3A_416, %parallel_loop3A_434], %parallel_loop3A_436 : memref<64x128xf32, #tpu.memory_space<vmem>>[vector<16xi32>, vector<16xi32>], vector<16xf32>,
      } {sc.loop_unroll_factor = 8 : i64, sc.parallel_access}
      %dma_start3A_426 = arith.constant 0 : i32
      %dma_start3A_427 = arith.constant 0 : i32
      %dma_start3A_428 = tpu.memref_slice %arg22[%dma_start3A_426, %dma_start3A_427] : memref<10000x128xf32, #tpu.memory_space<vmem_shared>> -> memref<10000x128xf32, #tpu.memory_space<vmem_shared>>
      tpu.enqueue_indirect_dma source(%arg18 : memref<64x128xf32, #tpu.memory_space<vmem>>) target(%dma_start3A_428 : memref<10000x128xf32, #tpu.memory_space<vmem_shared>>) offsets(%arg19 : memref<64xi32, #tpu.memory_space<vmem>>) semaphore(%arg25 : memref<!tpu.dma_semaphore, #tpu.memory_space<semaphore_mem>>) {add = true}
    }
    %scan3A_30 = arith.constant 78 : i32
    %dma_wait3A = arith.constant 0 : i32
    %dma_wait3A_31 = arith.constant 0 : i32
    %dma_wait3A_32 = tpu.memref_slice %arg22[%dma_wait3A, %dma_wait3A_31] : memref<10000x128xf32, #tpu.memory_space<vmem_shared>> -> memref<10000x128xf32, #tpu.memory_space<vmem_shared>>
    tpu.wait_indirect_dma semaphore(%arg25 : memref<!tpu.dma_semaphore, #tpu.memory_space<semaphore_mem>>) src(%arg18 : memref<64x128xf32, #tpu.memory_space<vmem>>) dst(%dma_wait3A_32 : memref<10000x128xf32, #tpu.memory_space<vmem_shared>>)
    %mul3A_33 = arith.constant 10000 : i32
    %mul3A_34 = arith.muli %add3A, %mul3A_33 : i32
    %add3A_35 = arith.constant 9984 : i32
    %add3A_36 = arith.addi %mul3A_34, %add3A_35 : i32
    "tpu.region"() ({
      %run_scoped3A_95 = tpu.sem_alloc : memref<!tpu.dma_semaphore, #tpu.memory_space<semaphore_mem>>
      %dma_start3A_96 = tpu.memref_slice %arg6[%add3A_36] : memref<320000xi32, #tpu.memory_space<hbm>> -> memref<16xi32, #tpu.memory_space<hbm>>
      %dma_start3A_97 = tpu.memref_slice %arg6[%add3A_36] : memref<320000xi32, #tpu.memory_space<hbm>> -> memref<16xi32, #tpu.memory_space<hbm>>
      tpu.enqueue_dma source(%dma_start3A_97 : memref<16xi32, #tpu.memory_space<hbm>>) target(%arg20 : memref<16xi32, #tpu.memory_space<vmem>>) target_semaphore(%run_scoped3A_95 : memref<!tpu.dma_semaphore, #tpu.memory_space<semaphore_mem>>)
      %dma_wait3A_98 = tpu.memref_slice %arg6[%add3A_36] : memref<320000xi32, #tpu.memory_space<hbm>> -> memref<16xi32, #tpu.memory_space<hbm>>
      %dma_wait3A_99 = tpu.memref_slice %arg6[%add3A_36] : memref<320000xi32, #tpu.memory_space<hbm>> -> memref<16xi32, #tpu.memory_space<hbm>>
      tpu.wait_dma2 semaphore(%run_scoped3A_95 : memref<!tpu.dma_semaphore, #tpu.memory_space<semaphore_mem>>) src(%dma_wait3A_99 : memref<16xi32, #tpu.memory_space<hbm>>) dst(%arg20 : memref<16xi32, #tpu.memory_space<vmem>>)
      tpu.yield
    }) : () -> ()
    "tpu.region"() ({
      %run_scoped3A_95 = tpu.sem_alloc : memref<!tpu.dma_semaphore, #tpu.memory_space<semaphore_mem>>
      %dma_start3A_96 = tpu.memref_slice %arg7[%add3A_36] : memref<320000xi32, #tpu.memory_space<hbm>> -> memref<16xi32, #tpu.memory_space<hbm>>
      %dma_start3A_97 = tpu.memref_slice %arg7[%add3A_36] : memref<320000xi32, #tpu.memory_space<hbm>> -> memref<16xi32, #tpu.memory_space<hbm>>
      tpu.enqueue_dma source(%dma_start3A_97 : memref<16xi32, #tpu.memory_space<hbm>>) target(%arg21 : memref<16xi32, #tpu.memory_space<vmem>>) target_semaphore(%run_scoped3A_95 : memref<!tpu.dma_semaphore, #tpu.memory_space<semaphore_mem>>)
      %dma_wait3A_98 = tpu.memref_slice %arg7[%add3A_36] : memref<320000xi32, #tpu.memory_space<hbm>> -> memref<16xi32, #tpu.memory_space<hbm>>
      %dma_wait3A_99 = tpu.memref_slice %arg7[%add3A_36] : memref<320000xi32, #tpu.memory_space<hbm>> -> memref<16xi32, #tpu.memory_space<hbm>>
      tpu.wait_dma2 semaphore(%run_scoped3A_95 : memref<!tpu.dma_semaphore, #tpu.memory_space<semaphore_mem>>) src(%dma_wait3A_99 : memref<16xi32, #tpu.memory_space<hbm>>) dst(%arg21 : memref<16xi32, #tpu.memory_space<vmem>>)
      tpu.yield
    }) : () -> ()
    %dma_start3A_37 = arith.constant 0 : i32
    %dma_start3A_38 = arith.constant 0 : i32
    %dma_start3A_39 = tpu.memref_slice %arg12[%dma_start3A_37, %dma_start3A_38] : memref<64x128xf32, #tpu.memory_space<vmem>> -> memref<16x128xf32, #tpu.memory_space<vmem>>
    %dma_start3A_40 = arith.constant 0 : i32
    %dma_start3A_41 = arith.constant 0 : i32
    %dma_start3A_42 = tpu.memref_slice %arg2[%dma_start3A_40, %dma_start3A_41] : memref<10000x128xf32, #tpu.memory_space<hbm>> -> memref<10000x128xf32, #tpu.memory_space<hbm>>
    tpu.enqueue_indirect_dma source(%dma_start3A_42 : memref<10000x128xf32, #tpu.memory_space<hbm>>) target(%dma_start3A_39 : memref<16x128xf32, #tpu.memory_space<vmem>>) offsets(%arg20 : memref<16xi32, #tpu.memory_space<vmem>>) semaphore(%arg23 : memref<!tpu.dma_semaphore, #tpu.memory_space<semaphore_mem>>)
    %dma_wait3A_43 = arith.constant 0 : i32
    %dma_wait3A_44 = arith.constant 0 : i32
    %dma_wait3A_45 = tpu.memref_slice %arg12[%dma_wait3A_43, %dma_wait3A_44] : memref<64x128xf32, #tpu.memory_space<vmem>> -> memref<16x128xf32, #tpu.memory_space<vmem>>
    %dma_wait3A_46 = arith.constant 0 : i32
    %dma_wait3A_47 = arith.constant 0 : i32
    %dma_wait3A_48 = tpu.memref_slice %arg2[%dma_wait3A_46, %dma_wait3A_47] : memref<10000x128xf32, #tpu.memory_space<hbm>> -> memref<10000x128xf32, #tpu.memory_space<hbm>>
    tpu.wait_indirect_dma semaphore(%arg23 : memref<!tpu.dma_semaphore, #tpu.memory_space<semaphore_mem>>) src(%dma_wait3A_48 : memref<10000x128xf32, #tpu.memory_space<hbm>>) dst(%dma_wait3A_45 : memref<16x128xf32, #tpu.memory_space<vmem>>)
    %dma_start3A_49 = arith.constant 0 : i32
    %dma_start3A_50 = arith.constant 0 : i32
    %dma_start3A_51 = tpu.memref_slice %arg13[%dma_start3A_49, %dma_start3A_50] : memref<64x128xf32, #tpu.memory_space<vmem>> -> memref<16x128xf32, #tpu.memory_space<vmem>>
    %dma_start3A_52 = arith.constant 0 : i32
    %dma_start3A_53 = arith.constant 0 : i32
    %dma_start3A_54 = tpu.memref_slice %arg3[%dma_start3A_52, %dma_start3A_53] : memref<10000x128xf32, #tpu.memory_space<hbm>> -> memref<10000x128xf32, #tpu.memory_space<hbm>>
    tpu.enqueue_indirect_dma source(%dma_start3A_54 : memref<10000x128xf32, #tpu.memory_space<hbm>>) target(%dma_start3A_51 : memref<16x128xf32, #tpu.memory_space<vmem>>) offsets(%arg21 : memref<16xi32, #tpu.memory_space<vmem>>) semaphore(%arg23 : memref<!tpu.dma_semaphore, #tpu.memory_space<semaphore_mem>>)
    %dma_wait3A_55 = arith.constant 0 : i32
    %dma_wait3A_56 = arith.constant 0 : i32
    %dma_wait3A_57 = tpu.memref_slice %arg13[%dma_wait3A_55, %dma_wait3A_56] : memref<64x128xf32, #tpu.memory_space<vmem>> -> memref<16x128xf32, #tpu.memory_space<vmem>>
    %dma_wait3A_58 = arith.constant 0 : i32
    %dma_wait3A_59 = arith.constant 0 : i32
    %dma_wait3A_60 = tpu.memref_slice %arg3[%dma_wait3A_58, %dma_wait3A_59] : memref<10000x128xf32, #tpu.memory_space<hbm>> -> memref<10000x128xf32, #tpu.memory_space<hbm>>
    tpu.wait_indirect_dma semaphore(%arg23 : memref<!tpu.dma_semaphore, #tpu.memory_space<semaphore_mem>>) src(%dma_wait3A_60 : memref<10000x128xf32, #tpu.memory_space<hbm>>) dst(%dma_wait3A_57 : memref<16x128xf32, #tpu.memory_space<vmem>>)
    %dma_start3A_61 = arith.constant 0 : i32
    %dma_start3A_62 = tpu.memref_slice %arg16[%dma_start3A_61] : memref<64xf32, #tpu.memory_space<vmem>> -> memref<16xf32, #tpu.memory_space<vmem>>
    %dma_start3A_63 = arith.constant 0 : i32
    %dma_start3A_64 = tpu.memref_slice %arg4[%dma_start3A_63] : memref<10000xf32, #tpu.memory_space<hbm>> -> memref<10000xf32, #tpu.memory_space<hbm>>
    tpu.enqueue_indirect_dma source(%dma_start3A_64 : memref<10000xf32, #tpu.memory_space<hbm>>) target(%dma_start3A_62 : memref<16xf32, #tpu.memory_space<vmem>>) offsets(%arg20 : memref<16xi32, #tpu.memory_space<vmem>>) semaphore(%arg23 : memref<!tpu.dma_semaphore, #tpu.memory_space<semaphore_mem>>)
    %dma_wait3A_65 = arith.constant 0 : i32
    %dma_wait3A_66 = tpu.memref_slice %arg16[%dma_wait3A_65] : memref<64xf32, #tpu.memory_space<vmem>> -> memref<16xf32, #tpu.memory_space<vmem>>
    %dma_wait3A_67 = arith.constant 0 : i32
    %dma_wait3A_68 = tpu.memref_slice %arg4[%dma_wait3A_67] : memref<10000xf32, #tpu.memory_space<hbm>> -> memref<10000xf32, #tpu.memory_space<hbm>>
    tpu.wait_indirect_dma semaphore(%arg23 : memref<!tpu.dma_semaphore, #tpu.memory_space<semaphore_mem>>) src(%dma_wait3A_68 : memref<10000xf32, #tpu.memory_space<hbm>>) dst(%dma_wait3A_66 : memref<16xf32, #tpu.memory_space<vmem>>)
    %broadcast_in_dim3A = arith.constant 0.000000e+00 : f32
    %broadcast_in_dim3A_69 = vector.broadcast %broadcast_in_dim3A : f32 to vector<16xf32>
    %parallel_loop3A = arith.constant 0 : i32
    %parallel_loop3A_70 = arith.constant 128 : i32
    %parallel_loop3A_71 = arith.constant 1 : i32
    %parallel_loop3A_72 = scf.for %parallel_loop3A_95 = %parallel_loop3A to %parallel_loop3A_70 step %parallel_loop3A_71 iter_args(%parallel_loop3A_96 = %broadcast_in_dim3A_69) -> (vector<16xf32>)  : i32 {
      %parallel_loop3A_97 = vector.broadcast %parallel_loop3A_95 : i32 to vector<16xi32>
      %parallel_loop3A_98 = arith.addi %mul3A_7, %parallel_loop3A_97 : vector<16xi32>
      %parallel_loop3A_99 = arith.constant 127 : i32
      %parallel_loop3A_100 = vector.broadcast %parallel_loop3A_99 : i32 to vector<16xi32>
      %parallel_loop3A_101 = arith.andi %parallel_loop3A_98, %parallel_loop3A_100 : vector<16xi32>
      %parallel_loop3A_102 = tpu.vector_load_idx %arg12[%iota3A, %parallel_loop3A_101] : memref<64x128xf32, #tpu.memory_space<vmem>>[vector<16xi32>, vector<16xi32>], vector<16xf32>,
      %parallel_loop3A_103 = tpu.vector_load_idx %arg13[%iota3A, %parallel_loop3A_101] : memref<64x128xf32, #tpu.memory_space<vmem>>[vector<16xi32>, vector<16xi32>], vector<16xf32>,
      %parallel_loop3A_104 = arith.mulf %parallel_loop3A_102, %parallel_loop3A_103 : vector<16xf32>
      %parallel_loop3A_105 = arith.addf %parallel_loop3A_96, %parallel_loop3A_104 : vector<16xf32>
      scf.yield %parallel_loop3A_105 : vector<16xf32>
    } {sc.loop_unroll_factor = 8 : i64, sc.parallel_access}
    %get3A = arith.constant 0 : index
    %get3A_73 = tpu.vector_load %arg16[%get3A] {strides = array<i32>} : memref<64xf32, #tpu.memory_space<vmem>>, vector<16xf32>,
    %add3A_74 = arith.addf %get3A_73, %parallel_loop3A_72 : vector<16xf32>
    %gt3A = arith.constant 0.000000e+00 : f32
    %gt3A_75 = vector.broadcast %gt3A : f32 to vector<16xf32>
    %gt3A_76 = arith.cmpf ogt, %add3A_74, %gt3A_75 : vector<16xf32>
    %mul3A_77 = arith.constant 0.00999999977 : f32
    %mul3A_78 = vector.broadcast %mul3A_77 : f32 to vector<16xf32>
    %mul3A_79 = arith.mulf %mul3A_78, %add3A_74 : vector<16xf32>
    %select_n3A = arith.select %gt3A_76, %add3A_74, %mul3A_79 : vector<16xi1>, vector<16xf32>
    %parallel_loop3A_80 = arith.constant 0 : i32
    %parallel_loop3A_81 = arith.constant 128 : i32
    %parallel_loop3A_82 = arith.constant 1 : i32
    scf.for %parallel_loop3A_95 = %parallel_loop3A_80 to %parallel_loop3A_81 step %parallel_loop3A_82  : i32 {
      %parallel_loop3A_96 = vector.broadcast %parallel_loop3A_95 : i32 to vector<16xi32>
      %parallel_loop3A_97 = arith.addi %mul3A_7, %parallel_loop3A_96 : vector<16xi32>
      %parallel_loop3A_98 = arith.constant 127 : i32
      %parallel_loop3A_99 = vector.broadcast %parallel_loop3A_98 : i32 to vector<16xi32>
      %parallel_loop3A_100 = arith.andi %parallel_loop3A_97, %parallel_loop3A_99 : vector<16xi32>
      %parallel_loop3A_101 = tpu.vector_load_idx %arg12[%iota3A, %parallel_loop3A_100] : memref<64x128xf32, #tpu.memory_space<vmem>>[vector<16xi32>, vector<16xi32>], vector<16xf32>,
      %parallel_loop3A_102 = arith.mulf %parallel_loop3A_101, %select_n3A : vector<16xf32>
      tpu.vector_store_idx %arg18[%iota3A, %parallel_loop3A_100], %parallel_loop3A_102 : memref<64x128xf32, #tpu.memory_space<vmem>>[vector<16xi32>, vector<16xi32>], vector<16xf32>,
    } {sc.loop_unroll_factor = 8 : i64, sc.parallel_access}
    "tpu.region"() ({
      %run_scoped3A_95 = tpu.sem_alloc : memref<!tpu.dma_semaphore, #tpu.memory_space<semaphore_mem>>
      %dma_start3A_96 = arith.constant 0 : i32
      %dma_start3A_97 = arith.constant 0 : i32
      %dma_start3A_98 = tpu.memref_slice %arg18[%dma_start3A_96, %dma_start3A_97] : memref<64x128xf32, #tpu.memory_space<vmem>> -> memref<16x128xf32, #tpu.memory_space<vmem>>
      %dma_start3A_99 = arith.constant 0 : i32
      %dma_start3A_100 = arith.constant 0 : i32
      %dma_start3A_101 = tpu.memref_slice %arg22[%dma_start3A_99, %dma_start3A_100] : memref<10000x128xf32, #tpu.memory_space<vmem_shared>> -> memref<10000x128xf32, #tpu.memory_space<vmem_shared>>
      tpu.enqueue_indirect_dma source(%dma_start3A_98 : memref<16x128xf32, #tpu.memory_space<vmem>>) target(%dma_start3A_101 : memref<10000x128xf32, #tpu.memory_space<vmem_shared>>) offsets(%arg21 : memref<16xi32, #tpu.memory_space<vmem>>) semaphore(%run_scoped3A_95 : memref<!tpu.dma_semaphore, #tpu.memory_space<semaphore_mem>>) {add = true}
      %dma_wait3A_102 = arith.constant 0 : i32
      %dma_wait3A_103 = arith.constant 0 : i32
      %dma_wait3A_104 = tpu.memref_slice %arg18[%dma_wait3A_102, %dma_wait3A_103] : memref<64x128xf32, #tpu.memory_space<vmem>> -> memref<16x128xf32, #tpu.memory_space<vmem>>
      %dma_wait3A_105 = arith.constant 0 : i32
      %dma_wait3A_106 = arith.constant 0 : i32
      %dma_wait3A_107 = tpu.memref_slice %arg22[%dma_wait3A_105, %dma_wait3A_106] : memref<10000x128xf32, #tpu.memory_space<vmem_shared>> -> memref<10000x128xf32, #tpu.memory_space<vmem_shared>>
      tpu.wait_indirect_dma semaphore(%run_scoped3A_95 : memref<!tpu.dma_semaphore, #tpu.memory_space<semaphore_mem>>) src(%dma_wait3A_104 : memref<16x128xf32, #tpu.memory_space<vmem>>) dst(%dma_wait3A_107 : memref<10000x128xf32, #tpu.memory_space<vmem_shared>>)
      tpu.yield
    }) : () -> ()
    %barrier3A_83 = arith.constant 0 : index
    tpu.barrier barrier_id(%barrier3A_83)
    %mul3A_84 = arith.constant 10000 : i32
    %mul3A_85 = arith.muli %arg0, %mul3A_84 : i32
    %mul3A_86 = arith.constant 624 : i32
    %mul3A_87 = arith.muli %arg1, %mul3A_86 : i32
    %add3A_88 = arith.addi %mul3A_85, %mul3A_87 : i32
    %multiple_of3A_89 = tpu.assume_multiple %add3A_88, 8 : i32
    "tpu.region"() ({
      %run_scoped3A_95 = tpu.sem_alloc : memref<!tpu.dma_semaphore, #tpu.memory_space<semaphore_mem>>
      %dma_start3A_96 = arith.constant 0 : i32
      %dma_start3A_97 = tpu.memref_slice %arg9[%multiple_of3A_89, %dma_start3A_96] : memref<20000x128xf32, #tpu.memory_space<hbm>> -> memref<624x128xf32, #tpu.memory_space<hbm>>
      %dma_start3A_98 = arith.constant 0 : i32
      %dma_start3A_99 = tpu.memref_slice %arg22[%multiple_of3A, %dma_start3A_98] : memref<10000x128xf32, #tpu.memory_space<vmem_shared>> -> memref<624x128xf32, #tpu.memory_space<vmem_shared>>
      tpu.enqueue_dma source(%dma_start3A_99 : memref<624x128xf32, #tpu.memory_space<vmem_shared>>) target(%dma_start3A_97 : memref<624x128xf32, #tpu.memory_space<hbm>>) target_semaphore(%run_scoped3A_95 : memref<!tpu.dma_semaphore, #tpu.memory_space<semaphore_mem>>)
      %dma_wait3A_100 = arith.constant 0 : i32
      %dma_wait3A_101 = tpu.memref_slice %arg9[%multiple_of3A_89, %dma_wait3A_100] : memref<20000x128xf32, #tpu.memory_space<hbm>> -> memref<624x128xf32, #tpu.memory_space<hbm>>
      %dma_wait3A_102 = arith.constant 0 : i32
      %dma_wait3A_103 = tpu.memref_slice %arg22[%multiple_of3A, %dma_wait3A_102] : memref<10000x128xf32, #tpu.memory_space<vmem_shared>> -> memref<624x128xf32, #tpu.memory_space<vmem_shared>>
      tpu.wait_dma2 semaphore(%run_scoped3A_95 : memref<!tpu.dma_semaphore, #tpu.memory_space<semaphore_mem>>) src(%dma_wait3A_103 : memref<624x128xf32, #tpu.memory_space<vmem_shared>>) dst(%dma_wait3A_101 : memref<624x128xf32, #tpu.memory_space<hbm>>)
      tpu.yield
    }) : () -> ()
    %eq3A_90 = arith.constant 15 : i32
    %eq3A_91 = arith.cmpi eq, %arg1, %eq3A_90 : i32
    %convert_element_type3A_92 = arith.extui %eq3A_91 : i1 to i32
    %cond3A_93 = arith.constant 0 : i32
    %cond3A_94 = arith.cmpi ne, %convert_element_type3A_92, %cond3A_93 : i32
    scf.if %cond3A_94 {
      %mul3A_95 = arith.constant 10000 : i32
      %mul3A_96 = arith.muli %arg0, %mul3A_95 : i32
      %add3A_97 = arith.constant 9984 : i32
      %add3A_98 = arith.addi %mul3A_96, %add3A_97 : i32
      "tpu.region"() ({
        %run_scoped3A_99 = tpu.sem_alloc : memref<!tpu.dma_semaphore, #tpu.memory_space<semaphore_mem>>
        %dma_start3A_100 = arith.constant 0 : i32
        %dma_start3A_101 = tpu.memref_slice %arg9[%add3A_98, %dma_start3A_100] : memref<20000x128xf32, #tpu.memory_space<hbm>> -> memref<16x128xf32, #tpu.memory_space<hbm>>
        %dma_start3A_102 = arith.constant 9984 : i32
        %dma_start3A_103 = arith.constant 0 : i32
        %dma_start3A_104 = tpu.memref_slice %arg22[%dma_start3A_102, %dma_start3A_103] : memref<10000x128xf32, #tpu.memory_space<vmem_shared>> -> memref<16x128xf32, #tpu.memory_space<vmem_shared>>
        tpu.enqueue_dma source(%dma_start3A_104 : memref<16x128xf32, #tpu.memory_space<vmem_shared>>) target(%dma_start3A_101 : memref<16x128xf32, #tpu.memory_space<hbm>>) target_semaphore(%run_scoped3A_99 : memref<!tpu.dma_semaphore, #tpu.memory_space<semaphore_mem>>)
        %dma_wait3A_105 = arith.constant 0 : i32
        %dma_wait3A_106 = tpu.memref_slice %arg9[%add3A_98, %dma_wait3A_105] : memref<20000x128xf32, #tpu.memory_space<hbm>> -> memref<16x128xf32, #tpu.memory_space<hbm>>
        %dma_wait3A_107 = arith.constant 9984 : i32
        %dma_wait3A_108 = arith.constant 0 : i32
        %dma_wait3A_109 = tpu.memref_slice %arg22[%dma_wait3A_107, %dma_wait3A_108] : memref<10000x128xf32, #tpu.memory_space<vmem_shared>> -> memref<16x128xf32, #tpu.memory_space<vmem_shared>>
        tpu.wait_dma2 semaphore(%run_scoped3A_99 : memref<!tpu.dma_semaphore, #tpu.memory_space<semaphore_mem>>) src(%dma_wait3A_109 : memref<16x128xf32, #tpu.memory_space<vmem_shared>>) dst(%dma_wait3A_106 : memref<16x128xf32, #tpu.memory_space<hbm>>)
        tpu.yield
      }) : () -> ()
    } else {
    }
    return
  }
}

module attributes {stable_mosaic.version = 14 : i64} {
  func.func @_node_encode_body(%arg0: i32, %arg1: memref<1xf32, #tpu.memory_space<smem>>, %arg2: memref<1000x1xf32, #tpu.memory_space<vmem>>, %arg3: memref<1000x1xf32, #tpu.memory_space<vmem>>, %arg4: memref<1x128xf32, #tpu.memory_space<vmem>>, %arg5: memref<1x128xf32, #tpu.memory_space<vmem>>, %arg6: memref<1x128xf32, #tpu.memory_space<vmem>>, %arg7: memref<1x128xf32, #tpu.memory_space<vmem>>, %arg8: memref<128x128xf32, #tpu.memory_space<vmem>>, %arg9: memref<1000x128xf32, #tpu.memory_space<vmem>>, %arg10: memref<1000x128xf32, #tpu.memory_space<vmem>>, %arg11: memref<1000x1xf32, #tpu.memory_space<vmem>>) attributes {dimension_semantics = [#tpu.dimension_semantics<arbitrary>], iteration_bounds = array<i64: 10>, scalar_prefetch = 0 : i64, scratch_operands = 0 : i64, tpu.core_type = #tpu.core_type<tc>, window_params = [{transform_indices = @transform_0, window_bounds = array<i64: 1>}, {transform_indices = @transform_1, window_bounds = array<i64: 1000, 1>}, {transform_indices = @transform_2, window_bounds = array<i64: 1000, 1>}, {pipeline_mode = #tpu.pipeline_mode<synchronous>, transform_indices = @transform_3, window_bounds = array<i64: 1, 128>}, {pipeline_mode = #tpu.pipeline_mode<synchronous>, transform_indices = @transform_4, window_bounds = array<i64: 1, 128>}, {pipeline_mode = #tpu.pipeline_mode<synchronous>, transform_indices = @transform_5, window_bounds = array<i64: 1, 128>}, {pipeline_mode = #tpu.pipeline_mode<synchronous>, transform_indices = @transform_6, window_bounds = array<i64: 1, 128>}, {pipeline_mode = #tpu.pipeline_mode<synchronous>, transform_indices = @transform_7, window_bounds = array<i64: 128, 128>}, {transform_indices = @transform_8, window_bounds = array<i64: 1000, 128>}, {transform_indices = @transform_9, window_bounds = array<i64: 1000, 128>}, {transform_indices = @transform_10, window_bounds = array<i64: 1000, 1>}]} {
    %get3A = arith.constant 0 : index
    %get3A_0 = memref.load %arg1[%get3A] : memref<1xf32, #tpu.memory_space<smem>>
    %get3A_1 = arith.constant 0 : index
    %get3A_2 = arith.constant 0 : index
    %get3A_3 = vector.load %arg3[%get3A_1, %get3A_2] : memref<1000x1xf32, #tpu.memory_space<vmem>>, vector<1000x1xf32>
    %sub3A = vector.broadcast %get3A_0 : f32 to vector<1000x1xf32>
    %sub3A_4 = arith.subf %sub3A, %get3A_3 : vector<1000x1xf32>
    %abs3A = math.absf %sub3A_4 : vector<1000x1xf32>
    %get3A_5 = arith.constant 0 : index
    %get3A_6 = arith.constant 0 : index
    %get3A_7 = vector.load %arg4[%get3A_5, %get3A_6] : memref<1x128xf32, #tpu.memory_space<vmem>>, vector<1x128xf32>
    %get3A_8 = arith.constant 0 : index
    %get3A_9 = arith.constant 0 : index
    %get3A_10 = vector.load %arg5[%get3A_8, %get3A_9] : memref<1x128xf32, #tpu.memory_space<vmem>>, vector<1x128xf32>
    %mul3A = vector.broadcast %abs3A : vector<1000x1xf32> to vector<1000x128xf32>
    %mul3A_11 = vector.broadcast %get3A_7 : vector<1x128xf32> to vector<1000x128xf32>
    %mul3A_12 = arith.mulf %mul3A, %mul3A_11 : vector<1000x128xf32>
    %add3A = vector.broadcast %get3A_10 : vector<1x128xf32> to vector<1000x128xf32>
    %add3A_13 = arith.addf %mul3A_12, %add3A : vector<1000x128xf32>
    %cos3A = math.cos %add3A_13 : vector<1000x128xf32>
    %get3A_14 = arith.constant 0 : index
    %get3A_15 = arith.constant 0 : index
    %get3A_16 = vector.load %arg4[%get3A_14, %get3A_15] : memref<1x128xf32, #tpu.memory_space<vmem>>, vector<1x1xf32>
    %get3A_17 = vector.extract %get3A_16[0, 0] : f32 from vector<1x1xf32>
    %mul3A_18 = vector.broadcast %get3A_17 : f32 to vector<1000x1xf32>
    %mul3A_19 = arith.mulf %mul3A_18, %abs3A : vector<1000x1xf32>
    %get3A_20 = arith.constant 0 : index
    %get3A_21 = arith.constant 0 : index
    %get3A_22 = vector.load %arg5[%get3A_20, %get3A_21] : memref<1x128xf32, #tpu.memory_space<vmem>>, vector<1x1xf32>
    %get3A_23 = vector.extract %get3A_22[0, 0] : f32 from vector<1x1xf32>
    %add3A_24 = vector.broadcast %get3A_23 : f32 to vector<1000x1xf32>
    %add3A_25 = arith.addf %mul3A_19, %add3A_24 : vector<1000x1xf32>
    %iota3A = tpu.iota {dimensions = array<i32: 1>} : vector<1000x128xi32>
    %eq3A = arith.constant 0 : i32
    %eq3A_26 = vector.broadcast %eq3A : i32 to vector<1000x128xi32>
    %eq3A_27 = arith.cmpi eq, %iota3A, %eq3A_26 : vector<1000x128xi32>
    %broadcast_in_dim3A = vector.shape_cast %add3A_25 : vector<1000x1xf32> to vector<1000x1xf32>
    %broadcast_in_dim3A_28 = vector.broadcast %broadcast_in_dim3A : vector<1000x1xf32> to vector<1000x128xf32>
    %select_n3A = arith.select %eq3A_27, %broadcast_in_dim3A_28, %cos3A : vector<1000x128xi1>, vector<1000x128xf32>
    %get3A_29 = arith.constant 0 : index
    %get3A_30 = arith.constant 0 : index
    %get3A_31 = vector.load %arg2[%get3A_29, %get3A_30] : memref<1000x1xf32, #tpu.memory_space<vmem>>, vector<1000x1xf32>
    %get3A_32 = arith.constant 0 : index
    %get3A_33 = arith.constant 0 : index
    %get3A_34 = vector.load %arg6[%get3A_32, %get3A_33] : memref<1x128xf32, #tpu.memory_space<vmem>>, vector<1x128xf32>
    %mul3A_35 = vector.broadcast %get3A_31 : vector<1000x1xf32> to vector<1000x128xf32>
    %mul3A_36 = vector.broadcast %get3A_34 : vector<1x128xf32> to vector<1000x128xf32>
    %mul3A_37 = arith.mulf %mul3A_35, %mul3A_36 : vector<1000x128xf32>
    %get3A_38 = arith.constant 0 : index
    %get3A_39 = arith.constant 0 : index
    %get3A_40 = vector.load %arg7[%get3A_38, %get3A_39] : memref<1x128xf32, #tpu.memory_space<vmem>>, vector<1x128xf32>
    %add3A_41 = vector.broadcast %get3A_40 : vector<1x128xf32> to vector<1000x128xf32>
    %add3A_42 = arith.addf %mul3A_37, %add3A_41 : vector<1000x128xf32>
    %add3A_43 = arith.addf %add3A_42, %select_n3A : vector<1000x128xf32>
    %max3A = arith.constant 0.000000e+00 : f32
    %max3A_44 = vector.broadcast %max3A : f32 to vector<1000x128xf32>
    %max3A_45 = arith.maximumf %add3A_43, %max3A_44 : vector<1000x128xf32>
    %mul3A_46 = arith.mulf %max3A_45, %max3A_45 : vector<1000x128xf32>
    %reduce_sum3A = arith.constant dense<0.000000e+00> : vector<1000xf32>
    %reduce_sum3A_47 = vector.multi_reduction <add>, %mul3A_46, %reduce_sum3A [1] : vector<1000x128xf32> to vector<1000xf32>
    %broadcast_in_dim3A_48 = vector.shape_cast %reduce_sum3A_47 : vector<1000xf32> to vector<1000x1xf32>
    %sqrt3A = math.sqrt %broadcast_in_dim3A_48 : vector<1000x1xf32>
    %max3A_49 = arith.constant 9.99999996E-13 : f32
    %max3A_50 = vector.broadcast %max3A_49 : f32 to vector<1000x1xf32>
    %max3A_51 = arith.maximumf %sqrt3A, %max3A_50 : vector<1000x1xf32>
    %div3A = vector.broadcast %max3A_51 : vector<1000x1xf32> to vector<1000x128xf32>
    %div3A_52 = arith.divf %max3A_45, %div3A : vector<1000x128xf32>
    %swap3A = arith.constant 0 : index
    %swap3A_53 = arith.constant 0 : index
    %swap3A_54 = vector.load %arg9[%swap3A, %swap3A_53] : memref<1000x128xf32, #tpu.memory_space<vmem>>, vector<1000x128xf32>
    tpu.vector_store %arg9[%swap3A, %swap3A_53], %div3A_52 {strides = array<i32>} : memref<1000x128xf32, #tpu.memory_space<vmem>>, vector<1000x128xf32>,
    %get3A_55 = arith.constant 0 : index
    %get3A_56 = arith.constant 0 : index
    %get3A_57 = vector.load %arg8[%get3A_55, %get3A_56] : memref<128x128xf32, #tpu.memory_space<vmem>>, vector<128x128xf32>
    %dot_general3A = arith.constant dense<0.000000e+00> : vector<1000x128xf32>
    %dot_general3A_58 = tpu.matmul %div3A_52, %get3A_57, %dot_general3A {dimension_numbers = #tpu.dot_dimension_numbers<[1], [0], [0], [1], [0, 0, 1, 1], [], []>, transpose_lhs_hint = false} : vector<1000x128xf32>, vector<128x128xf32>, vector<1000x128xf32> -> vector<1000x128xf32>
    %swap3A_59 = arith.constant 0 : index
    %swap3A_60 = arith.constant 0 : index
    %swap3A_61 = vector.load %arg10[%swap3A_59, %swap3A_60] : memref<1000x128xf32, #tpu.memory_space<vmem>>, vector<1000x128xf32>
    tpu.vector_store %arg10[%swap3A_59, %swap3A_60], %dot_general3A_58 {strides = array<i32>} : memref<1000x128xf32, #tpu.memory_space<vmem>>, vector<1000x128xf32>,
    %sub3A_62 = vector.broadcast %get3A_0 : f32 to vector<1000x1xf32>
    %sub3A_63 = arith.subf %sub3A_62, %get3A_3 : vector<1000x1xf32>
    %mul3A_64 = arith.constant 2.000000e+00 : f32
    %mul3A_65 = vector.broadcast %mul3A_64 : f32 to vector<1000x1xf32>
    %mul3A_66 = arith.mulf %mul3A_65, %sub3A_63 : vector<1000x1xf32>
    %add3A_67 = arith.constant 2.71828175 : f32
    %add3A_68 = vector.broadcast %add3A_67 : f32 to vector<1000x1xf32>
    %add3A_69 = arith.addf %add3A_68, %mul3A_66 : vector<1000x1xf32>
    %log3A = math.log %add3A_69 : vector<1000x1xf32>
    %div3A_70 = arith.constant 1.000000e+00 : f32
    %div3A_71 = vector.broadcast %div3A_70 : f32 to vector<1000x1xf32>
    %div3A_72 = arith.divf %div3A_71, %log3A : vector<1000x1xf32>
    %swap3A_73 = arith.constant 0 : index
    %swap3A_74 = arith.constant 0 : index
    %swap3A_75 = vector.load %arg11[%swap3A_73, %swap3A_74] : memref<1000x1xf32, #tpu.memory_space<vmem>>, vector<1000x1xf32>
    tpu.vector_store %arg11[%swap3A_73, %swap3A_74], %div3A_72 {strides = array<i32>} : memref<1000x1xf32, #tpu.memory_space<vmem>>, vector<1000x1xf32>,
    return
  }
  func.func @transform_0(%arg0: i32) -> i32 {
    %c0_i32 = arith.constant 0 : i32
    %c0_i32_0 = arith.constant 0 : i32
    return %c0_i32 : i32
  }
  func.func @transform_1(%arg0: i32) -> (i32, i32) {
    %c0_i32 = arith.constant 0 : i32
    %c0_i32_0 = arith.constant 0 : i32
    return %arg0, %c0_i32 : i32, i32
  }
  func.func @transform_2(%arg0: i32) -> (i32, i32) {
    %c0_i32 = arith.constant 0 : i32
    %c0_i32_0 = arith.constant 0 : i32
    return %arg0, %c0_i32 : i32, i32
  }
  func.func @transform_3(%arg0: i32) -> (i32, i32) {
    %c0_i32 = arith.constant 0 : i32
    %c0_i32_0 = arith.constant 0 : i32
    %c0_i32_1 = arith.constant 0 : i32
    return %c0_i32, %c0_i32_0 : i32, i32
  }
  func.func @transform_4(%arg0: i32) -> (i32, i32) {
    %c0_i32 = arith.constant 0 : i32
    %c0_i32_0 = arith.constant 0 : i32
    %c0_i32_1 = arith.constant 0 : i32
    return %c0_i32, %c0_i32_0 : i32, i32
  }
  func.func @transform_5(%arg0: i32) -> (i32, i32) {
    %c0_i32 = arith.constant 0 : i32
    %c0_i32_0 = arith.constant 0 : i32
    %c0_i32_1 = arith.constant 0 : i32
    return %c0_i32, %c0_i32_0 : i32, i32
  }
  func.func @transform_6(%arg0: i32) -> (i32, i32) {
    %c0_i32 = arith.constant 0 : i32
    %c0_i32_0 = arith.constant 0 : i32
    %c0_i32_1 = arith.constant 0 : i32
    return %c0_i32, %c0_i32_0 : i32, i32
  }
  func.func @transform_7(%arg0: i32) -> (i32, i32) {
    %c0_i32 = arith.constant 0 : i32
    %c0_i32_0 = arith.constant 0 : i32
    %c0_i32_1 = arith.constant 0 : i32
    return %c0_i32, %c0_i32_0 : i32, i32
  }
  func.func @transform_8(%arg0: i32) -> (i32, i32) {
    %c0_i32 = arith.constant 0 : i32
    %c0_i32_0 = arith.constant 0 : i32
    return %arg0, %c0_i32 : i32, i32
  }
  func.func @transform_9(%arg0: i32) -> (i32, i32) {
    %c0_i32 = arith.constant 0 : i32
    %c0_i32_0 = arith.constant 0 : i32
    return %arg0, %c0_i32 : i32, i32
  }
  func.func @transform_10(%arg0: i32) -> (i32, i32) {
    %c0_i32 = arith.constant 0 : i32
    %c0_i32_0 = arith.constant 0 : i32
    return %arg0, %c0_i32 : i32, i32
  }
}

module attributes {stable_mosaic.version = 14 : i64} {
  func.func @_hist_body(%arg0: i32, %arg1: memref<1xf32, #tpu.memory_space<smem>>, %arg2: memref<400x8xf32, #tpu.memory_space<vmem>>, %arg3: memref<400x8x256xf32, #tpu.memory_space<vmem>>, %arg4: memref<400x256xf32, #tpu.memory_space<vmem>>) attributes {dimension_semantics = [#tpu.dimension_semantics<arbitrary>], iteration_bounds = array<i64: 25>, scalar_prefetch = 0 : i64, scratch_operands = 0 : i64, tpu.core_type = #tpu.core_type<tc>, window_params = [{transform_indices = @transform_0, window_bounds = array<i64: 1>}, {transform_indices = @transform_1, window_bounds = array<i64: 400, 8>}, {transform_indices = @transform_2, window_bounds = array<i64: 400, 8, 256>}, {transform_indices = @transform_3, window_bounds = array<i64: 400, 256>}]} {
    %get3A = arith.constant 0 : index
    %get3A_0 = memref.load %arg1[%get3A] : memref<1xf32, #tpu.memory_space<smem>>
    %get3A_1 = arith.constant 0 : index
    %get3A_2 = arith.constant 0 : index
    %get3A_3 = vector.load %arg2[%get3A_1, %get3A_2] : memref<400x8xf32, #tpu.memory_space<vmem>>, vector<400x8xf32>
    %sub3A = vector.broadcast %get3A_0 : f32 to vector<400x8xf32>
    %sub3A_4 = arith.subf %sub3A, %get3A_3 : vector<400x8xf32>
    %mul3A = arith.constant 2.000000e+00 : f32
    %mul3A_5 = vector.broadcast %mul3A : f32 to vector<400x8xf32>
    %mul3A_6 = arith.mulf %mul3A_5, %sub3A_4 : vector<400x8xf32>
    %add3A = arith.constant 1.000000e+00 : f32
    %add3A_7 = vector.broadcast %add3A : f32 to vector<400x8xf32>
    %add3A_8 = arith.addf %add3A_7, %mul3A_6 : vector<400x8xf32>
    %div3A = arith.constant 1.000000e+00 : f32
    %div3A_9 = vector.broadcast %div3A : f32 to vector<400x8xf32>
    %div3A_10 = arith.divf %div3A_9, %add3A_8 : vector<400x8xf32>
    %broadcast_in_dim3A = vector.shape_cast %div3A_10 : vector<400x8xf32> to vector<400x8x1xf32>
    %get3A_11 = arith.constant 0 : index
    %get3A_12 = arith.constant 0 : index
    %get3A_13 = arith.constant 0 : index
    %get3A_14 = vector.load %arg3[%get3A_11, %get3A_12, %get3A_13] : memref<400x8x256xf32, #tpu.memory_space<vmem>>, vector<400x8x256xf32>
    %mul3A_15 = vector.broadcast %broadcast_in_dim3A : vector<400x8x1xf32> to vector<400x8x256xf32>
    %mul3A_16 = arith.mulf %mul3A_15, %get3A_14 : vector<400x8x256xf32>
    %reduce_sum3A = arith.constant dense<0.000000e+00> : vector<400x256xf32>
    %reduce_sum3A_17 = vector.multi_reduction <add>, %mul3A_16, %reduce_sum3A [1] : vector<400x8x256xf32> to vector<400x256xf32>
    %swap3A = arith.constant 0 : index
    %swap3A_18 = arith.constant 0 : index
    %swap3A_19 = vector.load %arg4[%swap3A, %swap3A_18] : memref<400x256xf32, #tpu.memory_space<vmem>>, vector<400x256xf32>
    tpu.vector_store %arg4[%swap3A, %swap3A_18], %reduce_sum3A_17 {strides = array<i32>} : memref<400x256xf32, #tpu.memory_space<vmem>>, vector<400x256xf32>,
    return
  }
  func.func @transform_0(%arg0: i32) -> i32 {
    %c0_i32 = arith.constant 0 : i32
    %c0_i32_0 = arith.constant 0 : i32
    return %c0_i32 : i32
  }
  func.func @transform_1(%arg0: i32) -> (i32, i32) {
    %c0_i32 = arith.constant 0 : i32
    %c0_i32_0 = arith.constant 0 : i32
    return %arg0, %c0_i32 : i32, i32
  }
  func.func @transform_2(%arg0: i32) -> (i32, i32, i32) {
    %c0_i32 = arith.constant 0 : i32
    %c0_i32_0 = arith.constant 0 : i32
    %c0_i32_1 = arith.constant 0 : i32
    return %arg0, %c0_i32, %c0_i32_0 : i32, i32, i32
  }
  func.func @transform_3(%arg0: i32) -> (i32, i32) {
    %c0_i32 = arith.constant 0 : i32
    %c0_i32_0 = arith.constant 0 : i32
    return %arg0, %c0_i32 : i32, i32
  }
}

module attributes {stable_mosaic.version = 14 : i64} {
  func.func @_combine_body(%arg0: i32, %arg1: memref<1000x256xf32, #tpu.memory_space<vmem>>, %arg2: memref<1000x128xf32, #tpu.memory_space<vmem>>, %arg3: memref<1000x128xf32, #tpu.memory_space<vmem>>, %arg4: memref<1000x128xf32, #tpu.memory_space<vmem>>, %arg5: memref<128x256xf32, #tpu.memory_space<vmem>>, %arg6: memref<128x128xf32, #tpu.memory_space<vmem>>, %arg7: memref<128x128xf32, #tpu.memory_space<vmem>>, %arg8: memref<1000x128xf32, #tpu.memory_space<vmem>>) attributes {dimension_semantics = [#tpu.dimension_semantics<arbitrary>], iteration_bounds = array<i64: 10>, scalar_prefetch = 0 : i64, scratch_operands = 0 : i64, tpu.core_type = #tpu.core_type<tc>, window_params = [{transform_indices = @transform_0, window_bounds = array<i64: 1000, 256>}, {transform_indices = @transform_1, window_bounds = array<i64: 1000, 128>}, {transform_indices = @transform_2, window_bounds = array<i64: 1000, 128>}, {transform_indices = @transform_3, window_bounds = array<i64: 1000, 128>}, {pipeline_mode = #tpu.pipeline_mode<synchronous>, transform_indices = @transform_4, window_bounds = array<i64: 128, 256>}, {pipeline_mode = #tpu.pipeline_mode<synchronous>, transform_indices = @transform_5, window_bounds = array<i64: 128, 128>}, {pipeline_mode = #tpu.pipeline_mode<synchronous>, transform_indices = @transform_6, window_bounds = array<i64: 128, 128>}, {transform_indices = @transform_7, window_bounds = array<i64: 1000, 128>}]} {
    %get3A = arith.constant 0 : index
    %get3A_0 = arith.constant 0 : index
    %get3A_1 = vector.load %arg3[%get3A, %get3A_0] : memref<1000x128xf32, #tpu.memory_space<vmem>>, vector<1000x128xf32>
    %get3A_2 = arith.constant 0 : index
    %get3A_3 = arith.constant 0 : index
    %get3A_4 = vector.load %arg4[%get3A_2, %get3A_3] : memref<1000x128xf32, #tpu.memory_space<vmem>>, vector<1000x128xf32>
    %add3A = arith.addf %get3A_1, %get3A_4 : vector<1000x128xf32>
    %get3A_5 = arith.constant 0 : index
    %get3A_6 = arith.constant 0 : index
    %get3A_7 = vector.load %arg1[%get3A_5, %get3A_6] : memref<1000x256xf32, #tpu.memory_space<vmem>>, vector<1000x256xf32>
    %get3A_8 = arith.constant 0 : index
    %get3A_9 = arith.constant 0 : index
    %get3A_10 = vector.load %arg5[%get3A_8, %get3A_9] : memref<128x256xf32, #tpu.memory_space<vmem>>, vector<128x256xf32>
    %dot_general3A = arith.constant dense<0.000000e+00> : vector<1000x128xf32>
    %dot_general3A_11 = tpu.matmul %get3A_7, %get3A_10, %dot_general3A {dimension_numbers = #tpu.dot_dimension_numbers<[1], [1], [0], [0], [0, 0, 1, 0], [], []>, transpose_lhs_hint = false} : vector<1000x256xf32>, vector<128x256xf32>, vector<1000x128xf32> -> vector<1000x128xf32>
    %get3A_12 = arith.constant 0 : index
    %get3A_13 = arith.constant 0 : index
    %get3A_14 = vector.load %arg2[%get3A_12, %get3A_13] : memref<1000x128xf32, #tpu.memory_space<vmem>>, vector<1000x128xf32>
    %get3A_15 = arith.constant 0 : index
    %get3A_16 = arith.constant 0 : index
    %get3A_17 = vector.load %arg6[%get3A_15, %get3A_16] : memref<128x128xf32, #tpu.memory_space<vmem>>, vector<128x128xf32>
    %dot_general3A_18 = arith.constant dense<0.000000e+00> : vector<1000x128xf32>
    %dot_general3A_19 = tpu.matmul %get3A_14, %get3A_17, %dot_general3A_18 {dimension_numbers = #tpu.dot_dimension_numbers<[1], [1], [0], [0], [0, 0, 1, 0], [], []>, transpose_lhs_hint = false} : vector<1000x128xf32>, vector<128x128xf32>, vector<1000x128xf32> -> vector<1000x128xf32>
    %add3A_20 = arith.addf %dot_general3A_11, %dot_general3A_19 : vector<1000x128xf32>
    %get3A_21 = arith.constant 0 : index
    %get3A_22 = arith.constant 0 : index
    %get3A_23 = vector.load %arg7[%get3A_21, %get3A_22] : memref<128x128xf32, #tpu.memory_space<vmem>>, vector<128x128xf32>
    %dot_general3A_24 = arith.constant dense<0.000000e+00> : vector<1000x128xf32>
    %dot_general3A_25 = tpu.matmul %add3A, %get3A_23, %dot_general3A_24 {dimension_numbers = #tpu.dot_dimension_numbers<[1], [1], [0], [0], [0, 0, 1, 0], [], []>, transpose_lhs_hint = false} : vector<1000x128xf32>, vector<128x128xf32>, vector<1000x128xf32> -> vector<1000x128xf32>
    %add3A_26 = arith.addf %add3A_20, %dot_general3A_25 : vector<1000x128xf32>
    %max3A = arith.constant 0.000000e+00 : f32
    %max3A_27 = vector.broadcast %max3A : f32 to vector<1000x128xf32>
    %max3A_28 = arith.maximumf %add3A_26, %max3A_27 : vector<1000x128xf32>
    %swap3A = arith.constant 0 : index
    %swap3A_29 = arith.constant 0 : index
    %swap3A_30 = vector.load %arg8[%swap3A, %swap3A_29] : memref<1000x128xf32, #tpu.memory_space<vmem>>, vector<1000x128xf32>
    tpu.vector_store %arg8[%swap3A, %swap3A_29], %max3A_28 {strides = array<i32>} : memref<1000x128xf32, #tpu.memory_space<vmem>>, vector<1000x128xf32>,
    return
  }
  func.func @transform_0(%arg0: i32) -> (i32, i32) {
    %c0_i32 = arith.constant 0 : i32
    %c0_i32_0 = arith.constant 0 : i32
    return %arg0, %c0_i32 : i32, i32
  }
  func.func @transform_1(%arg0: i32) -> (i32, i32) {
    %c0_i32 = arith.constant 0 : i32
    %c0_i32_0 = arith.constant 0 : i32
    return %arg0, %c0_i32 : i32, i32
  }
  func.func @transform_2(%arg0: i32) -> (i32, i32) {
    %c0_i32 = arith.constant 0 : i32
    %c0_i32_0 = arith.constant 0 : i32
    return %arg0, %c0_i32 : i32, i32
  }
  func.func @transform_3(%arg0: i32) -> (i32, i32) {
    %add3A = arith.constant 10 : i32
    %add3A_0 = arith.addi %arg0, %add3A : i32
    %c0_i32 = arith.constant 0 : i32
    %c0_i32_1 = arith.constant 0 : i32
    return %add3A_0, %c0_i32 : i32, i32
  }
  func.func @transform_4(%arg0: i32) -> (i32, i32) {
    %c0_i32 = arith.constant 0 : i32
    %c0_i32_0 = arith.constant 0 : i32
    %c0_i32_1 = arith.constant 0 : i32
    return %c0_i32, %c0_i32_0 : i32, i32
  }
  func.func @transform_5(%arg0: i32) -> (i32, i32) {
    %c0_i32 = arith.constant 0 : i32
    %c0_i32_0 = arith.constant 0 : i32
    %c0_i32_1 = arith.constant 0 : i32
    return %c0_i32, %c0_i32_0 : i32, i32
  }
  func.func @transform_6(%arg0: i32) -> (i32, i32) {
    %c0_i32 = arith.constant 0 : i32
    %c0_i32_0 = arith.constant 0 : i32
    %c0_i32_1 = arith.constant 0 : i32
    return %c0_i32, %c0_i32_0 : i32, i32
  }
  func.func @transform_7(%arg0: i32) -> (i32, i32) {
    %c0_i32 = arith.constant 0 : i32
    %c0_i32_0 = arith.constant 0 : i32
    return %arg0, %c0_i32 : i32, i32
  }
}

</mosaic_0001>

<sc_bundles>
// kernel: kernel.6.cloned.1.call-start
scs
__scs_entry_jumppad:
0x0: {  	(pc) =	sbr.rel $0x88, $3  }
0x1: {  	(tag) =	ssettag $0x0;
	lr =	simm.s32 $0x1  }
0x2: {  	[smem:$0x3F95] =	sst lr;
	_ =	strace $0xD0000000  }
0x3: {  	_ = 	snop  }
0x4: {  	_ = 	snop  }
0x5: {  	_ = 	snop  }
0x6: {  	_ = 	snop  }
0x7: {  	_ = 	snop  }
__scs_overlays_trampoline_lowered:
0x8: {  	[smem:$0x3FA4] =	sst s0  }
0x9: {  	[smem:$0x3FA5] =	sst s1  }
0xa: {  	[smem:$0x3FA6] =	sst s2  }
0xb: {  	[smem:$0x3FA7] =	sst s3  }
0xc: {  	[smem:$0x3FA8] =	sst s4  }
0xd: {  	[smem:$0x3FA9] =	sst s5  }
0xe: {  	[smem:$0x3FAA] =	sst s6  }
0xf: {  	[smem:$0x3FAB] =	sst s7  }
0x10: {  	[smem:$0x3FAC] =	sst s8  }
0x11: {  	[smem:$0x3FAD] =	sst s9;
	s0 =	simm.s32 @!p0 $0x0  }
0x12: {  	s1 =	sld [smem:$0x3F93];
	s0 =	simm.s32 @p0 $0x1  }
0x13: {  	[smem:$0x3FAE] =	sst s0;
	s0 =	simm.s32 @!p1 $0x0  }
0x14: {  	s2 =	sld [smem:$0x3F92];
	s0 =	simm.s32 @p1 $0x1  }
0x15: {  	[smem:$0x3FAF] =	sst s0;
	s0 =	simm.s32 @!p2 $0x0  }
0x16: {  	s3 =	sld [smem:$0x3FDB];
	s0 =	simm.s32 @p2 $0x1  }
0x17: {  	s4 =	simm.s32 $0x1BF5;
	[smem:$0x3FB1] =	sst s0  }
0x18: {  	s0 =	sld [smem:$0x3F94];
	_ =	swait.ge [sflag:s4], $0x0  }
0x19: {  	s7 =	sld [smem:$0x3F95]  }
0x1a: {  	s8 =	sadd.s32 $0xFFFFE003, lr  }
0x1b: {  	s9 =	sadd.s32 $0xFFFFFEF7, lr;
	s5 =	simm.s32 $0xFFFFFFFF;
	p2 =	slt.u32 s8, $0xFFFFF086  }
0x1c: {  	p1 =	slt.u32 s9, $0xF7A;
	s5 =	simm.s32 @!p2 $0x0  }
0x1d: {  	s5 =	simm.s32 @p1 $0x1;
	p0 =	seq.s32 s7, s2  }
0x1e: {  	s7 =	smul.u32 @!p0 $0xF7A, s2;
	p2 =	seq.s32 @!p0 s5, $0x0  }
0x1f: {  	s9 =	smul.u32 $0xF7A, s1;
	s8 =	simm.s32 @!p0 $0x1BF5;
	p2 =	por !p2, p0  }
0x20: {  	[sflag:s8] =	ssyncset.s32 @!p0 $0xFFFFF086;
	s6 =	sadd.s32 @!p0 s3, s7;
	s7 =	simm.s32 @!p0 $0x108  }
0x21: {  	s3 =	sadd.s32 s3, s9;
	s6 =	sadd.s32 @!p0 $0x88, s6;
	s7 =	simm.s32 @p2 $0x1082  }
0x22: {  	[simem:s7], [sflag:s8] =	dma.local @!p0 [hbm:s6], $0xF7A  }
0x23: {  	s9 =	sor.u32 $0xD0000000, s2;
	s6 =	simm.s32 $0x108;
	_ =	swait.ge @!p0 [sflag:s8], $0x0  }
0x24: {  	s3 =	sadd.s32 $0x88, s3;
	s6 =	simm.s32 @!p1 $0x1082;
	[sflag:s4] =	ssyncset.s32 $0xFFFFF086  }
0x25: {  	[simem:s6], [sflag:s4] =	dma.local [hbm:s3], $0xF7A  }
0x26: {  	[smem:$0x3F95] =	sst s1;
	(tag) =	ssettag s2;
	_ =	strace s9  }
0x27: {  	s1 =	sld [smem:$0x3FA5]  }
0x28: {  	s2 =	sld [smem:$0x3FA6]  }
0x29: {  	s4 =	sld [smem:$0x3FA8]  }
0x2a: {  	p0 =	seq.s32 s5, $0x0;
	s5 =	sld [smem:$0x3FA9]  }
0x2b: {  	s6 =	sld [smem:$0x3FAA]  }
0x2c: {  	s7 =	sld [smem:$0x3FAB]  }
0x2d: {  	s3 =	simm.s32 $0x108;
	s8 =	sld [smem:$0x3FAC]  }
0x2e: {  	s3 =	simm.s32 @!p0 $0x1082;
	s9 =	sld [smem:$0x3FAD]  }
0x2f: {  	lr =	sadd.s32 s0, s3;
	s0 =	sld [smem:$0x3FA4]  }
0x30: {  	s3 =	sld [smem:$0x3FA7]  }
0x31: {  	[smem:$0x3FB0] =	sst s10  }
0x32: {  	s10 =	sld [smem:$0x3FAE];
	_ =	sdelay $0x3  }
0x33: {  	p0 =	seq.s32 s10, $0x1;
	s10 =	sld [smem:$0x3FB0];
	_ =	sdelay $0x3  }
0x34: {  	[smem:$0x3FB0] =	sst s10  }
0x35: {  	s10 =	sld [smem:$0x3FAF];
	_ =	sdelay $0x3  }
0x36: {  	p1 =	seq.s32 s10, $0x1;
	s10 =	sld [smem:$0x3FB0];
	_ =	sdelay $0x3  }
0x37: {  	[smem:$0x3FB0] =	sst s10  }
0x38: {  	s10 =	sld [smem:$0x3FB1]  }
0x39: {  	_ = 	snop;
	(pc) =	sbr.ind lr, $3  }
0x3a: {  	_ = 	snop  }
0x3b: {  	_ = 	snop  }
0x3c: {  	p2 =	seq.s32 s10, $0x1;
	s10 =	sld [smem:$0x3FB0]  }
0x3d: {  	_ =	shalt  }
0x3e: {  	_ =	shalt  }
0x3f: {  	_ =	shalt  }
0x40: {  	_ =	shalt  }
0x41: {  	_ =	shalt  }
0x42: {  	_ =	shalt  }
0x43: {  	_ =	shalt  }
0x44: {  	_ =	shalt  }
0x45: {  	_ =	shalt  }
0x46: {  	_ =	shalt  }
0x47: {  	_ =	shalt  }
0x48: {  	_ =	shalt  }
0x49: {  	_ =	shalt  }
0x4a: {  	_ =	shalt  }
0x4b: {  	_ =	shalt  }
0x4c: {  	_ =	shalt  }
0x4d: {  	_ =	shalt  }
0x4e: {  	_ =	shalt  }
0x4f: {  	_ =	shalt  }
0x50: {  	_ =	shalt  }
0x51: {  	_ =	shalt  }
0x52: {  	_ =	shalt  }
0x53: {  	_ =	shalt  }
0x54: {  	_ =	shalt  }
0x55: {  	_ =	shalt  }
0x56: {  	_ =	shalt  }
0x57: {  	_ =	shalt  }
0x58: {  	_ =	shalt  }
0x59: {  	_ =	shalt  }
0x5a: {  	_ =	shalt  }
0x5b: {  	_ =	shalt  }
0x5c: {  	_ =	shalt  }
0x5d: {  	_ =	shalt  }
0x5e: {  	_ =	shalt  }
0x5f: {  	_ =	shalt  }
0x60: {  	_ =	shalt  }
0x61: {  	_ =	shalt  }
0x62: {  	_ =	shalt  }
0x63: {  	_ =	shalt  }
0x64: {  	_ =	shalt  }
0x65: {  	_ =	shalt  }
0x66: {  	_ =	shalt  }
0x67: {  	_ =	shalt  }
0x68: {  	_ =	shalt  }
0x69: {  	_ =	shalt  }
0x6a: {  	_ =	shalt  }
0x6b: {  	_ =	shalt  }
0x6c: {  	_ =	shalt  }
0x6d: {  	_ =	shalt  }
0x6e: {  	_ =	shalt  }
0x6f: {  	_ =	shalt  }
0x70: {  	_ =	shalt  }
0x71: {  	_ =	shalt  }
0x72: {  	_ =	shalt  }
0x73: {  	_ =	shalt  }
0x74: {  	_ =	shalt  }
0x75: {  	_ =	shalt  }
0x76: {  	_ =	shalt  }
0x77: {  	_ =	shalt  }
0x78: {  	_ =	shalt  }
0x79: {  	_ =	shalt  }
0x7a: {  	_ =	shalt  }
0x7b: {  	_ =	shalt  }
0x7c: {  	_ =	shalt  }
0x7d: {  	_ =	shalt  }
0x7e: {  	_ =	shalt  }
0x7f: {  	_ =	shalt  }
0x80: {  	_ =	shalt  }
0x81: {  	_ =	shalt  }
0x82: {  	_ =	shalt  }
0x83: {  	_ =	shalt  }
0x84: {  	_ =	shalt  }
0x85: {  	_ =	shalt  }
0x86: {  	_ =	shalt  }
0x87: {  	_ =	shalt  }
.Lfunc_end0:
.L_simem_size_0:
called_computation_lowered:
.L_overlay_start_0:
0x88: {  	s2 =	sld [smem:$0x3FD9]  }
0x89: {  	s3 =	sld [smem:$0x3FFE];
	_ =	sdelay $0x1  }
0x8a: {  	s1 =	srdreg.scid  }
0x8b: {  	s0 =	sand.u32 $0x1, s1  }
0x8c: {  	s17 =	sshll.u32 s0, $0xA;
	s2 =	sadd.s32 s3, s2  }
0x8d: {  	s2 =	sadd.s32 s2, s17  }
0x8e: {  	[smem:$0x3FBC] =	sst s2  }
0x8f: {  	_ = 	snop  }
0x90: {  	s2 =	sld [smem:$0x3FD0];
	(tm) =	ssettm $0x1  }
0x91: {  	s18 =	sld [smem:$0x3FFB];
	_ =	sdelay $0x3  }
0x92: {  	_ =	strace s18  }
0x93: {  	s3 =	sld [smem:$0x3FFC];
	_ =	sdelay $0x3  }
0x94: {  	_ =	strace s3  }
0x95: {  	s3 =	sld [smem:$0x3FFD];
	_ =	sdelay $0x3  }
0x96: {  	_ =	strace s3  }
0x97: {  	_ =	strace $0x8FFFFFFF  }
0x98: {  	s19 =	sld [smem:$0x3FDB];
	_ =	sdelay $0x1  }
0x99: {  	s4 =	simm.s32 $_scs_section_size  }
0x9a: {  	s5 =	simm.s32 $_size__tile_overlayer_lowered;
	s6 =	simm.s32 $_tile_overlayer_lowered  }
0x9b: {  	s22 =	simm.s32 $0x1BFF;
	s21 =	sshll.u32 s6, $0x1;
	s3 =	sadd.s32 s4, s19  }
0x9c: {  	s7 =	simm.s32 $0x0;
	s20 =	sshll.u32 s5, $0x1;
	s5 =	sadd.s32 s21, s3  }
0x9d: {  	[timem:s7], [sflag:s22] =	dma.local [hbm:s5], s20  }
0x9e: {  	_ =	swait.ge [sflag:s22], s20  }
0x9f: {  	s4 =	ssub.s32 $0x0, s20;
	[sflag:s22] =	ssyncset.done $0x0  }
0xa0: {  	[sflag:s22] =	ssyncadd.s32 s4;
	_ =	sdelay $0x1  }
0xa1: {  	s23 =	simm.s32 $0x1B8B  }
0xa2: {  	_ =	swait.ge [sflag:s23], $0x1  }
0xa3: {  	[sflag:s23] =	ssyncset.done $0x0  }
0xa4: {  	s25 =	simm.s32 $0x1B8E;
	s24 =	sld [smem:$0x3FFE];
	[sflag:s23] =	ssyncadd.s32 $0xFFFFFFFF  }
0xa5: {  	s26 =	simm.s32 $execute0_lowered;
	[smem:$0x3FD2] =	sst s25  }
0xa6: {  	s5 =	sshll.u32 s26, $0x1;
	_ =	strace $0x80000046;
	[dreg:$0x1] =	wrdreg $0xFFFFFFFF  }
0xa7: {  	s28 =	simm.s32 $_size_execute0_lowered;
	s3 =	sadd.s32 s3, s5;
	[dreg:$0x0] =	wrdreg $0x0  }
0xa8: {  	s5 =	sshll.u32 s28, $0x1;
	[dreg:$0x2] =	wrdreg s3  }
0xa9: {  	[dreg:$0x3] =	wrdreg s5  }
0xaa: {  	[dreg:$0x4] =	wrdreg $0xC0  }
0xab: {  	_ =	task [dreg:s7], $0x5FFFF  }
0xac: {  	[dreg:$0x1] =	wrdreg $0xFFFFFFFF  }
0xad: {  	[dreg:$0x0] =	wrdreg $0x60  }
0xae: {  	[dreg:$0x2] =	wrdreg s2  }
0xaf: {  	[dreg:$0x3] =	wrdreg s24  }
0xb0: {  	[dreg:$0x4] =	wrdreg $0xA4800  }
0xb1: {  	[dreg:$0x5] =	wrdreg $0x9  }
0xb2: {  	_ =	task.clear_ibuf [dreg:s7], $0x6FFFF;
	_ =	strace $0x90000046  }
0xb3: {  	s29 =	simm.s32 $0x9;
	_ =	strace $0x80000048  }
0xb4: {  	_ =	swait.ge [sflag:s29], $0x1  }
0xb5: {  	[sflag:s29] =	ssyncadd.s32 $0xFFFFFFFF  }
0xb6: {  	_ =	strace $0x90000048  }
0xb7: {  	_ =	sfence  }
0xb8: {  	s30 =	sld [smem:$0x0];
	_ =	sdelay $0x2  }
0xb9: {  	s31 =	sshll.u32 s1, $0xD;
	s1 =	sshrl.u32 s1, $0x2  }
0xba: {  	s3 =	sand.u32 $0x4000, s31;
	s1 =	sadd.s32 s1, s30  }
0xbb: {  	s0 =	sor.u32 s3, s0;
	s1 =	sshll.u32 s1, $0x11  }
0xbc: {  	s0 =	sor.u32 s1, s0  }
0xbd: {  	s0 =	sadd.s32 $0x8F2B, s0  }
0xbe: {  	[sflag:s0] =	ssyncadd.remote.s32 $0x1  }
0xbf: {  	_ =	sfence.sel $0xFFFF  }
0xc0: {  	[dreg:$0x0] =	wrdreg $0xFFFFFFFF;
	(pc) =	sbr.abs _section_cstart, $3  }
0xc1: {  	[dreg:$0x1] =	wrdreg $0xFFFFFFFF  }
0xc2: {  	_ =	task.clear_ibuf [dreg:s7], $0x2FFFF;
	_ =	strace $0x9FFFFFFF  }
0xc3: {  	(tm) =	ssettm $0x7FFFFFFF  }
tec
execute0_lowered:
.L_overlay_start_1:
0x0: {  	(tag) =	ssettag $0x1  }
0x1: {  	s1 =	rddreg [dreg:$0x0]  }
0x2: {  	s0 =	rddreg [dreg:$0x1]  }
0x3: {  	s2 =	rddreg [dreg:$0x2];
	s3 =	simm.s32 $0x0;
	s16 =	stileid.u32  }
0x4: {  	s4 =	srdreg.scid;
	s28 =	simm.s32 $0x100;
	s29 =	simm.s32 $0x4200  }
0x5: {  	s30 =	simm.s32 $0x180;
	s31 =	simm.s32 $0x6200;
	[smem:$0x7FF] =	sst s3  }
0x6: {  	s5 =	sadd.s32 $0x3C800, s0;
	s6 =	sadd.s32 $0x63A00, s0;
	s18 =	smul.u32 $0x2700, s16  }
0x7: {  	s7 =	sadd.s32 $0x15800, s0;
	s4 =	sand.u32 $0x1, s4;
	s8 =	smul.u32 $0x4E000, s16  }
0x8: {  	s10 =	sadd.s32 $0x8B200, s0;
	s20 =	sshll.u32 s16, $0x6;
	s21 =	sadd.s32 $0x138000, s2  }
0x9: {  	s22 =	sadd.s32 $0x8B000, s0;
	p0 =	sne.s32 s16, $0xF;
	_ =	strace $0x80000047  }
0xa: {  	s11 =	ssub.s32 $0x2, s4;
	[dreg:$0x5] =	wrdreg s21;
	s15 =	smul.u32 $0x27100, s4  }
0xb: {  	s13 =	sshll.u32 s4, $0x4;
	[dreg:$0x6] =	wrdreg s22;
	s4 =	smul.u32 $0x138800, s4  }
0xc: {  	s21 =	simm.s32 $0x4;
	s22 =	simm.s32 $0x40;
	s9 =	sadd.s32 s18, s0  }
0xd: {  	s12 =	sshrl.u32 s11, $0x1;
	s8 =	sshrl.u32 s8, $0x2;
	s19 =	sor.u32 s16, s13  }
0xe: {  	s16 =	simm.s32 $0x0;
	s11 =	ssub.s32 s11, s12;
	s14 =	smul.u32 $0x9C00, s19  }
0xf: {  	s8 =	sadd.s32 s8, s2;
	s9 =	sadd.s32 $0x64000, s9;
	s12 =	smul.u32 $0x2710, s19  }
0x10: {  	s3 =	sadd.s32 s18, s15;
	s4 =	sshrl.u32 s4, $0x3;
	s18 =	simm.s32 $0x8200  }
0x11: {  	s15 =	simm.s32 $0x10;
	[dreg:$0x4] =	wrdreg s9;
	s9 =	sor.u32 $0x1C04, s20  }
0x12: {  	s24 =	sadd.s32 s10, s3;
	s25 =	sadd.s32 s10, s4;
	s26 =	smax.u32 s11, $0x1  }
0x13: {  	s20 =	sshrl.u32 s8, $0x3;
	s3 =	simm.s32 $0x1;
	s8 =	simm.s32 $0x2  }
0x14: {  	s10 =	simm.s32 $0x3;
	s23 =	sshrl.u32 s14, $0x3;
	[dreg:$0xa] =	wrdreg s24  }
0x15: {  	s12 =	sshrl.u32 s12, $0x3;
	[dreg:$0xc] =	wrdreg s26;
	s24 =	simm.s32 $0x8300  }
0x16: {  	s26 =	simm.s32 $0xA300;
	s13 =	sadd.s32 s7, s23;
	s0 =	sadd.s32 s0, s12  }
0x17: {  	v0 =	vlaneseq.u32;
	s23 =	simm.s32 $0x200;
	[dreg:$0x7] =	wrdreg s13;
	s12 =	sadd.s32 $0x20E0, s0  }
0x18: {  	v1 =	vmul.u32 $0x80, v0;
	s13 =	sor.u32 $0x100, s14;
	s0 =	sadd.s32 $0xBEE0, s0;
	[dreg:$0x8] =	wrdreg s12  }
0x19: {  	s14 =	sor.u32 $0x200, s14;
	[dreg:$0x9] =	wrdreg s0;
	s0 =	sadd.s32 $0x27000, s25  }
0x1a: {  	v2 =	vor.u32 $0x800, v1;
	v3 =	vor.u32 $0x1000, v1;
	v4 =	vor.u32 $0x1800, v1;
	s25 =	simm.s32 $0x2200;
	[dreg:$0xb] =	wrdreg s0;
	s0 =	simm.s32 $0x8280  }
.LBB2_1:
0x1b: {  	s4 =	rddreg [dreg:$0x4]  }
0x1c: {  	[spmem:s20], [sflag:s9] =	dma.local [hbm:s4], $0x2700  }
0x1d: {  	_ =	swait.ge [sflag:s21], $0x2700  }
0x1e: {  	[sflag:s21] =	ssyncset.done $0x0;
	s4 =	rddreg [dreg:$0x5]  }
0x1f: {  	[sflag:s21] =	ssyncadd.s32 $0xFFFFD900;
	s17 =	sshrl.u32 @!p0 s4, $0x3;
	s4 =	rddreg [dreg:$0x6]  }
0x20: {  	[spmem:s17], [sflag:s9] =	dma.local @!p0 [hbm:s4], $0x100  }
0x21: {  	s4 =	simm.s32 @!p0 $0x4  }
0x22: {  	_ =	swait.ge @!p0 [sflag:s4], $0x100  }
0x23: {  	[sflag:s4] =	ssyncset.done @!p0 $0x0  }
0x24: {  	[sflag:s4] =	ssyncadd.s32 @!p0 $0xFFFFFF00  }
0x25: {  	[bflag:$0x0] =	sbarrier.arrive $0xFFFF  }
0x26: {  	s12 =	simm.s32 $0x0;
	s11 =	rddreg [dreg:$0x7]  }
0x27: {  	[tilespmem:s12], [sflag:$0x4] =	stream.linear.gather [hbm4b:s11+s12], $0x100, $0x38;
	[tilespmem:$0x1DD00] =	vst v63  }
0x28: {  	_ =	swait.ge [sflag:s21], $0x100  }
0x29: {  	[sflag:s21] =	ssyncset.done $0x0  }
0x2a: {  	[sflag:s21] =	ssyncadd.s32 $0xFFFFFF00  }
0x2b: {  	[tilespmem:s23], [sflag:$0x1] =	stream.indirect.gather [hbm4b:s1+s22], $0x80, s12, s22, $0xb8;
	[tilespmem:$0x1DD00] =	vst v63  }
0x2c: {  	s19 =	simm.s32 $0x80  }
0x2d: {  	[tilespmem:s25], [sflag:$0x1] =	stream.indirect.gather [hbm4b:s5+s22], $0x80, s19, s22, $0xb8;
	[tilespmem:$0x1DD00] =	vst v63  }
0x2e: {  	_ = 	snop  }
0x2f: {  	[tilespmem:s18], [sflag:$0x1] =	stream.indirect.gather [hbm4b:s6+s22], $0x1, s12, s22, $0xb8;
	[tilespmem:$0x1DD00] =	vst v63  }
0x30: {  	s18 =	simm.s32 $0x0  }
.LBB2_2:
0x31: {  	s19 =	sshll.u32 s18, $0x9  }
0x32: {  	s4 =	sadd.s32 s19, s13  }
0x33: {  	s4 =	sshrl.u32 s4, $0x3  }
0x34: {  	s11 =	simm.s32 $0x0;
	s4 =	sadd.s32 s7, s4  }
0x35: {  	[tilespmem:s28], [sflag:$0x4] =	stream.linear.gather [hbm4b:s4+s11], $0x100, $0x38;
	[tilespmem:$0x1DD00] =	vst v63  }
0x36: {  	_ =	swait.ge [sflag:s21], $0x100  }
0x37: {  	[sflag:s21] =	ssyncset.done $0x0  }
0x38: {  	[sflag:s21] =	ssyncadd.s32 $0xFFFFFF00  }
0x39: {  	[tilespmem:s29], [sflag:$0x2] =	stream.indirect.gather [hbm4b:s1+s22], $0x80, s28, s22, $0xb8;
	[tilespmem:$0x1DD00] =	vst v63  }
0x3a: {  	_ = 	snop  }
0x3b: {  	[tilespmem:s31], [sflag:$0x2] =	stream.indirect.gather [hbm4b:s5+s22], $0x80, s30, s22, $0xb8;
	[tilespmem:$0x1DD00] =	vst v63  }
0x3c: {  	_ = 	snop  }
0x3d: {  	[tilespmem:s0], [sflag:$0x2] =	stream.indirect.gather [hbm4b:s6+s22], $0x1, s28, s22, $0xb8;
	[tilespmem:$0x1DD00] =	vst v63  }
0x3e: {  	_ =	swait.ge [sflag:s3], $0x2000  }
0x3f: {  	[sflag:s3] =	ssyncset.done $0x0  }
0x40: {  	v5 =	vadd.s32 s11, v0;
	[sflag:s3] =	ssyncadd.s32 $0xFFFFE000  }
0x41: {  	s12 =	simm.s32 $0x1;
	v5 =	vand.u32 $0x7F, v5;
	_ =	swait.ge [sflag:s3], $0x2000  }
0x42: {  	v6 =	vadd.s32 s12, v0;
	v5 =	vor.u32 v1, v5;
	[sflag:s3] =	ssyncset.done $0x0  }
0x43: {  	v6 =	vand.u32 $0x7F, v6;
	s11 =	simm.s32 $0x2;
	[sflag:s3] =	ssyncadd.s32 $0xFFFFE000  }
0x44: {  	v6 =	vor.u32 v1, v6;
	v7 =	vadd.s32 s11, v0;
	_ =	swait.ge [sflag:s3], $0x40  }
0x45: {  	s12 =	simm.s32 $0x3;
	v7 =	vand.u32 $0x7F, v7;
	[sflag:s3] =	ssyncset.done $0x0  }
0x46: {  	v8 =	vadd.s32 s12, v0;
	v7 =	vor.u32 v1, v7;
	[sflag:s3] =	ssyncadd.s32 $0xFFFFFFC0  }
0x47: {  	v8 =	vand.u32 $0x7F, v8;
	s11 =	simm.s32 $0x4;
	v11 =	vld.idx.msk [tilespmem:v5+s23+$0x0], $0xffff  }
0x48: {  	v8 =	vor.u32 v1, v8;
	v9 =	vadd.s32 s11, v0;
	v12 =	vld.idx.msk [tilespmem:v5+s25+$0x0], $0xffff  }
0x49: {  	s12 =	simm.s32 $0x5;
	v13 =	vld.idx.msk [tilespmem:v6+s23+$0x0], $0xffff;
	v5 =	vand.u32 $0x7F, v9  }
0x4a: {  	v9 =	vadd.s32 s12, v0;
	v14 =	vld.idx.msk [tilespmem:v6+s25+$0x0], $0xffff;
	v17 =	vor.u32 v1, v5  }
0x4b: {  	s11 =	simm.s32 $0x6;
	v6 =	vld.idx.msk [tilespmem:v7+s23+$0x0], $0xffff;
	v5 =	vand.u32 $0x7F, v9  }
0x4c: {  	v9 =	vld.idx.msk [tilespmem:v7+s25+$0x0], $0xffff;
	v7 =	vadd.s32 s11, v0;
	v10 =	vor.u32 v1, v5  }
0x4d: {  	s12 =	simm.s32 $0x7;
	v5 =	vld.idx.msk [tilespmem:v8+s23+$0x0], $0xffff;
	v7 =	vand.u32 $0x7F, v7  }
0x4e: {  	s4 =	simm.s32 $0x8;
	v16 =	vmul.f32 v12, v11;
	v11 =	vld.idx.msk [tilespmem:v8+s25+$0x0], $0xffff;
	v8 =	vadd.s32 s12, v0;
	v12 =	vor.u32 v1, v7  }
0x4f: {  	v15 =	vimm.f32 $0.0e+00;
	v18 =	vadd.s32 s4, v0;
	v7 =	vld.idx.msk [tilespmem:v17+s23+$0x0], $0xffff;
	v8 =	vand.u32 $0x7F, v8  }
0x50: {  	s12 =	simm.s32 $0x9;
	v15 =	vadd.f32 v16, v15;
	v16 =	vmul.f32 v14, v13;
	v14 =	vld.idx.msk [tilespmem:v17+s25+$0x0], $0xffff;
	v13 =	vor.u32 v1, v8  }
0x51: {  	v18 =	vand.u32 $0x7F, v18;
	s11 =	simm.s32 $0x10;
	v17 =	vadd.s32 s12, v0;
	v8 =	vld.idx.msk [tilespmem:v10+s23+$0x0], $0xffff  }
.LBB2_3:
0x52: {  	p1 =	slt.u32 s11, $0x78;
	v18 =	vor.u32 v1, v18;
	s12 =	sadd.s32 $0x2, s4;
	v15 =	vadd.f32 v16, v15;
	v6 =	vmul.f32 v9, v6;
	v9 =	vld.idx.msk [tilespmem:v10+s25+$0x0], $0xffff  }
0x53: {  	v10 =	vand.u32 $0x7F, v17;
	v16 =	vadd.s32 s12, v0;
	v17 =	vld.idx.msk [tilespmem:v12+s23+$0x0], $0xffff  }
0x54: {  	v10 =	vor.u32 v1, v10;
	s12 =	sadd.s32 $0x3, s4;
	v5 =	vmul.f32 v11, v5;
	v6 =	vadd.f32 v6, v15;
	v11 =	vld.idx.msk [tilespmem:v12+s25+$0x0], $0xffff  }
0x55: {  	v12 =	vand.u32 $0x7F, v16;
	v15 =	vadd.s32 s12, v0;
	v16 =	vld.idx.msk [tilespmem:v13+s23+$0x0], $0xffff  }
0x56: {  	s12 =	sadd.s32 $0x4, s4;
	v12 =	vor.u32 v1, v12;
	v5 =	vadd.f32 v5, v6;
	v6 =	vmul.f32 v14, v7;
	v7 =	vld.idx.msk [tilespmem:v13+s25+$0x0], $0xffff  }
0x57: {  	v14 =	vand.u32 $0x7F, v15;
	v15 =	vadd.s32 s12, v0;
	v13 =	vld.idx.msk [tilespmem:v18+s23+$0x0], $0xffff  }
0x58: {  	s12 =	sadd.s32 $0x5, s4;
	v14 =	vor.u32 v1, v14;
	v18 =	vld.idx.msk [tilespmem:v18+s25+$0x0], $0xffff;
	v5 =	vadd.f32 v6, v5;
	v6 =	vmul.f32 v9, v8  }
0x59: {  	v9 =	vand.u32 $0x7F, v15;
	v15 =	vadd.s32 s12, v0;
	v8 =	vld.idx.msk [tilespmem:v10+s23+$0x0], $0xffff  }
0x5a: {  	s12 =	sadd.s32 $0x6, s4;
	v20 =	vor.u32 v1, v9;
	v11 =	vmul.f32 v11, v17;
	v19 =	vld.idx.msk [tilespmem:v10+s25+$0x0], $0xffff;
	v5 =	vadd.f32 v6, v5  }
0x5b: {  	v10 =	vand.u32 $0x7F, v15;
	v15 =	vadd.s32 s12, v0;
	v6 =	vld.idx.msk [tilespmem:v12+s23+$0x0], $0xffff  }
0x5c: {  	s12 =	sadd.s32 $0x7, s4;
	s4 =	smov.u32 s11;
	v10 =	vor.u32 v1, v10;
	v7 =	vmul.f32 v7, v16;
	v9 =	vld.idx.msk [tilespmem:v12+s25+$0x0], $0xffff;
	v17 =	vadd.f32 v11, v5  }
.Ltmp0:
0x5d: {  	v12 =	vand.u32 $0x7F, v15;
	v15 =	vadd.s32 s12, v0;
	v5 =	vld.idx.msk [tilespmem:v14+s23+$0x0], $0xffff;
	(pc) =	sbr.rel @p1 .LBB2_3-.Ltmp0, $4  }
0x5e: {  	v13 =	vmul.f32 v18, v13;
	v12 =	vor.u32 v1, v12;
	v11 =	vld.idx.msk [tilespmem:v14+s25+$0x0], $0xffff;
	v14 =	vadd.f32 v7, v17  }
0x5f: {  	v18 =	vand.u32 $0x7F, v15;
	v17 =	vadd.s32 s11, v0;
	v7 =	vld.idx.msk [tilespmem:v20+s23+$0x0], $0xffff  }
0x60: {  	s12 =	sadd.s32 $0x1, s11;
	v16 =	vmul.f32 v19, v8;
	v15 =	vadd.f32 v13, v14;
	v14 =	vld.idx.msk [tilespmem:v20+s25+$0x0], $0xffff;
	v13 =	vor.u32 v1, v18  }
0x61: {  	s11 =	sadd.s32 $0x8, s11;
	v18 =	vand.u32 $0x7F, v17;
	v17 =	vadd.s32 s12, v0;
	v8 =	vld.idx.msk [tilespmem:v10+s23+$0x0], $0xffff  }
0x62: {  	_ =	sdelay $0x3  }
0x63: {  	v18 =	vor.u32 v1, v18;
	s11 =	sadd.s32 $0x2, s4;
	v15 =	vadd.f32 v16, v15;
	v6 =	vmul.f32 v9, v6;
	v9 =	vld.idx.msk [tilespmem:v10+s25+$0x0], $0xffff  }
0x64: {  	v10 =	vand.u32 $0x7F, v17;
	v17 =	vld.idx.msk [tilespmem:v12+s23+$0x0], $0xffff;
	v16 =	vadd.s32 s11, v0  }
0x65: {  	s12 =	sadd.s32 $0x3, s4;
	v10 =	vor.u32 v1, v10;
	v5 =	vmul.f32 v11, v5;
	v11 =	vld.idx.msk [tilespmem:v12+s25+$0x0], $0xffff;
	v6 =	vadd.f32 v6, v15  }
0x66: {  	v12 =	vand.u32 $0x7F, v16;
	v15 =	vadd.s32 s12, v0;
	v16 =	vld.idx.msk [tilespmem:v13+s23+$0x0], $0xffff  }
0x67: {  	v12 =	vor.u32 v1, v12;
	v5 =	vadd.f32 v5, v6;
	v6 =	vmul.f32 v14, v7;
	v7 =	vld.idx.msk [tilespmem:v13+s25+$0x0], $0xffff  }
0x68: {  	s12 =	sadd.s32 $0x4, s4;
	v14 =	vand.u32 $0x7F, v15;
	v13 =	vld.idx.msk [tilespmem:v18+s23+$0x0], $0xffff  }
0x69: {  	v15 =	vadd.s32 s12, v0;
	v18 =	vld.idx.msk [tilespmem:v18+s25+$0x0], $0xffff;
	v14 =	vor.u32 v1, v14  }
0x6a: {  	v5 =	vadd.f32 v6, v5;
	v6 =	vmul.f32 v9, v8;
	v8 =	vld.idx.msk [tilespmem:v10+s23+$0x0], $0xffff;
	v9 =	vand.u32 $0x7F, v15  }
0x6b: {  	s12 =	sadd.s32 $0x5, s4;
	v10 =	vld.idx.msk [tilespmem:v10+s25+$0x0], $0xffff;
	v9 =	vor.u32 v1, v9  }
0x6c: {  	v15 =	vadd.s32 s12, v0;
	s12 =	sadd.s32 $0x6, s4;
	v5 =	vadd.f32 v6, v5;
	v6 =	vmul.f32 v11, v17;
	v11 =	vld.idx.msk [tilespmem:v12+s23+$0x0], $0xffff  }
0x6d: {  	v15 =	vand.u32 $0x7F, v15;
	v17 =	vadd.s32 s12, v0;
	v12 =	vld.idx.msk [tilespmem:v12+s25+$0x0], $0xffff  }
0x6e: {  	v15 =	vor.u32 v1, v15;
	s12 =	sadd.s32 $0x7, s4;
	v5 =	vadd.f32 v6, v5;
	v6 =	vmul.f32 v7, v16;
	v7 =	vld.idx.msk [tilespmem:v14+s23+$0x0], $0xffff  }
0x6f: {  	v16 =	vand.u32 $0x7F, v17;
	v17 =	vadd.s32 s12, v0;
	v13 =	vmul.f32 v18, v13;
	v14 =	vld.idx.msk [tilespmem:v14+s25+$0x0], $0xffff  }
0x70: {  	v16 =	vor.u32 v1, v16;
	v17 =	vand.u32 $0x7F, v17;
	v5 =	vadd.f32 v6, v5;
	v6 =	vld.idx.msk [tilespmem:v9+s23+$0x0], $0xffff  }
0x71: {  	v8 =	vmul.f32 v10, v8;
	v9 =	vld.idx.msk [tilespmem:v9+s25+$0x0], $0xffff;
	v10 =	vor.u32 v1, v17  }
0x72: {  	s11 =	simm.s32 $0x0;
	v5 =	vadd.f32 v13, v5  }
0x73: {  	v17 =	vadd.s32 s11, v0;
	v13 =	vld.idx.msk [tilespmem:v15+s23+$0x0], $0xffff  }
0x74: {  	s12 =	simm.s32 $0x1;
	v5 =	vadd.f32 v8, v5;
	v8 =	vmul.f32 v12, v11;
	v11 =	vld.idx.msk [tilespmem:v15+s25+$0x0], $0xffff;
	v12 =	vand.u32 $0x7F, v17  }
0x75: {  	v7 =	vmul.f32 v14, v7;
	v15 =	vld.idx.msk [tilespmem:v16+s23+$0x0], $0xffff;
	v17 =	vadd.s32 s12, v0;
	v12 =	vor.u32 v2, v12  }
0x76: {  	s11 =	simm.s32 $0x2;
	v14 =	vand.u32 $0x7F, v17;
	v6 =	vmul.f32 v9, v6;
	v9 =	vld.idx.msk [tilespmem:v10+s25+$0x0], $0xffff;
	v5 =	vadd.f32 v8, v5  }
0x77: {  	v17 =	vadd.s32 s11, v0;
	v8 =	vld.idx.msk [tilespmem:v16+s25+$0x0], $0xffff;
	v14 =	vor.u32 v2, v14  }
0x78: {  	s12 =	simm.s32 $0x3;
	v16 =	vld.idx.msk [tilespmem:v10+s23+$0x0], $0xffff;
	v10 =	vand.u32 $0x7F, v17;
	v7 =	vadd.f32 v7, v5  }
0x79: {  	v17 =	vadd.s32 s12, v0;
	v10 =	vor.u32 v2, v10;
	v5 =	vld [tilespmem:$0x8200]  }
0x7a: {  	s11 =	simm.s32 $0x4;
	v6 =	vadd.f32 v6, v7;
	v7 =	vmul.f32 v11, v13;
	v13 =	vld.idx.msk [tilespmem:v12+s23+$0x0], $0xffff;
	v11 =	vand.u32 $0x7F, v17  }
0x7b: {  	v17 =	vadd.s32 s11, v0;
	v18 =	vld.idx.msk [tilespmem:v12+s25+$0x0], $0xffff;
	v19 =	vor.u32 v2, v11  }
0x7c: {  	s12 =	simm.s32 $0x5;
	v20 =	vld.idx.msk [tilespmem:v14+s25+$0x0], $0xffff;
	v6 =	vadd.f32 v7, v6;
	v7 =	vmul.f32 v8, v15;
	v8 =	vand.u32 $0x7F, v17  }
0x7d: {  	v11 =	vadd.s32 s12, v0;
	v15 =	vld.idx.msk [tilespmem:v14+s23+$0x0], $0xffff;
	v21 =	vor.u32 v2, v8  }
0x7e: {  	s11 =	simm.s32 $0x6;
	v8 =	vmul.f32 v9, v16;
	v9 =	vand.u32 $0x7F, v11;
	v11 =	vld.idx.msk [tilespmem:v10+s25+$0x0], $0xffff;
	v6 =	vadd.f32 v7, v6  }
0x7f: {  	v7 =	vld.idx.msk [tilespmem:v10+s23+$0x0], $0xffff;
	v12 =	vor.u32 v2, v9;
	v9 =	vadd.s32 s11, v0  }
0x80: {  	s12 =	simm.s32 $0x7;
	v9 =	vand.u32 $0x7F, v9;
	v6 =	vadd.f32 v8, v6;
	v8 =	vld.idx.msk [tilespmem:v19+s23+$0x0], $0xffff  }
0x81: {  	s4 =	simm.s32 $0x8;
	v17 =	vadd.s32 s12, v0;
	v16 =	vmul.f32 v18, v13;
	v13 =	vld.idx.msk [tilespmem:v19+s25+$0x0], $0xffff;
	v14 =	vor.u32 v2, v9  }
0x82: {  	v22 =	vand.u32 $0x7F, v17;
	v10 =	vimm.f32 $0.0e+00;
	v19 =	vadd.s32 s4, v0;
	v9 =	vld.idx.msk [tilespmem:v21+s23+$0x0], $0xffff  }
0x83: {  	s12 =	simm.s32 $0x9;
	v17 =	vadd.f32 v16, v10;
	v18 =	vmul.f32 v20, v15;
	v15 =	vor.u32 v2, v22;
	v16 =	vld.idx.msk [tilespmem:v21+s25+$0x0], $0xffff  }
0x84: {  	s11 =	simm.s32 $0x10;
	v20 =	vand.u32 $0x7F, v19;
	v19 =	vadd.s32 s12, v0;
	v10 =	vld.idx.msk [tilespmem:v12+s23+$0x0], $0xffff  }
.LBB2_5:
0x85: {  	p1 =	slt.u32 s11, $0x78;
	v20 =	vor.u32 v2, v20;
	s12 =	sadd.s32 $0x2, s4;
	v17 =	vadd.f32 v18, v17;
	v7 =	vmul.f32 v11, v7;
	v11 =	vld.idx.msk [tilespmem:v12+s25+$0x0], $0xffff  }
0x86: {  	v12 =	vand.u32 $0x7F, v19;
	v18 =	vadd.s32 s12, v0;
	v19 =	vld.idx.msk [tilespmem:v14+s23+$0x0], $0xffff  }
0x87: {  	v12 =	vor.u32 v2, v12;
	s12 =	sadd.s32 $0x3, s4;
	v8 =	vmul.f32 v13, v8;
	v7 =	vadd.f32 v7, v17;
	v13 =	vld.idx.msk [tilespmem:v14+s25+$0x0], $0xffff  }
0x88: {  	v14 =	vand.u32 $0x7F, v18;
	v17 =	vadd.s32 s12, v0;
	v18 =	vld.idx.msk [tilespmem:v15+s23+$0x0], $0xffff  }
0x89: {  	s12 =	sadd.s32 $0x4, s4;
	v14 =	vor.u32 v2, v14;
	v7 =	vadd.f32 v8, v7;
	v8 =	vmul.f32 v16, v9;
	v9 =	vld.idx.msk [tilespmem:v15+s25+$0x0], $0xffff  }
0x8a: {  	v16 =	vand.u32 $0x7F, v17;
	v17 =	vadd.s32 s12, v0;
	v15 =	vld.idx.msk [tilespmem:v20+s23+$0x0], $0xffff  }
0x8b: {  	s12 =	sadd.s32 $0x5, s4;
	v16 =	vor.u32 v2, v16;
	v20 =	vld.idx.msk [tilespmem:v20+s25+$0x0], $0xffff;
	v7 =	vadd.f32 v8, v7;
	v8 =	vmul.f32 v11, v10  }
0x8c: {  	v11 =	vand.u32 $0x7F, v17;
	v17 =	vadd.s32 s12, v0;
	v10 =	vld.idx.msk [tilespmem:v12+s23+$0x0], $0xffff  }
0x8d: {  	s12 =	sadd.s32 $0x6, s4;
	v22 =	vor.u32 v2, v11;
	v13 =	vmul.f32 v13, v19;
	v21 =	vld.idx.msk [tilespmem:v12+s25+$0x0], $0xffff;
	v8 =	vadd.f32 v8, v7  }
0x8e: {  	v12 =	vand.u32 $0x7F, v17;
	v17 =	vadd.s32 s12, v0;
	v7 =	vld.idx.msk [tilespmem:v14+s23+$0x0], $0xffff  }
0x8f: {  	s12 =	sadd.s32 $0x7, s4;
	s4 =	smov.u32 s11;
	v12 =	vor.u32 v2, v12;
	v9 =	vmul.f32 v9, v18;
	v11 =	vld.idx.msk [tilespmem:v14+s25+$0x0], $0xffff;
	v19 =	vadd.f32 v13, v8  }
.Ltmp1:
0x90: {  	v14 =	vand.u32 $0x7F, v17;
	v17 =	vadd.s32 s12, v0;
	v8 =	vld.idx.msk [tilespmem:v16+s23+$0x0], $0xffff;
	(pc) =	sbr.rel @p1 .LBB2_5-.Ltmp1, $4  }
0x91: {  	v15 =	vmul.f32 v20, v15;
	v14 =	vor.u32 v2, v14;
	v13 =	vld.idx.msk [tilespmem:v16+s25+$0x0], $0xffff;
	v16 =	vadd.f32 v9, v19  }
0x92: {  	v20 =	vand.u32 $0x7F, v17;
	v19 =	vadd.s32 s11, v0;
	v9 =	vld.idx.msk [tilespmem:v22+s23+$0x0], $0xffff  }
0x93: {  	s12 =	sadd.s32 $0x1, s11;
	v18 =	vmul.f32 v21, v10;
	v17 =	vadd.f32 v15, v16;
	v16 =	vld.idx.msk [tilespmem:v22+s25+$0x0], $0xffff;
	v15 =	vor.u32 v2, v20  }
0x94: {  	s11 =	sadd.s32 $0x8, s11;
	v20 =	vand.u32 $0x7F, v19;
	v19 =	vadd.s32 s12, v0;
	v10 =	vld.idx.msk [tilespmem:v12+s23+$0x0], $0xffff  }
0x95: {  	_ =	sdelay $0x3  }
0x96: {  	v20 =	vor.u32 v2, v20;
	s11 =	sadd.s32 $0x2, s4;
	v17 =	vadd.f32 v18, v17;
	v7 =	vmul.f32 v11, v7;
	v11 =	vld.idx.msk [tilespmem:v12+s25+$0x0], $0xffff  }
0x97: {  	v12 =	vand.u32 $0x7F, v19;
	v19 =	vld.idx.msk [tilespmem:v14+s23+$0x0], $0xffff;
	v18 =	vadd.s32 s11, v0  }
0x98: {  	s12 =	sadd.s32 $0x3, s4;
	v12 =	vor.u32 v2, v12;
	v8 =	vmul.f32 v13, v8;
	v13 =	vld.idx.msk [tilespmem:v14+s25+$0x0], $0xffff;
	v7 =	vadd.f32 v7, v17  }
0x99: {  	v14 =	vand.u32 $0x7F, v18;
	v17 =	vadd.s32 s12, v0;
	v18 =	vld.idx.msk [tilespmem:v15+s23+$0x0], $0xffff  }
0x9a: {  	v14 =	vor.u32 v2, v14;
	v7 =	vadd.f32 v8, v7;
	v8 =	vmul.f32 v16, v9;
	v9 =	vld.idx.msk [tilespmem:v15+s25+$0x0], $0xffff  }
0x9b: {  	s12 =	sadd.s32 $0x4, s4;
	v16 =	vand.u32 $0x7F, v17;
	v15 =	vld.idx.msk [tilespmem:v20+s23+$0x0], $0xffff  }
0x9c: {  	v17 =	vadd.s32 s12, v0;
	v20 =	vld.idx.msk [tilespmem:v20+s25+$0x0], $0xffff;
	v16 =	vor.u32 v2, v16  }
0x9d: {  	v7 =	vadd.f32 v8, v7;
	v8 =	vmul.f32 v11, v10;
	v10 =	vld.idx.msk [tilespmem:v12+s23+$0x0], $0xffff;
	v11 =	vand.u32 $0x7F, v17  }
0x9e: {  	s12 =	sadd.s32 $0x5, s4;
	v12 =	vld.idx.msk [tilespmem:v12+s25+$0x0], $0xffff;
	v11 =	vor.u32 v2, v11  }
0x9f: {  	v17 =	vadd.s32 s12, v0;
	s12 =	sadd.s32 $0x6, s4;
	v7 =	vadd.f32 v8, v7;
	v8 =	vmul.f32 v13, v19;
	v13 =	vld.idx.msk [tilespmem:v14+s23+$0x0], $0xffff  }
0xa0: {  	v17 =	vand.u32 $0x7F, v17;
	v19 =	vadd.s32 s12, v0;
	v14 =	vld.idx.msk [tilespmem:v14+s25+$0x0], $0xffff  }
0xa1: {  	v17 =	vor.u32 v2, v17;
	s12 =	sadd.s32 $0x7, s4;
	v7 =	vadd.f32 v8, v7;
	v8 =	vmul.f32 v9, v18;
	v9 =	vld.idx.msk [tilespmem:v16+s23+$0x0], $0xffff  }
0xa2: {  	v18 =	vand.u32 $0x7F, v19;
	v19 =	vadd.s32 s12, v0;
	v15 =	vmul.f32 v20, v15;
	v16 =	vld.idx.msk [tilespmem:v16+s25+$0x0], $0xffff  }
0xa3: {  	v18 =	vor.u32 v2, v18;
	v19 =	vand.u32 $0x7F, v19;
	v7 =	vadd.f32 v8, v7;
	v8 =	vld.idx.msk [tilespmem:v11+s23+$0x0], $0xffff  }
0xa4: {  	v10 =	vmul.f32 v12, v10;
	v11 =	vld.idx.msk [tilespmem:v11+s25+$0x0], $0xffff;
	v12 =	vor.u32 v2, v19  }
0xa5: {  	s11 =	simm.s32 $0x0;
	v7 =	vadd.f32 v15, v7  }
0xa6: {  	v19 =	vadd.s32 s11, v0;
	v15 =	vld.idx.msk [tilespmem:v17+s23+$0x0], $0xffff  }
0xa7: {  	s12 =	simm.s32 $0x1;
	v7 =	vadd.f32 v10, v7;
	v10 =	vmul.f32 v14, v13;
	v13 =	vld.idx.msk [tilespmem:v17+s25+$0x0], $0xffff;
	v14 =	vand.u32 $0x7F, v19  }
0xa8: {  	v9 =	vmul.f32 v16, v9;
	v17 =	vld.idx.msk [tilespmem:v18+s23+$0x0], $0xffff;
	v19 =	vadd.s32 s12, v0;
	v14 =	vor.u32 v3, v14  }
0xa9: {  	s11 =	simm.s32 $0x2;
	v16 =	vand.u32 $0x7F, v19;
	v8 =	vmul.f32 v11, v8;
	v11 =	vld.idx.msk [tilespmem:v12+s25+$0x0], $0xffff;
	v7 =	vadd.f32 v10, v7  }
0xaa: {  	v19 =	vadd.s32 s11, v0;
	v10 =	vld.idx.msk [tilespmem:v18+s25+$0x0], $0xffff;
	v16 =	vor.u32 v3, v16  }
0xab: {  	s12 =	simm.s32 $0x3;
	v18 =	vld.idx.msk [tilespmem:v12+s23+$0x0], $0xffff;
	v12 =	vand.u32 $0x7F, v19;
	v9 =	vadd.f32 v9, v7  }
0xac: {  	v19 =	vadd.s32 s12, v0;
	v12 =	vor.u32 v3, v12;
	v7 =	vld [tilespmem:$0x8210]  }
0xad: {  	s11 =	simm.s32 $0x4;
	v8 =	vadd.f32 v8, v9;
	v9 =	vmul.f32 v13, v15;
	v15 =	vld.idx.msk [tilespmem:v14+s23+$0x0], $0xffff;
	v13 =	vand.u32 $0x7F, v19  }
0xae: {  	v19 =	vadd.s32 s11, v0;
	v20 =	vld.idx.msk [tilespmem:v14+s25+$0x0], $0xffff;
	v21 =	vor.u32 v3, v13  }
0xaf: {  	s12 =	simm.s32 $0x5;
	v22 =	vld.idx.msk [tilespmem:v16+s25+$0x0], $0xffff;
	v8 =	vadd.f32 v9, v8;
	v9 =	vmul.f32 v10, v17;
	v10 =	vand.u32 $0x7F, v19  }
0xb0: {  	v13 =	vadd.s32 s12, v0;
	v17 =	vld.idx.msk [tilespmem:v16+s23+$0x0], $0xffff;
	v23 =	vor.u32 v3, v10  }
0xb1: {  	s11 =	simm.s32 $0x6;
	v10 =	vmul.f32 v11, v18;
	v11 =	vand.u32 $0x7F, v13;
	v13 =	vld.idx.msk [tilespmem:v12+s25+$0x0], $0xffff;
	v8 =	vadd.f32 v9, v8  }
0xb2: {  	v9 =	vld.idx.msk [tilespmem:v12+s23+$0x0], $0xffff;
	v14 =	vor.u32 v3, v11;
	v11 =	vadd.s32 s11, v0  }
0xb3: {  	s12 =	simm.s32 $0x7;
	v11 =	vand.u32 $0x7F, v11;
	v8 =	vadd.f32 v10, v8;
	v10 =	vld.idx.msk [tilespmem:v21+s23+$0x0], $0xffff  }
0xb4: {  	s4 =	simm.s32 $0x8;
	v19 =	vadd.s32 s12, v0;
	v18 =	vmul.f32 v20, v15;
	v15 =	vld.idx.msk [tilespmem:v21+s25+$0x0], $0xffff;
	v16 =	vor.u32 v3, v11  }
0xb5: {  	v24 =	vand.u32 $0x7F, v19;
	v12 =	vimm.f32 $0.0e+00;
	v21 =	vadd.s32 s4, v0;
	v11 =	vld.idx.msk [tilespmem:v23+s23+$0x0], $0xffff  }
0xb6: {  	s12 =	simm.s32 $0x9;
	v19 =	vadd.f32 v18, v12;
	v20 =	vmul.f32 v22, v17;
	v17 =	vor.u32 v3, v24;
	v18 =	vld.idx.msk [tilespmem:v23+s25+$0x0], $0xffff  }
0xb7: {  	s11 =	simm.s32 $0x10;
	v22 =	vand.u32 $0x7F, v21;
	v21 =	vadd.s32 s12, v0;
	v12 =	vld.idx.msk [tilespmem:v14+s23+$0x0], $0xffff  }
.LBB2_7:
0xb8: {  	p1 =	slt.u32 s11, $0x78;
	v22 =	vor.u32 v3, v22;
	s12 =	sadd.s32 $0x2, s4;
	v19 =	vadd.f32 v20, v19;
	v9 =	vmul.f32 v13, v9;
	v13 =	vld.idx.msk [tilespmem:v14+s25+$0x0], $0xffff  }
0xb9: {  	v14 =	vand.u32 $0x7F, v21;
	v20 =	vadd.s32 s12, v0;
	v21 =	vld.idx.msk [tilespmem:v16+s23+$0x0], $0xffff  }
0xba: {  	v14 =	vor.u32 v3, v14;
	s12 =	sadd.s32 $0x3, s4;
	v10 =	vmul.f32 v15, v10;
	v9 =	vadd.f32 v9, v19;
	v15 =	vld.idx.msk [tilespmem:v16+s25+$0x0], $0xffff  }
0xbb: {  	v16 =	vand.u32 $0x7F, v20;
	v19 =	vadd.s32 s12, v0;
	v20 =	vld.idx.msk [tilespmem:v17+s23+$0x0], $0xffff  }
0xbc: {  	s12 =	sadd.s32 $0x4, s4;
	v16 =	vor.u32 v3, v16;
	v9 =	vadd.f32 v10, v9;
	v10 =	vmul.f32 v18, v11;
	v11 =	vld.idx.msk [tilespmem:v17+s25+$0x0], $0xffff  }
0xbd: {  	v18 =	vand.u32 $0x7F, v19;
	v19 =	vadd.s32 s12, v0;
	v17 =	vld.idx.msk [tilespmem:v22+s23+$0x0], $0xffff  }
0xbe: {  	s12 =	sadd.s32 $0x5, s4;
	v18 =	vor.u32 v3, v18;
	v22 =	vld.idx.msk [tilespmem:v22+s25+$0x0], $0xffff;
	v9 =	vadd.f32 v10, v9;
	v10 =	vmul.f32 v13, v12  }
0xbf: {  	v13 =	vand.u32 $0x7F, v19;
	v19 =	vadd.s32 s12, v0;
	v12 =	vld.idx.msk [tilespmem:v14+s23+$0x0], $0xffff  }
0xc0: {  	s12 =	sadd.s32 $0x6, s4;
	v24 =	vor.u32 v3, v13;
	v15 =	vmul.f32 v15, v21;
	v23 =	vld.idx.msk [tilespmem:v14+s25+$0x0], $0xffff;
	v10 =	vadd.f32 v10, v9  }
0xc1: {  	v14 =	vand.u32 $0x7F, v19;
	v19 =	vadd.s32 s12, v0;
	v9 =	vld.idx.msk [tilespmem:v16+s23+$0x0], $0xffff  }
0xc2: {  	s12 =	sadd.s32 $0x7, s4;
	s4 =	smov.u32 s11;
	v14 =	vor.u32 v3, v14;
	v11 =	vmul.f32 v11, v20;
	v13 =	vld.idx.msk [tilespmem:v16+s25+$0x0], $0xffff;
	v21 =	vadd.f32 v15, v10  }
.Ltmp2:
0xc3: {  	v16 =	vand.u32 $0x7F, v19;
	v19 =	vadd.s32 s12, v0;
	v10 =	vld.idx.msk [tilespmem:v18+s23+$0x0], $0xffff;
	(pc) =	sbr.rel @p1 .LBB2_7-.Ltmp2, $4  }
0xc4: {  	v17 =	vmul.f32 v22, v17;
	v16 =	vor.u32 v3, v16;
	v15 =	vld.idx.msk [tilespmem:v18+s25+$0x0], $0xffff;
	v18 =	vadd.f32 v11, v21  }
0xc5: {  	v22 =	vand.u32 $0x7F, v19;
	v21 =	vadd.s32 s11, v0;
	v11 =	vld.idx.msk [tilespmem:v24+s23+$0x0], $0xffff  }
0xc6: {  	s12 =	sadd.s32 $0x1, s11;
	v20 =	vmul.f32 v23, v12;
	v19 =	vadd.f32 v17, v18;
	v18 =	vld.idx.msk [tilespmem:v24+s25+$0x0], $0xffff;
	v17 =	vor.u32 v3, v22  }
0xc7: {  	s11 =	sadd.s32 $0x8, s11;
	v22 =	vand.u32 $0x7F, v21;
	v21 =	vadd.s32 s12, v0;
	v12 =	vld.idx.msk [tilespmem:v14+s23+$0x0], $0xffff  }
0xc8: {  	_ =	sdelay $0x3  }
0xc9: {  	v22 =	vor.u32 v3, v22;
	s11 =	sadd.s32 $0x2, s4;
	v19 =	vadd.f32 v20, v19;
	v9 =	vmul.f32 v13, v9;
	v13 =	vld.idx.msk [tilespmem:v14+s25+$0x0], $0xffff  }
0xca: {  	v14 =	vand.u32 $0x7F, v21;
	v21 =	vld.idx.msk [tilespmem:v16+s23+$0x0], $0xffff;
	v20 =	vadd.s32 s11, v0  }
0xcb: {  	s12 =	sadd.s32 $0x3, s4;
	v14 =	vor.u32 v3, v14;
	v10 =	vmul.f32 v15, v10;
	v15 =	vld.idx.msk [tilespmem:v16+s25+$0x0], $0xffff;
	v9 =	vadd.f32 v9, v19  }
0xcc: {  	v16 =	vand.u32 $0x7F, v20;
	v19 =	vadd.s32 s12, v0;
	v20 =	vld.idx.msk [tilespmem:v17+s23+$0x0], $0xffff  }
0xcd: {  	v16 =	vor.u32 v3, v16;
	v9 =	vadd.f32 v10, v9;
	v10 =	vmul.f32 v18, v11;
	v11 =	vld.idx.msk [tilespmem:v17+s25+$0x0], $0xffff  }
0xce: {  	s12 =	sadd.s32 $0x4, s4;
	v18 =	vand.u32 $0x7F, v19;
	v17 =	vld.idx.msk [tilespmem:v22+s23+$0x0], $0xffff  }
0xcf: {  	v19 =	vadd.s32 s12, v0;
	v22 =	vld.idx.msk [tilespmem:v22+s25+$0x0], $0xffff;
	v18 =	vor.u32 v3, v18  }
0xd0: {  	v9 =	vadd.f32 v10, v9;
	v10 =	vmul.f32 v13, v12;
	v12 =	vld.idx.msk [tilespmem:v14+s23+$0x0], $0xffff;
	v13 =	vand.u32 $0x7F, v19  }
0xd1: {  	s12 =	sadd.s32 $0x5, s4;
	v14 =	vld.idx.msk [tilespmem:v14+s25+$0x0], $0xffff;
	v13 =	vor.u32 v3, v13  }
0xd2: {  	v19 =	vadd.s32 s12, v0;
	s12 =	sadd.s32 $0x6, s4;
	v9 =	vadd.f32 v10, v9;
	v10 =	vmul.f32 v15, v21;
	v15 =	vld.idx.msk [tilespmem:v16+s23+$0x0], $0xffff  }
0xd3: {  	v19 =	vand.u32 $0x7F, v19;
	v21 =	vadd.s32 s12, v0;
	v16 =	vld.idx.msk [tilespmem:v16+s25+$0x0], $0xffff  }
0xd4: {  	v19 =	vor.u32 v3, v19;
	s12 =	sadd.s32 $0x7, s4;
	v9 =	vadd.f32 v10, v9;
	v10 =	vmul.f32 v11, v20;
	v11 =	vld.idx.msk [tilespmem:v18+s23+$0x0], $0xffff  }
0xd5: {  	v20 =	vand.u32 $0x7F, v21;
	v21 =	vadd.s32 s12, v0;
	v17 =	vmul.f32 v22, v17;
	v18 =	vld.idx.msk [tilespmem:v18+s25+$0x0], $0xffff  }
0xd6: {  	v20 =	vor.u32 v3, v20;
	v21 =	vand.u32 $0x7F, v21;
	v9 =	vadd.f32 v10, v9;
	v10 =	vld.idx.msk [tilespmem:v13+s23+$0x0], $0xffff  }
0xd7: {  	v12 =	vmul.f32 v14, v12;
	v13 =	vld.idx.msk [tilespmem:v13+s25+$0x0], $0xffff;
	v14 =	vor.u32 v3, v21  }
0xd8: {  	s11 =	simm.s32 $0x0;
	v9 =	vadd.f32 v17, v9  }
0xd9: {  	v21 =	vadd.s32 s11, v0;
	v17 =	vld.idx.msk [tilespmem:v19+s23+$0x0], $0xffff  }
0xda: {  	s12 =	simm.s32 $0x1;
	v9 =	vadd.f32 v12, v9;
	v12 =	vmul.f32 v16, v15;
	v15 =	vld.idx.msk [tilespmem:v19+s25+$0x0], $0xffff;
	v16 =	vand.u32 $0x7F, v21  }
0xdb: {  	v11 =	vmul.f32 v18, v11;
	v19 =	vld.idx.msk [tilespmem:v20+s23+$0x0], $0xffff;
	v21 =	vadd.s32 s12, v0;
	v16 =	vor.u32 v4, v16  }
0xdc: {  	s11 =	simm.s32 $0x2;
	v18 =	vand.u32 $0x7F, v21;
	v10 =	vmul.f32 v13, v10;
	v13 =	vld.idx.msk [tilespmem:v14+s25+$0x0], $0xffff;
	v9 =	vadd.f32 v12, v9  }
0xdd: {  	v21 =	vadd.s32 s11, v0;
	v12 =	vld.idx.msk [tilespmem:v20+s25+$0x0], $0xffff;
	v18 =	vor.u32 v4, v18  }
0xde: {  	s12 =	simm.s32 $0x3;
	v20 =	vld.idx.msk [tilespmem:v14+s23+$0x0], $0xffff;
	v14 =	vand.u32 $0x7F, v21;
	v11 =	vadd.f32 v11, v9  }
0xdf: {  	v21 =	vadd.s32 s12, v0;
	v14 =	vor.u32 v4, v14;
	v9 =	vld [tilespmem:$0x8220]  }
0xe0: {  	s11 =	simm.s32 $0x4;
	v10 =	vadd.f32 v10, v11;
	v11 =	vmul.f32 v15, v17;
	v15 =	vld.idx.msk [tilespmem:v16+s23+$0x0], $0xffff;
	v17 =	vand.u32 $0x7F, v21  }
0xe1: {  	v21 =	vadd.s32 s11, v0;
	v22 =	vld.idx.msk [tilespmem:v16+s25+$0x0], $0xffff;
	v17 =	vor.u32 v4, v17  }
0xe2: {  	s12 =	simm.s32 $0x5;
	v23 =	vld.idx.msk [tilespmem:v18+s25+$0x0], $0xffff;
	v10 =	vadd.f32 v11, v10;
	v11 =	vmul.f32 v12, v19;
	v12 =	vand.u32 $0x7F, v21  }
0xe3: {  	v16 =	vadd.s32 s12, v0;
	v19 =	vld.idx.msk [tilespmem:v18+s23+$0x0], $0xffff;
	v24 =	vor.u32 v4, v12  }
0xe4: {  	s11 =	simm.s32 $0x6;
	v12 =	vmul.f32 v13, v20;
	v13 =	vand.u32 $0x7F, v16;
	v16 =	vld.idx.msk [tilespmem:v14+s25+$0x0], $0xffff;
	v10 =	vadd.f32 v11, v10  }
0xe5: {  	v11 =	vld.idx.msk [tilespmem:v14+s23+$0x0], $0xffff;
	v14 =	vor.u32 v4, v13;
	v13 =	vadd.s32 s11, v0  }
0xe6: {  	s12 =	simm.s32 $0x7;
	v13 =	vand.u32 $0x7F, v13;
	v10 =	vadd.f32 v12, v10;
	v12 =	vld.idx.msk [tilespmem:v17+s23+$0x0], $0xffff  }
0xe7: {  	s4 =	simm.s32 $0x8;
	v21 =	vadd.s32 s12, v0;
	v15 =	vmul.f32 v22, v15;
	v18 =	vld.idx.msk [tilespmem:v17+s25+$0x0], $0xffff;
	v17 =	vor.u32 v4, v13  }
0xe8: {  	v25 =	vadd.s32 s4, v0;
	v20 =	vimm.f32 $0.0e+00;
	v26 =	vand.u32 $0x7F, v21;
	v13 =	vld.idx.msk [tilespmem:v24+s23+$0x0], $0xffff  }
0xe9: {  	s12 =	simm.s32 $0x9;
	v21 =	vadd.f32 v15, v20;
	v22 =	vmul.f32 v23, v19;
	v19 =	vor.u32 v4, v26;
	v20 =	vld.idx.msk [tilespmem:v24+s25+$0x0], $0xffff  }
0xea: {  	s11 =	simm.s32 $0x10;
	v23 =	vadd.s32 s12, v0;
	v24 =	vand.u32 $0x7F, v25;
	v15 =	vld.idx.msk [tilespmem:v14+s23+$0x0], $0xffff  }
.LBB2_9:
0xeb: {  	p1 =	slt.u32 s11, $0x78;
	v24 =	vor.u32 v4, v24;
	s12 =	sadd.s32 $0x2, s4;
	v21 =	vadd.f32 v22, v21;
	v11 =	vmul.f32 v16, v11;
	v14 =	vld.idx.msk [tilespmem:v14+s25+$0x0], $0xffff  }
0xec: {  	v16 =	vand.u32 $0x7F, v23;
	v22 =	vadd.s32 s12, v0;
	v23 =	vld.idx.msk [tilespmem:v17+s23+$0x0], $0xffff  }
0xed: {  	v16 =	vor.u32 v4, v16;
	s12 =	sadd.s32 $0x3, s4;
	v12 =	vmul.f32 v18, v12;
	v11 =	vadd.f32 v11, v21;
	v17 =	vld.idx.msk [tilespmem:v17+s25+$0x0], $0xffff  }
0xee: {  	v18 =	vand.u32 $0x7F, v22;
	v21 =	vadd.s32 s12, v0;
	v22 =	vld.idx.msk [tilespmem:v19+s23+$0x0], $0xffff  }
0xef: {  	s12 =	sadd.s32 $0x4, s4;
	v18 =	vor.u32 v4, v18;
	v11 =	vadd.f32 v12, v11;
	v12 =	vmul.f32 v20, v13;
	v13 =	vld.idx.msk [tilespmem:v19+s25+$0x0], $0xffff  }
0xf0: {  	v20 =	vand.u32 $0x7F, v21;
	v21 =	vadd.s32 s12, v0;
	v19 =	vld.idx.msk [tilespmem:v24+s23+$0x0], $0xffff  }
0xf1: {  	s12 =	sadd.s32 $0x5, s4;
	v20 =	vor.u32 v4, v20;
	v24 =	vld.idx.msk [tilespmem:v24+s25+$0x0], $0xffff;
	v11 =	vadd.f32 v12, v11;
	v12 =	vmul.f32 v14, v15  }
0xf2: {  	v14 =	vand.u32 $0x7F, v21;
	v21 =	vadd.s32 s12, v0;
	v15 =	vld.idx.msk [tilespmem:v16+s23+$0x0], $0xffff  }
0xf3: {  	s12 =	sadd.s32 $0x6, s4;
	v26 =	vor.u32 v4, v14;
	v17 =	vmul.f32 v17, v23;
	v25 =	vld.idx.msk [tilespmem:v16+s25+$0x0], $0xffff;
	v12 =	vadd.f32 v12, v11  }
0xf4: {  	v14 =	vand.u32 $0x7F, v21;
	v21 =	vadd.s32 s12, v0;
	v11 =	vld.idx.msk [tilespmem:v18+s23+$0x0], $0xffff  }
0xf5: {  	s12 =	sadd.s32 $0x7, s4;
	s4 =	smov.u32 s11;
	v14 =	vor.u32 v4, v14;
	v13 =	vmul.f32 v13, v22;
	v16 =	vld.idx.msk [tilespmem:v18+s25+$0x0], $0xffff;
	v23 =	vadd.f32 v17, v12  }
.Ltmp3:
0xf6: {  	v17 =	vand.u32 $0x7F, v21;
	v21 =	vadd.s32 s12, v0;
	v12 =	vld.idx.msk [tilespmem:v20+s23+$0x0], $0xffff;
	(pc) =	sbr.rel @p1 .LBB2_9-.Ltmp3, $4  }
0xf7: {  	v19 =	vmul.f32 v24, v19;
	v17 =	vor.u32 v4, v17;
	v18 =	vld.idx.msk [tilespmem:v20+s25+$0x0], $0xffff;
	v20 =	vadd.f32 v13, v23  }
0xf8: {  	v24 =	vand.u32 $0x7F, v21;
	v23 =	vadd.s32 s11, v0;
	v13 =	vld.idx.msk [tilespmem:v26+s23+$0x0], $0xffff  }
0xf9: {  	s12 =	sadd.s32 $0x1, s11;
	v22 =	vmul.f32 v25, v15;
	v21 =	vadd.f32 v19, v20;
	v20 =	vld.idx.msk [tilespmem:v26+s25+$0x0], $0xffff;
	v19 =	vor.u32 v4, v24  }
0xfa: {  	s11 =	sadd.s32 $0x8, s11;
	v24 =	vand.u32 $0x7F, v23;
	v23 =	vadd.s32 s12, v0;
	v15 =	vld.idx.msk [tilespmem:v14+s23+$0x0], $0xffff  }
0xfb: {  	_ =	sdelay $0x2  }
0xfc: {  	v21 =	vadd.f32 v22, v21;
	v11 =	vmul.f32 v16, v11  }
0xfd: {  	v16 =	vor.u32 v4, v24;
	v14 =	vld.idx.msk [tilespmem:v14+s25+$0x0], $0xffff  }
0xfe: {  	s11 =	sadd.s32 $0x2, s4;
	v22 =	vand.u32 $0x7F, v23;
	v23 =	vld.idx.msk [tilespmem:v17+s23+$0x0], $0xffff;
	v12 =	vmul.f32 v18, v12;
	v11 =	vadd.f32 v11, v21  }
0xff: {  	v17 =	vld.idx.msk [tilespmem:v17+s25+$0x0], $0xffff;
	v18 =	vadd.s32 s11, v0;
	v21 =	vor.u32 v4, v22  }
0x100: {  	s12 =	sadd.s32 $0x3, s4;
	v18 =	vand.u32 $0x7F, v18;
	v22 =	vld.idx.msk [tilespmem:v19+s23+$0x0], $0xffff;
	v11 =	vadd.f32 v12, v11;
	v12 =	vmul.f32 v20, v13  }
0x101: {  	v19 =	vld.idx.msk [tilespmem:v19+s25+$0x0], $0xffff;
	v18 =	vor.u32 v4, v18;
	v13 =	vadd.s32 s12, v0  }
0x102: {  	s12 =	sadd.s32 $0x4, s4;
	v20 =	vld.idx.msk [tilespmem:v16+s23+$0x0], $0xffff;
	v13 =	vand.u32 $0x7F, v13;
	v11 =	vadd.f32 v12, v11;
	v12 =	vmul.f32 v14, v15  }
0x103: {  	v14 =	vadd.s32 s12, v0;
	v15 =	vld.idx.msk [tilespmem:v16+s25+$0x0], $0xffff;
	v13 =	vor.u32 v4, v13  }
0x104: {  	s12 =	sadd.s32 $0x5, s4;
	v16 =	vld.idx.msk [tilespmem:v21+s23+$0x0], $0xffff;
	v14 =	vand.u32 $0x7F, v14;
	v11 =	vadd.f32 v12, v11;
	v12 =	vmul.f32 v17, v23  }
0x105: {  	v21 =	vld.idx.msk [tilespmem:v21+s25+$0x0], $0xffff;
	v17 =	vadd.s32 s12, v0;
	v14 =	vor.u32 v4, v14  }
0x106: {  	s12 =	sadd.s32 $0x6, s4;
	v23 =	vld.idx.msk [tilespmem:v18+s23+$0x0], $0xffff;
	v17 =	vand.u32 $0x7F, v17;
	v11 =	vadd.f32 v12, v11;
	v12 =	vmul.f32 v19, v22  }
0x107: {  	v18 =	vld.idx.msk [tilespmem:v18+s25+$0x0], $0xffff;
	v19 =	vadd.s32 s12, v0;
	v17 =	vor.u32 v4, v17  }
0x108: {  	s11 =	sadd.s32 $0x7, s4;
	v22 =	vld.idx.msk [tilespmem:v13+s23+$0x0], $0xffff;
	v19 =	vand.u32 $0x7F, v19;
	v15 =	vmul.f32 v15, v20;
	v11 =	vadd.f32 v12, v11  }
0x109: {  	v13 =	vld.idx.msk [tilespmem:v13+s25+$0x0], $0xffff;
	v12 =	vadd.s32 s11, v0;
	v19 =	vor.u32 v4, v19  }
0x10a: {  	v20 =	vld.idx.msk [tilespmem:v14+s23+$0x0], $0xffff;
	v12 =	vand.u32 $0x7F, v12;
	v11 =	vadd.f32 v15, v11;
	v15 =	vmul.f32 v21, v16  }
0x10b: {  	v14 =	vld.idx.msk [tilespmem:v14+s25+$0x0], $0xffff;
	v12 =	vor.u32 v4, v12  }
0x10c: {  	v16 =	vld.idx.msk [tilespmem:v17+s23+$0x0], $0xffff;
	v11 =	vadd.f32 v15, v11;
	v15 =	vmul.f32 v18, v23  }
0x10d: {  	v17 =	vld.idx.msk [tilespmem:v17+s25+$0x0], $0xffff  }
0x10e: {  	v13 =	vmul.f32 v13, v22;
	v18 =	vld.idx.msk [tilespmem:v19+s23+$0x0], $0xffff;
	v11 =	vadd.f32 v15, v11  }
0x10f: {  	v15 =	vld.idx.msk [tilespmem:v19+s25+$0x0], $0xffff  }
0x110: {  	v19 =	vld.idx.msk [tilespmem:v12+s23+$0x0], $0xffff;
	v11 =	vadd.f32 v13, v11;
	v13 =	vmul.f32 v14, v20  }
0x111: {  	v12 =	vld.idx.msk [tilespmem:v12+s25+$0x0], $0xffff  }
0x112: {  	v11 =	vadd.f32 v13, v11;
	v13 =	vmul.f32 v17, v16  }
0x113: {  	v5 =	vadd.f32 v5, v6  }
0x114: {  	v11 =	vadd.f32 v13, v11;
	v13 =	vmul.f32 v15, v18  }
0x115: {  	v6 =	vadd.f32 v7, v8;
	p1 =	seq.s32 s18, $0x0;
	vm0 =	vgt.f32 v5, $0.0e+00;
	v14 =	vld [tilespmem:$0x8230]  }
0x116: {  	s4 =	simm.s32 @!p1 $0x3;
	v8 =	vmul.f32 v12, v19;
	v15 =	vadd.f32 v9, v10;
	v7 =	vadd.f32 v13, v11  }
0x117: {  	vm13 =	vgt.f32 v6, $0.0e+00;
	_ =	swait.ge @!p1 [sflag:s4], $0x2000;
	v12 =	vmul.f32 $9.999999770e-03, v6;
	v11 =	vmul.f32 $9.999999770e-03, v5  }
0x118: {  	s12 =	simm.s32 $0x0;
	[sflag:s4] =	ssyncset.done @!p1 $0x0;
	vm14 =	vgt.f32 v15, $0.0e+00;
	v16 =	vmul.f32 $9.999999770e-03, v15;
	v9 =	vadd.f32 v8, v7  }
0x119: {  	[sflag:s4] =	ssyncadd.s32 @!p1 $0xFFFFE000;
	v8 =	vsel vm0, v5, v11;
	v7 =	vsel vm13, v6, v12;
	v5 =	vadd.s32 s12, v0;
	s12 =	simm.s32 $0x7  }
0x11a: {  	s11 =	simm.s32 $0x6;
	v6 =	vld [tilespmem:$0x80];
	v5 =	vand.u32 $0x7F, v5;
	v11 =	vadd.f32 v14, v9;
	v9 =	vadd.s32 s12, v0  }
0x11b: {  	v17 =	vor.u32 v1, v5;
	s12 =	simm.s32 $0x5;
	v5 =	vadd.s32 s11, v0;
	v9 =	vand.u32 $0x7F, v9  }
0x11c: {  	s11 =	simm.s32 $0x4;
	v10 =	vadd.s32 s12, v0;
	v5 =	vand.u32 $0x7F, v5;
	v18 =	vor.u32 v1, v9  }
0x11d: {  	s12 =	simm.s32 $0x3;
	v9 =	vand.u32 $0x7F, v10;
	v19 =	vor.u32 v1, v5;
	v5 =	vadd.s32 s11, v0  }
0x11e: {  	v25 =	vor.u32 v1, v9;
	v9 =	vadd.s32 s12, v0;
	v5 =	vand.u32 $0x7F, v5  }
0x11f: {  	s11 =	simm.s32 $0x2;
	vm15 =	vgt.f32 v11, $0.0e+00;
	[tilespmem:$0xA300] =	vst v6;
	s12 =	simm.s32 $0x1;
	v6 =	vand.u32 $0x7F, v9;
	v12 =	vor.u32 v1, v5  }
0x120: {  	v5 =	vadd.s32 s11, v0;
	s11 =	simm.s32 $0x8;
	v13 =	vor.u32 v1, v6;
	v6 =	vadd.s32 s12, v0  }
0x121: {  	v14 =	vld.idx.msk [tilespmem:v17+s23+$0x0], $0xffff;
	v5 =	vand.u32 $0x7F, v5;
	v20 =	vadd.s32 s11, v0;
	v6 =	vand.u32 $0x7F, v6  }
0x122: {  	s11 =	simm.s32 $0xE;
	v9 =	vor.u32 v1, v5;
	v5 =	vmul.f32 $9.999999770e-03, v11;
	v22 =	vld.idx.msk [tilespmem:v18+s23+$0x0], $0xffff;
	v10 =	vor.u32 v1, v6  }
0x123: {  	s12 =	simm.s32 $0xF;
	v23 =	vld.idx.msk [tilespmem:v19+s23+$0x0], $0xffff;
	v6 =	vsel vm14, v15, v16;
	v15 =	vand.u32 $0x7F, v20;
	v16 =	vadd.s32 s11, v0  }
0x124: {  	s11 =	simm.s32 $0xC;
	v24 =	vld.idx.msk [tilespmem:v25+s23+$0x0], $0xffff;
	v5 =	vsel vm15, v11, v5;
	v11 =	vor.u32 v1, v15;
	v15 =	vadd.s32 s12, v0  }
0x125: {  	s12 =	simm.s32 $0xD;
	v16 =	vand.u32 $0x7F, v16;
	v30 =	vadd.s32 s11, v0;
	v26 =	vld.idx.msk [tilespmem:v12+s23+$0x0], $0xffff;
	v15 =	vand.u32 $0x7F, v15  }
0x126: {  	v21 =	vadd.s32 s12, v0;
	v27 =	vmul.f32 v14, v8;
	v28 =	vld.idx.msk [tilespmem:v13+s23+$0x0], $0xffff;
	v14 =	vor.u32 v1, v15  }
0x127: {  	v29 =	vand.u32 $0x7F, v21;
	v15 =	vor.u32 v1, v16;
	v20 =	vld.idx.msk [tilespmem:v9+s23+$0x0], $0xffff;
	v22 =	vmul.f32 v22, v8  }
0x128: {  	s12 =	simm.s32 $0xB;
	v16 =	vor.u32 v1, v29;
	v21 =	vld.idx.msk [tilespmem:v10+s23+$0x0], $0xffff;
	[tilespmem:v17+s24+$0x0] =	vst.idx.msk $0xffff, v27;
	v23 =	vmul.f32 v23, v8  }
0x129: {  	v62 =	vand.u32 $0x7F, v30;
	v27 =	vadd.s32 s12, v0;
	v17 =	vld.idx.msk [tilespmem:v11+s23+$0x0], $0xffff;
	v63 =	vmul.f32 v24, v8;
	[tilespmem:v18+s24+$0x0] =	vst.idx.msk $0xffff, v22  }
0x12a: {  	s12 =	simm.s32 $0xA;
	v27 =	vand.u32 $0x7F, v27;
	v18 =	vor.u32 v1, v62;
	v22 =	vmul.f32 v26, v8;
	[tilespmem:v19+s24+$0x0] =	vst.idx.msk $0xffff, v23  }
0x12b: {  	s4 =	simm.s32 $0x10;
	s11 =	simm.s32 $0x9;
	v24 =	vadd.s32 s12, v0;
	v19 =	vor.u32 v1, v27;
	v23 =	vmul.f32 v28, v8;
	[tilespmem:v25+s24+$0x0] =	vst.idx.msk $0xffff, v63  }
.LBB2_11:
0x12c: {  	p1 =	slt.u32 s4, $0x78;
	v25 =	vadd.s32 s11, v0;
	v24 =	vand.u32 $0x7F, v24;
	v26 =	vld.idx.msk [tilespmem:v14+s23+$0x0], $0xffff;
	v20 =	vmul.f32 v20, v8;
	[tilespmem:v12+s24+$0x0] =	vst.idx.msk $0xffff, v22  }
0x12d: {  	v21 =	vmul.f32 v21, v8;
	v12 =	vand.u32 $0x7F, v25;
	v22 =	vor.u32 v1, v24;
	[tilespmem:v13+s24+$0x0] =	vst.idx.msk $0xffff, v23  }
0x12e: {  	v13 =	vadd.s32 s4, v0;
	v23 =	vor.u32 v1, v12;
	v24 =	vld.idx.msk [tilespmem:v15+s23+$0x0], $0xffff;
	[tilespmem:v9+s24+$0x0] =	vst.idx.msk $0xffff, v20;
	v9 =	vmov v22  }
0x12f: {  	s11 =	sadd.s32 $0x7, s4;
	v27 =	vmovc v11;
	v28 =	vmov v14;
	v20 =	vand.u32 $0x7F, v13;
	v25 =	vld.idx.msk [tilespmem:v16+s23+$0x0], $0xffff;
	[tilespmem:v10+s24+$0x0] =	vst.idx.msk $0xffff, v21;
	v10 =	vmov v23  }
0x130: {  	s12 =	sadd.s32 $0x6, s4;
	v30 =	vmovc v15;
	v31 =	vmovc v16;
	v11 =	vor.u32 v1, v20;
	v20 =	vadd.s32 s11, v0;
	v29 =	vld.idx.msk [tilespmem:v18+s23+$0x0], $0xffff;
	v12 =	vmov v18  }
0x131: {  	v14 =	vadd.s32 s12, v0;
	v17 =	vmul.f32 v17, v8;
	s11 =	sadd.s32 $0x5, s4;
	v15 =	vand.u32 $0x7F, v20;
	v13 =	vmovc v19;
	v32 =	vld.idx.msk [tilespmem:v19+s23+$0x0], $0xffff  }
0x132: {  	v16 =	vadd.s32 s11, v0;
	v18 =	vand.u32 $0x7F, v14;
	v14 =	vor.u32 v1, v15;
	v20 =	vld.idx.msk [tilespmem:v22+s23+$0x0], $0xffff  }
.Ltmp4:
0x133: {  	s11 =	sadd.s32 $0x4, s4;
	v16 =	vand.u32 $0x7F, v16;
	v15 =	vor.u32 v1, v18;
	v18 =	vmul.f32 v26, v8;
	v21 =	vld.idx.msk [tilespmem:v23+s23+$0x0], $0xffff;
	(pc) =	sbr.rel @p1 .LBB2_11-.Ltmp4, $4  }
0x134: {  	s12 =	sadd.s32 $0x3, s4;
	v19 =	vadd.s32 s11, v0;
	v16 =	vor.u32 v1, v16;
	v23 =	vmul.f32 v24, v8;
	[tilespmem:v27+s24+$0x0] =	vst.idx.msk $0xffff, v17  }
0x135: {  	v22 =	vadd.s32 s12, v0;
	v19 =	vand.u32 $0x7F, v19;
	v25 =	vmul.f32 v25, v8;
	v17 =	vld.idx.msk [tilespmem:v11+s23+$0x0], $0xffff;
	[tilespmem:v28+s24+$0x0] =	vst.idx.msk $0xffff, v18  }
0x136: {  	s12 =	sadd.s32 $0x2, s4;
	v26 =	vand.u32 $0x7F, v22;
	v18 =	vor.u32 v1, v19;
	v22 =	vmul.f32 v29, v8;
	[tilespmem:v30+s24+$0x0] =	vst.idx.msk $0xffff, v23  }
0x137: {  	s11 =	sadd.s32 $0x1, s4;
	s4 =	sadd.s32 $0x8, s4;
	v24 =	vadd.s32 s12, v0;
	v19 =	vor.u32 v1, v26;
	v23 =	vmul.f32 v32, v8;
	[tilespmem:v31+s24+$0x0] =	vst.idx.msk $0xffff, v25  }
0x138: {  	_ =	sdelay $0x2  }
0x139: {  	v25 =	vadd.s32 s11, v0;
	v24 =	vand.u32 $0x7F, v24  }
0x13a: {  	v26 =	vld.idx.msk [tilespmem:v14+s23+$0x0], $0xffff;
	v25 =	vand.u32 $0x7F, v25;
	v24 =	vor.u32 v1, v24  }
0x13b: {  	v27 =	vld.idx.msk [tilespmem:v15+s23+$0x0], $0xffff;
	v25 =	vor.u32 v1, v25  }
0x13c: {  	v20 =	vmul.f32 v20, v8;
	[tilespmem:v12+s24+$0x0] =	vst.idx.msk $0xffff, v22;
	v12 =	vld.idx.msk [tilespmem:v16+s23+$0x0], $0xffff  }
0x13d: {  	v21 =	vmul.f32 v21, v8;
	[tilespmem:v13+s24+$0x0] =	vst.idx.msk $0xffff, v23;
	v13 =	vld.idx.msk [tilespmem:v18+s23+$0x0], $0xffff  }
0x13e: {  	[tilespmem:v9+s24+$0x0] =	vst.idx.msk $0xffff, v20;
	v9 =	vmul.f32 v17, v8;
	v17 =	vld.idx.msk [tilespmem:v19+s23+$0x0], $0xffff  }
0x13f: {  	[tilespmem:v10+s24+$0x0] =	vst.idx.msk $0xffff, v21;
	v20 =	vmul.f32 v26, v8;
	v10 =	vld.idx.msk [tilespmem:v24+s23+$0x0], $0xffff  }
0x140: {  	[tilespmem:v11+s24+$0x0] =	vst.idx.msk $0xffff, v9;
	v9 =	vmul.f32 v27, v8;
	v21 =	vld.idx.msk [tilespmem:v25+s23+$0x0], $0xffff  }
0x141: {  	v11 =	vmul.f32 v12, v8;
	[tilespmem:v14+s24+$0x0] =	vst.idx.msk $0xffff, v20  }
0x142: {  	v12 =	vmul.f32 v13, v8;
	[tilespmem:v15+s24+$0x0] =	vst.idx.msk $0xffff, v9  }
0x143: {  	v9 =	vmul.f32 v17, v8;
	[tilespmem:v16+s24+$0x0] =	vst.idx.msk $0xffff, v11  }
0x144: {  	[tilespmem:v18+s24+$0x0] =	vst.idx.msk $0xffff, v12;
	v10 =	vmul.f32 v10, v8  }
0x145: {  	[tilespmem:v19+s24+$0x0] =	vst.idx.msk $0xffff, v9;
	v8 =	vmul.f32 v21, v8  }
0x146: {  	s4 =	simm.s32 $0x0;
	s12 =	simm.s32 $0x7;
	[tilespmem:v24+s24+$0x0] =	vst.idx.msk $0xffff, v10  }
0x147: {  	v10 =	vadd.s32 s12, v0;
	[tilespmem:v25+s24+$0x0] =	vst.idx.msk $0xffff, v8;
	v8 =	vadd.s32 s4, v0  }
0x148: {  	s11 =	simm.s32 $0x6;
	s12 =	simm.s32 $0x5;
	v10 =	vand.u32 $0x7F, v10;
	v9 =	vld [tilespmem:$0x90];
	v8 =	vand.u32 $0x7F, v8  }
0x149: {  	v11 =	vadd.s32 s12, v0;
	v16 =	vor.u32 v2, v8;
	v8 =	vadd.s32 s11, v0  }
0x14a: {  	v17 =	vor.u32 v2, v10;
	v10 =	vand.u32 $0x7F, v11;
	s11 =	simm.s32 $0x4;
	v8 =	vand.u32 $0x7F, v8  }
0x14b: {  	s12 =	simm.s32 $0x3;
	v56 =	vor.u32 v2, v10;
	v18 =	vor.u32 v2, v8;
	v8 =	vadd.s32 s11, v0  }
0x14c: {  	v10 =	vadd.s32 s12, v0;
	s11 =	simm.s32 $0x2;
	v8 =	vand.u32 $0x7F, v8  }
0x14d: {  	s12 =	simm.s32 $0x1;
	[tilespmem:$0xA310] =	vst v9;
	v9 =	vand.u32 $0x7F, v10;
	v11 =	vor.u32 v2, v8;
	v8 =	vadd.s32 s11, v0  }
0x14e: {  	s11 =	simm.s32 $0x8;
	v13 =	vld.idx.msk [tilespmem:v16+s23+$0x0], $0xffff;
	v12 =	vor.u32 v2, v9;
	v9 =	vadd.s32 s12, v0;
	v8 =	vand.u32 $0x7F, v8  }
0x14f: {  	v15 =	vld.idx.msk [tilespmem:v17+s23+$0x0], $0xffff;
	v14 =	vadd.s32 s11, v0;
	s11 =	simm.s32 $0xE;
	v10 =	vand.u32 $0x7F, v9;
	v9 =	vor.u32 v2, v8  }
0x150: {  	s12 =	simm.s32 $0xF;
	v22 =	vld.idx.msk [tilespmem:v56+s23+$0x0], $0xffff;
	v19 =	vadd.s32 s11, v0;
	s11 =	simm.s32 $0xC;
	v8 =	vor.u32 v2, v10;
	v10 =	vand.u32 $0x7F, v14  }
0x151: {  	v21 =	vld.idx.msk [tilespmem:v18+s23+$0x0], $0xffff;
	v14 =	vadd.s32 s12, v0;
	s12 =	simm.s32 $0xD;
	v59 =	vand.u32 $0x7F, v19;
	v29 =	vadd.s32 s11, v0  }
0x152: {  	v10 =	vor.u32 v2, v10;
	v14 =	vand.u32 $0x7F, v14;
	v20 =	vadd.s32 s12, v0;
	v23 =	vld.idx.msk [tilespmem:v11+s23+$0x0], $0xffff  }
0x153: {  	v62 =	vand.u32 $0x7F, v29;
	v28 =	vand.u32 $0x7F, v20;
	v57 =	vmul.f32 v13, v7;
	v58 =	vld.idx.msk [tilespmem:v12+s23+$0x0], $0xffff  }
0x154: {  	v13 =	vor.u32 v2, v14;
	v14 =	vor.u32 v2, v59;
	v60 =	vmul.f32 v15, v7;
	v19 =	vld.idx.msk [tilespmem:v9+s23+$0x0], $0xffff  }
0x155: {  	s12 =	simm.s32 $0xB;
	v15 =	vor.u32 v2, v28;
	v63 =	vmul.f32 v22, v7;
	v20 =	vld.idx.msk [tilespmem:v8+s23+$0x0], $0xffff;
	[tilespmem:v16+s24+$0x0] =	vst.idx.msk $0xffff, v57  }
0x156: {  	v61 =	vmul.f32 v21, v7;
	v21 =	vadd.s32 s12, v0;
	[tilespmem:v17+s24+$0x0] =	vst.idx.msk $0xffff, v60;
	v17 =	vor.u32 v2, v62  }
0x157: {  	s12 =	simm.s32 $0xA;
	[tilespmem:v56+s24+$0x0] =	vst.idx.msk $0xffff, v63;
	v16 =	vld.idx.msk [tilespmem:v10+s23+$0x0], $0xffff;
	v22 =	vand.u32 $0x7F, v21;
	v21 =	vmul.f32 v23, v7  }
0x158: {  	s4 =	simm.s32 $0x10;
	s11 =	simm.s32 $0x9;
	[tilespmem:v18+s24+$0x0] =	vst.idx.msk $0xffff, v61;
	v23 =	vadd.s32 s12, v0;
	v18 =	vor.u32 v2, v22;
	v22 =	vmul.f32 v58, v7  }
.LBB2_13:
0x159: {  	p1 =	slt.u32 s4, $0x78;
	v24 =	vadd.s32 s11, v0;
	v23 =	vand.u32 $0x7F, v23;
	v25 =	vld.idx.msk [tilespmem:v13+s23+$0x0], $0xffff;
	v19 =	vmul.f32 v19, v7;
	[tilespmem:v11+s24+$0x0] =	vst.idx.msk $0xffff, v21  }
0x15a: {  	v20 =	vmul.f32 v20, v7;
	v11 =	vand.u32 $0x7F, v24;
	v21 =	vor.u32 v2, v23;
	[tilespmem:v12+s24+$0x0] =	vst.idx.msk $0xffff, v22  }
0x15b: {  	v12 =	vadd.s32 s4, v0;
	v22 =	vor.u32 v2, v11;
	v23 =	vld.idx.msk [tilespmem:v14+s23+$0x0], $0xffff;
	[tilespmem:v9+s24+$0x0] =	vst.idx.msk $0xffff, v19;
	v9 =	vmov v21  }
0x15c: {  	s11 =	sadd.s32 $0x7, s4;
	v26 =	vmovc v10;
	v27 =	vmov v13;
	v19 =	vand.u32 $0x7F, v12;
	v24 =	vld.idx.msk [tilespmem:v15+s23+$0x0], $0xffff;
	[tilespmem:v8+s24+$0x0] =	vst.idx.msk $0xffff, v20;
	v8 =	vmov v22  }
0x15d: {  	s12 =	sadd.s32 $0x6, s4;
	v29 =	vmovc v14;
	v30 =	vmovc v15;
	v10 =	vor.u32 v2, v19;
	v19 =	vadd.s32 s11, v0;
	v28 =	vld.idx.msk [tilespmem:v17+s23+$0x0], $0xffff;
	v11 =	vmov v17  }
0x15e: {  	v13 =	vadd.s32 s12, v0;
	v16 =	vmul.f32 v16, v7;
	s11 =	sadd.s32 $0x5, s4;
	v14 =	vand.u32 $0x7F, v19;
	v12 =	vmovc v18;
	v31 =	vld.idx.msk [tilespmem:v18+s23+$0x0], $0xffff  }
0x15f: {  	v15 =	vadd.s32 s11, v0;
	v17 =	vand.u32 $0x7F, v13;
	v13 =	vor.u32 v2, v14;
	v19 =	vld.idx.msk [tilespmem:v21+s23+$0x0], $0xffff  }
.Ltmp5:
0x160: {  	s11 =	sadd.s32 $0x4, s4;
	v15 =	vand.u32 $0x7F, v15;
	v14 =	vor.u32 v2, v17;
	v17 =	vmul.f32 v25, v7;
	v20 =	vld.idx.msk [tilespmem:v22+s23+$0x0], $0xffff;
	(pc) =	sbr.rel @p1 .LBB2_13-.Ltmp5, $4  }
0x161: {  	s12 =	sadd.s32 $0x3, s4;
	v18 =	vadd.s32 s11, v0;
	v15 =	vor.u32 v2, v15;
	v22 =	vmul.f32 v23, v7;
	[tilespmem:v26+s24+$0x0] =	vst.idx.msk $0xffff, v16  }
0x162: {  	v21 =	vadd.s32 s12, v0;
	v18 =	vand.u32 $0x7F, v18;
	v24 =	vmul.f32 v24, v7;
	v16 =	vld.idx.msk [tilespmem:v10+s23+$0x0], $0xffff;
	[tilespmem:v27+s24+$0x0] =	vst.idx.msk $0xffff, v17  }
0x163: {  	s12 =	sadd.s32 $0x2, s4;
	v25 =	vand.u32 $0x7F, v21;
	v17 =	vor.u32 v2, v18;
	v21 =	vmul.f32 v28, v7;
	[tilespmem:v29+s24+$0x0] =	vst.idx.msk $0xffff, v22  }
0x164: {  	s11 =	sadd.s32 $0x1, s4;
	s4 =	sadd.s32 $0x8, s4;
	v23 =	vadd.s32 s12, v0;
	v18 =	vor.u32 v2, v25;
	v22 =	vmul.f32 v31, v7;
	[tilespmem:v30+s24+$0x0] =	vst.idx.msk $0xffff, v24  }
0x165: {  	_ =	sdelay $0x2  }
0x166: {  	v24 =	vadd.s32 s11, v0;
	v23 =	vand.u32 $0x7F, v23  }
0x167: {  	v25 =	vld.idx.msk [tilespmem:v13+s23+$0x0], $0xffff;
	v24 =	vand.u32 $0x7F, v24;
	v23 =	vor.u32 v2, v23  }
0x168: {  	v26 =	vld.idx.msk [tilespmem:v14+s23+$0x0], $0xffff;
	v24 =	vor.u32 v2, v24  }
0x169: {  	v19 =	vmul.f32 v19, v7;
	[tilespmem:v11+s24+$0x0] =	vst.idx.msk $0xffff, v21;
	v11 =	vld.idx.msk [tilespmem:v15+s23+$0x0], $0xffff  }
0x16a: {  	v20 =	vmul.f32 v20, v7;
	[tilespmem:v12+s24+$0x0] =	vst.idx.msk $0xffff, v22;
	v12 =	vld.idx.msk [tilespmem:v17+s23+$0x0], $0xffff  }
0x16b: {  	[tilespmem:v9+s24+$0x0] =	vst.idx.msk $0xffff, v19;
	v9 =	vmul.f32 v16, v7;
	v16 =	vld.idx.msk [tilespmem:v18+s23+$0x0], $0xffff  }
0x16c: {  	[tilespmem:v8+s24+$0x0] =	vst.idx.msk $0xffff, v20;
	v19 =	vmul.f32 v25, v7;
	v8 =	vld.idx.msk [tilespmem:v23+s23+$0x0], $0xffff  }
0x16d: {  	[tilespmem:v10+s24+$0x0] =	vst.idx.msk $0xffff, v9;
	v9 =	vmul.f32 v26, v7;
	v20 =	vld.idx.msk [tilespmem:v24+s23+$0x0], $0xffff  }
0x16e: {  	v10 =	vmul.f32 v11, v7;
	[tilespmem:v13+s24+$0x0] =	vst.idx.msk $0xffff, v19  }
0x16f: {  	v11 =	vmul.f32 v12, v7;
	[tilespmem:v14+s24+$0x0] =	vst.idx.msk $0xffff, v9  }
0x170: {  	v9 =	vmul.f32 v16, v7;
	[tilespmem:v15+s24+$0x0] =	vst.idx.msk $0xffff, v10  }
0x171: {  	[tilespmem:v17+s24+$0x0] =	vst.idx.msk $0xffff, v11;
	v8 =	vmul.f32 v8, v7  }
0x172: {  	[tilespmem:v18+s24+$0x0] =	vst.idx.msk $0xffff, v9;
	v7 =	vmul.f32 v20, v7  }
0x173: {  	s4 =	simm.s32 $0x0;
	s12 =	simm.s32 $0x7;
	[tilespmem:v23+s24+$0x0] =	vst.idx.msk $0xffff, v8  }
0x174: {  	v9 =	vadd.s32 s12, v0;
	[tilespmem:v24+s24+$0x0] =	vst.idx.msk $0xffff, v7;
	v7 =	vadd.s32 s4, v0  }
0x175: {  	s11 =	simm.s32 $0x6;
	s12 =	simm.s32 $0x5;
	v9 =	vand.u32 $0x7F, v9;
	v8 =	vld [tilespmem:$0xA0];
	v7 =	vand.u32 $0x7F, v7  }
0x176: {  	v10 =	vadd.s32 s12, v0;
	v15 =	vor.u32 v3, v7;
	v7 =	vadd.s32 s11, v0  }
0x177: {  	v16 =	vor.u32 v3, v9;
	v9 =	vand.u32 $0x7F, v10;
	s11 =	simm.s32 $0x4;
	v7 =	vand.u32 $0x7F, v7  }
0x178: {  	s12 =	simm.s32 $0x3;
	v23 =	vor.u32 v3, v9;
	v17 =	vor.u32 v3, v7;
	v7 =	vadd.s32 s11, v0  }
0x179: {  	v9 =	vadd.s32 s12, v0;
	s11 =	simm.s32 $0x2;
	v7 =	vand.u32 $0x7F, v7  }
0x17a: {  	s12 =	simm.s32 $0x1;
	[tilespmem:$0xA320] =	vst v8;
	v8 =	vand.u32 $0x7F, v9;
	v10 =	vor.u32 v3, v7;
	v7 =	vadd.s32 s11, v0  }
0x17b: {  	s11 =	simm.s32 $0x8;
	v12 =	vld.idx.msk [tilespmem:v15+s23+$0x0], $0xffff;
	v11 =	vor.u32 v3, v8;
	v8 =	vadd.s32 s12, v0;
	v7 =	vand.u32 $0x7F, v7  }
0x17c: {  	v14 =	vld.idx.msk [tilespmem:v16+s23+$0x0], $0xffff;
	v13 =	vadd.s32 s11, v0;
	s11 =	simm.s32 $0xE;
	v9 =	vand.u32 $0x7F, v8;
	v8 =	vor.u32 v3, v7  }
0x17d: {  	s12 =	simm.s32 $0xF;
	v21 =	vld.idx.msk [tilespmem:v23+s23+$0x0], $0xffff;
	v18 =	vadd.s32 s11, v0;
	s11 =	simm.s32 $0xC;
	v7 =	vor.u32 v3, v9;
	v9 =	vand.u32 $0x7F, v13  }
0x17e: {  	v20 =	vld.idx.msk [tilespmem:v17+s23+$0x0], $0xffff;
	v13 =	vadd.s32 s12, v0;
	s12 =	simm.s32 $0xD;
	v59 =	vand.u32 $0x7F, v18;
	v28 =	vadd.s32 s11, v0  }
0x17f: {  	v9 =	vor.u32 v3, v9;
	v13 =	vand.u32 $0x7F, v13;
	v19 =	vadd.s32 s12, v0;
	v22 =	vld.idx.msk [tilespmem:v10+s23+$0x0], $0xffff  }
0x180: {  	v62 =	vand.u32 $0x7F, v28;
	v27 =	vand.u32 $0x7F, v19;
	v57 =	vmul.f32 v12, v6;
	v58 =	vld.idx.msk [tilespmem:v11+s23+$0x0], $0xffff  }
0x181: {  	v12 =	vor.u32 v3, v13;
	v13 =	vor.u32 v3, v59;
	v60 =	vmul.f32 v14, v6;
	v18 =	vld.idx.msk [tilespmem:v8+s23+$0x0], $0xffff  }
0x182: {  	s12 =	simm.s32 $0xB;
	v14 =	vor.u32 v3, v27;
	v63 =	vmul.f32 v21, v6;
	v19 =	vld.idx.msk [tilespmem:v7+s23+$0x0], $0xffff;
	[tilespmem:v15+s24+$0x0] =	vst.idx.msk $0xffff, v57  }
0x183: {  	v61 =	vmul.f32 v20, v6;
	v20 =	vadd.s32 s12, v0;
	[tilespmem:v16+s24+$0x0] =	vst.idx.msk $0xffff, v60;
	v16 =	vor.u32 v3, v62  }
0x184: {  	s12 =	simm.s32 $0xA;
	[tilespmem:v23+s24+$0x0] =	vst.idx.msk $0xffff, v63;
	v15 =	vld.idx.msk [tilespmem:v9+s23+$0x0], $0xffff;
	v21 =	vand.u32 $0x7F, v20;
	v20 =	vmul.f32 v22, v6  }
0x185: {  	s4 =	simm.s32 $0x10;
	s11 =	simm.s32 $0x9;
	[tilespmem:v17+s24+$0x0] =	vst.idx.msk $0xffff, v61;
	v22 =	vadd.s32 s12, v0;
	v17 =	vor.u32 v3, v21;
	v21 =	vmul.f32 v58, v6  }
.LBB2_15:
0x186: {  	p1 =	slt.u32 s4, $0x78;
	v23 =	vadd.s32 s11, v0;
	v22 =	vand.u32 $0x7F, v22;
	v24 =	vld.idx.msk [tilespmem:v12+s23+$0x0], $0xffff;
	v18 =	vmul.f32 v18, v6;
	[tilespmem:v10+s24+$0x0] =	vst.idx.msk $0xffff, v20  }
0x187: {  	v19 =	vmul.f32 v19, v6;
	v10 =	vand.u32 $0x7F, v23;
	v20 =	vor.u32 v3, v22;
	[tilespmem:v11+s24+$0x0] =	vst.idx.msk $0xffff, v21  }
0x188: {  	v11 =	vadd.s32 s4, v0;
	v21 =	vor.u32 v3, v10;
	v22 =	vld.idx.msk [tilespmem:v13+s23+$0x0], $0xffff;
	[tilespmem:v8+s24+$0x0] =	vst.idx.msk $0xffff, v18;
	v8 =	vmov v20  }
0x189: {  	s11 =	sadd.s32 $0x7, s4;
	v25 =	vmovc v9;
	v26 =	vmov v12;
	v18 =	vand.u32 $0x7F, v11;
	v23 =	vld.idx.msk [tilespmem:v14+s23+$0x0], $0xffff;
	[tilespmem:v7+s24+$0x0] =	vst.idx.msk $0xffff, v19;
	v7 =	vmov v21  }
0x18a: {  	s12 =	sadd.s32 $0x6, s4;
	v28 =	vmovc v13;
	v29 =	vmovc v14;
	v9 =	vor.u32 v3, v18;
	v18 =	vadd.s32 s11, v0;
	v27 =	vld.idx.msk [tilespmem:v16+s23+$0x0], $0xffff;
	v10 =	vmov v16  }
0x18b: {  	v12 =	vadd.s32 s12, v0;
	v15 =	vmul.f32 v15, v6;
	s11 =	sadd.s32 $0x5, s4;
	v13 =	vand.u32 $0x7F, v18;
	v11 =	vmovc v17;
	v30 =	vld.idx.msk [tilespmem:v17+s23+$0x0], $0xffff  }
0x18c: {  	v14 =	vadd.s32 s11, v0;
	v16 =	vand.u32 $0x7F, v12;
	v12 =	vor.u32 v3, v13;
	v18 =	vld.idx.msk [tilespmem:v20+s23+$0x0], $0xffff  }
.Ltmp6:
0x18d: {  	s11 =	sadd.s32 $0x4, s4;
	v14 =	vand.u32 $0x7F, v14;
	v13 =	vor.u32 v3, v16;
	v16 =	vmul.f32 v24, v6;
	v19 =	vld.idx.msk [tilespmem:v21+s23+$0x0], $0xffff;
	(pc) =	sbr.rel @p1 .LBB2_15-.Ltmp6, $4  }
0x18e: {  	s12 =	sadd.s32 $0x3, s4;
	v17 =	vadd.s32 s11, v0;
	v14 =	vor.u32 v3, v14;
	v21 =	vmul.f32 v22, v6;
	[tilespmem:v25+s24+$0x0] =	vst.idx.msk $0xffff, v15  }
0x18f: {  	v20 =	vadd.s32 s12, v0;
	v17 =	vand.u32 $0x7F, v17;
	v23 =	vmul.f32 v23, v6;
	v15 =	vld.idx.msk [tilespmem:v9+s23+$0x0], $0xffff;
	[tilespmem:v26+s24+$0x0] =	vst.idx.msk $0xffff, v16  }
0x190: {  	s12 =	sadd.s32 $0x2, s4;
	v24 =	vand.u32 $0x7F, v20;
	v16 =	vor.u32 v3, v17;
	v20 =	vmul.f32 v27, v6;
	[tilespmem:v28+s24+$0x0] =	vst.idx.msk $0xffff, v21  }
0x191: {  	s11 =	sadd.s32 $0x1, s4;
	s4 =	sadd.s32 $0x8, s4;
	v22 =	vadd.s32 s12, v0;
	v17 =	vor.u32 v3, v24;
	v21 =	vmul.f32 v30, v6;
	[tilespmem:v29+s24+$0x0] =	vst.idx.msk $0xffff, v23  }
0x192: {  	_ =	sdelay $0x2  }
0x193: {  	v23 =	vadd.s32 s11, v0;
	v22 =	vand.u32 $0x7F, v22  }
0x194: {  	v24 =	vld.idx.msk [tilespmem:v12+s23+$0x0], $0xffff;
	v23 =	vand.u32 $0x7F, v23;
	v22 =	vor.u32 v3, v22  }
0x195: {  	v25 =	vld.idx.msk [tilespmem:v13+s23+$0x0], $0xffff;
	v23 =	vor.u32 v3, v23  }
0x196: {  	v18 =	vmul.f32 v18, v6;
	[tilespmem:v10+s24+$0x0] =	vst.idx.msk $0xffff, v20;
	v10 =	vld.idx.msk [tilespmem:v14+s23+$0x0], $0xffff  }
0x197: {  	v19 =	vmul.f32 v19, v6;
	[tilespmem:v11+s24+$0x0] =	vst.idx.msk $0xffff, v21;
	v11 =	vld.idx.msk [tilespmem:v16+s23+$0x0], $0xffff  }
0x198: {  	[tilespmem:v8+s24+$0x0] =	vst.idx.msk $0xffff, v18;
	v8 =	vmul.f32 v15, v6;
	v15 =	vld.idx.msk [tilespmem:v17+s23+$0x0], $0xffff  }
0x199: {  	[tilespmem:v7+s24+$0x0] =	vst.idx.msk $0xffff, v19;
	v18 =	vmul.f32 v24, v6;
	v7 =	vld.idx.msk [tilespmem:v22+s23+$0x0], $0xffff  }
0x19a: {  	[tilespmem:v9+s24+$0x0] =	vst.idx.msk $0xffff, v8;
	v8 =	vmul.f32 v25, v6;
	v19 =	vld.idx.msk [tilespmem:v23+s23+$0x0], $0xffff  }
0x19b: {  	v9 =	vmul.f32 v10, v6;
	[tilespmem:v12+s24+$0x0] =	vst.idx.msk $0xffff, v18  }
0x19c: {  	v10 =	vmul.f32 v11, v6;
	[tilespmem:v13+s24+$0x0] =	vst.idx.msk $0xffff, v8  }
0x19d: {  	v8 =	vmul.f32 v15, v6;
	[tilespmem:v14+s24+$0x0] =	vst.idx.msk $0xffff, v9  }
0x19e: {  	[tilespmem:v16+s24+$0x0] =	vst.idx.msk $0xffff, v10;
	v7 =	vmul.f32 v7, v6  }
0x19f: {  	[tilespmem:v17+s24+$0x0] =	vst.idx.msk $0xffff, v8;
	v6 =	vmul.f32 v19, v6  }
0x1a0: {  	s4 =	simm.s32 $0x0;
	s12 =	simm.s32 $0x7;
	[tilespmem:v22+s24+$0x0] =	vst.idx.msk $0xffff, v7  }
0x1a1: {  	v8 =	vadd.s32 s12, v0;
	[tilespmem:v23+s24+$0x0] =	vst.idx.msk $0xffff, v6;
	v6 =	vadd.s32 s4, v0  }
0x1a2: {  	s11 =	simm.s32 $0x6;
	s12 =	simm.s32 $0x5;
	v8 =	vand.u32 $0x7F, v8;
	v7 =	vld [tilespmem:$0xB0];
	v6 =	vand.u32 $0x7F, v6  }
0x1a3: {  	v9 =	vadd.s32 s12, v0;
	v14 =	vor.u32 v4, v6;
	v6 =	vadd.s32 s11, v0  }
0x1a4: {  	v15 =	vor.u32 v4, v8;
	v8 =	vand.u32 $0x7F, v9;
	s11 =	simm.s32 $0x4;
	v6 =	vand.u32 $0x7F, v6  }
0x1a5: {  	s12 =	simm.s32 $0x3;
	v22 =	vor.u32 v4, v8;
	v16 =	vor.u32 v4, v6;
	v6 =	vadd.s32 s11, v0  }
0x1a6: {  	v8 =	vadd.s32 s12, v0;
	s11 =	simm.s32 $0x2;
	v6 =	vand.u32 $0x7F, v6  }
0x1a7: {  	s12 =	simm.s32 $0x1;
	[tilespmem:$0xA330] =	vst v7;
	v7 =	vand.u32 $0x7F, v8;
	v9 =	vor.u32 v4, v6;
	v6 =	vadd.s32 s11, v0  }
0x1a8: {  	s11 =	simm.s32 $0x8;
	v11 =	vld.idx.msk [tilespmem:v14+s23+$0x0], $0xffff;
	v10 =	vor.u32 v4, v7;
	v7 =	vadd.s32 s12, v0;
	v6 =	vand.u32 $0x7F, v6  }
0x1a9: {  	v13 =	vld.idx.msk [tilespmem:v15+s23+$0x0], $0xffff;
	v12 =	vadd.s32 s11, v0;
	s11 =	simm.s32 $0xE;
	v8 =	vand.u32 $0x7F, v7;
	v7 =	vor.u32 v4, v6  }
0x1aa: {  	s12 =	simm.s32 $0xF;
	v20 =	vld.idx.msk [tilespmem:v22+s23+$0x0], $0xffff;
	v17 =	vadd.s32 s11, v0;
	s11 =	simm.s32 $0xC;
	v6 =	vor.u32 v4, v8;
	v8 =	vand.u32 $0x7F, v12  }
0x1ab: {  	v19 =	vld.idx.msk [tilespmem:v16+s23+$0x0], $0xffff;
	v12 =	vadd.s32 s12, v0;
	s12 =	simm.s32 $0xD;
	v60 =	vand.u32 $0x7F, v17;
	v27 =	vadd.s32 s11, v0  }
0x1ac: {  	v8 =	vor.u32 v4, v8;
	v12 =	vand.u32 $0x7F, v12;
	v18 =	vadd.s32 s12, v0;
	v21 =	vld.idx.msk [tilespmem:v9+s23+$0x0], $0xffff  }
0x1ad: {  	v62 =	vand.u32 $0x7F, v27;
	v26 =	vand.u32 $0x7F, v18;
	v23 =	vmul.f32 v11, v5;
	v59 =	vld.idx.msk [tilespmem:v10+s23+$0x0], $0xffff  }
0x1ae: {  	v11 =	vor.u32 v4, v12;
	v12 =	vor.u32 v4, v60;
	v61 =	vmul.f32 v13, v5;
	v17 =	vld.idx.msk [tilespmem:v7+s23+$0x0], $0xffff  }
0x1af: {  	s12 =	simm.s32 $0xB;
	v13 =	vor.u32 v4, v26;
	v63 =	vmul.f32 v20, v5;
	v18 =	vld.idx.msk [tilespmem:v6+s23+$0x0], $0xffff;
	[tilespmem:v14+s24+$0x0] =	vst.idx.msk $0xffff, v23  }
0x1b0: {  	v23 =	vmul.f32 v19, v5;
	v19 =	vadd.s32 s12, v0;
	[tilespmem:v15+s24+$0x0] =	vst.idx.msk $0xffff, v61;
	v15 =	vor.u32 v4, v62  }
0x1b1: {  	s12 =	simm.s32 $0xA;
	[tilespmem:v22+s24+$0x0] =	vst.idx.msk $0xffff, v63;
	v14 =	vld.idx.msk [tilespmem:v8+s23+$0x0], $0xffff;
	v20 =	vand.u32 $0x7F, v19;
	v19 =	vmul.f32 v21, v5  }
0x1b2: {  	s4 =	simm.s32 $0x10;
	s11 =	simm.s32 $0x9;
	[tilespmem:v16+s24+$0x0] =	vst.idx.msk $0xffff, v23;
	v21 =	vadd.s32 s12, v0;
	v16 =	vor.u32 v4, v20;
	v20 =	vmul.f32 v59, v5  }
.LBB2_17:
0x1b3: {  	p1 =	slt.u32 s4, $0x78;
	v22 =	vadd.s32 s11, v0;
	v21 =	vand.u32 $0x7F, v21;
	v23 =	vld.idx.msk [tilespmem:v11+s23+$0x0], $0xffff;
	v17 =	vmul.f32 v17, v5;
	[tilespmem:v9+s24+$0x0] =	vst.idx.msk $0xffff, v19  }
0x1b4: {  	v18 =	vmul.f32 v18, v5;
	v9 =	vand.u32 $0x7F, v22;
	v19 =	vor.u32 v4, v21;
	[tilespmem:v10+s24+$0x0] =	vst.idx.msk $0xffff, v20  }
0x1b5: {  	v10 =	vadd.s32 s4, v0;
	v20 =	vor.u32 v4, v9;
	v21 =	vld.idx.msk [tilespmem:v12+s23+$0x0], $0xffff;
	[tilespmem:v7+s24+$0x0] =	vst.idx.msk $0xffff, v17;
	v7 =	vmov v19  }
0x1b6: {  	s11 =	sadd.s32 $0x7, s4;
	v24 =	vmovc v8;
	v25 =	vmov v11;
	v17 =	vand.u32 $0x7F, v10;
	v22 =	vld.idx.msk [tilespmem:v13+s23+$0x0], $0xffff;
	[tilespmem:v6+s24+$0x0] =	vst.idx.msk $0xffff, v18;
	v6 =	vmov v20  }
0x1b7: {  	s12 =	sadd.s32 $0x6, s4;
	v27 =	vmovc v12;
	v28 =	vmovc v13;
	v8 =	vor.u32 v4, v17;
	v17 =	vadd.s32 s11, v0;
	v26 =	vld.idx.msk [tilespmem:v15+s23+$0x0], $0xffff;
	v9 =	vmov v15  }
0x1b8: {  	v11 =	vadd.s32 s12, v0;
	v14 =	vmul.f32 v14, v5;
	s11 =	sadd.s32 $0x5, s4;
	v12 =	vand.u32 $0x7F, v17;
	v10 =	vmovc v16;
	v29 =	vld.idx.msk [tilespmem:v16+s23+$0x0], $0xffff  }
0x1b9: {  	v13 =	vadd.s32 s11, v0;
	v15 =	vand.u32 $0x7F, v11;
	v11 =	vor.u32 v4, v12;
	v17 =	vld.idx.msk [tilespmem:v19+s23+$0x0], $0xffff  }
.Ltmp7:
0x1ba: {  	s11 =	sadd.s32 $0x4, s4;
	v13 =	vand.u32 $0x7F, v13;
	v12 =	vor.u32 v4, v15;
	v15 =	vmul.f32 v23, v5;
	v18 =	vld.idx.msk [tilespmem:v20+s23+$0x0], $0xffff;
	(pc) =	sbr.rel @p1 .LBB2_17-.Ltmp7, $4  }
0x1bb: {  	s12 =	sadd.s32 $0x3, s4;
	v16 =	vadd.s32 s11, v0;
	v13 =	vor.u32 v4, v13;
	v20 =	vmul.f32 v21, v5;
	[tilespmem:v24+s24+$0x0] =	vst.idx.msk $0xffff, v14  }
0x1bc: {  	v19 =	vadd.s32 s12, v0;
	v16 =	vand.u32 $0x7F, v16;
	v22 =	vmul.f32 v22, v5;
	v14 =	vld.idx.msk [tilespmem:v8+s23+$0x0], $0xffff;
	[tilespmem:v25+s24+$0x0] =	vst.idx.msk $0xffff, v15  }
0x1bd: {  	s12 =	sadd.s32 $0x2, s4;
	v23 =	vand.u32 $0x7F, v19;
	v15 =	vor.u32 v4, v16;
	v19 =	vmul.f32 v26, v5;
	[tilespmem:v27+s24+$0x0] =	vst.idx.msk $0xffff, v20  }
0x1be: {  	s11 =	sadd.s32 $0x1, s4;
	s4 =	sadd.s32 $0x8, s4;
	v21 =	vadd.s32 s12, v0;
	v16 =	vor.u32 v4, v23;
	v20 =	vmul.f32 v29, v5;
	[tilespmem:v28+s24+$0x0] =	vst.idx.msk $0xffff, v22  }
0x1bf: {  	_ =	sdelay $0x2  }
0x1c0: {  	v22 =	vadd.s32 s11, v0;
	v21 =	vand.u32 $0x7F, v21  }
0x1c1: {  	v23 =	vld.idx.msk [tilespmem:v11+s23+$0x0], $0xffff;
	v22 =	vand.u32 $0x7F, v22;
	v21 =	vor.u32 v4, v21  }
0x1c2: {  	v24 =	vld.idx.msk [tilespmem:v12+s23+$0x0], $0xffff;
	v22 =	vor.u32 v4, v22  }
0x1c3: {  	[tilespmem:v9+s24+$0x0] =	vst.idx.msk $0xffff, v19;
	v9 =	vmul.f32 v17, v5;
	v17 =	vld.idx.msk [tilespmem:v13+s23+$0x0], $0xffff  }
0x1c4: {  	v18 =	vmul.f32 v18, v5;
	[tilespmem:v10+s24+$0x0] =	vst.idx.msk $0xffff, v20;
	v10 =	vld.idx.msk [tilespmem:v15+s23+$0x0], $0xffff  }
0x1c5: {  	[tilespmem:v7+s24+$0x0] =	vst.idx.msk $0xffff, v9;
	v7 =	vmul.f32 v14, v5;
	v9 =	vld.idx.msk [tilespmem:v16+s23+$0x0], $0xffff  }
0x1c6: {  	[tilespmem:v6+s24+$0x0] =	vst.idx.msk $0xffff, v18;
	v14 =	vmul.f32 v23, v5;
	v6 =	vld.idx.msk [tilespmem:v21+s23+$0x0], $0xffff  }
0x1c7: {  	[tilespmem:v8+s24+$0x0] =	vst.idx.msk $0xffff, v7;
	v7 =	vmul.f32 v24, v5;
	v18 =	vld.idx.msk [tilespmem:v22+s23+$0x0], $0xffff  }
0x1c8: {  	v8 =	vmul.f32 v17, v5;
	[tilespmem:v11+s24+$0x0] =	vst.idx.msk $0xffff, v14  }
0x1c9: {  	v10 =	vmul.f32 v10, v5;
	[tilespmem:v12+s24+$0x0] =	vst.idx.msk $0xffff, v7  }
0x1ca: {  	v7 =	vmul.f32 v9, v5;
	[tilespmem:v13+s24+$0x0] =	vst.idx.msk $0xffff, v8  }
0x1cb: {  	[tilespmem:v15+s24+$0x0] =	vst.idx.msk $0xffff, v10;
	v6 =	vmul.f32 v6, v5  }
0x1cc: {  	p1 =	seq.s32 s18, $0x4D;
	[tilespmem:v16+s24+$0x0] =	vst.idx.msk $0xffff, v7;
	v5 =	vmul.f32 v18, v5  }
0x1cd: {  	s4 =	sadd.s32 @!p1 s19, s14;
	[tilespmem:v21+s24+$0x0] =	vst.idx.msk $0xffff, v6  }
0x1ce: {  	s4 =	sshrl.u32 @!p1 s4, $0x3;
	[tilespmem:v22+s24+$0x0] =	vst.idx.msk $0xffff, v5  }
0x1cf: {  	[spmem:s2] =	stream.indirect.scatter.add.f32 [tilespmem:s24], [sflag:$0x3], $0x80, s26, s22, $0xb8;
	[tilespmem:$0x1DD00] =	vst v63  }
0x1d0: {  	s11 =	simm.s32 @!p1 $0x0;
	s4 =	sadd.s32 @!p1 s7, s4  }
0x1d1: {  	[tilespmem:s11], [sflag:$0x4] =	stream.linear.gather @!p1 [hbm4b:s4+s11], $0x100, $0x38;
	[tilespmem:$0x1DD00] =	vst v63  }
0x1d2: {  	s4 =	simm.s32 @!p1 $0x4  }
0x1d3: {  	_ =	swait.ge @!p1 [sflag:s4], $0x100  }
0x1d4: {  	[sflag:s4] =	ssyncset.done @!p1 $0x0  }
0x1d5: {  	s12 =	simm.s32 @!p1 $0x200;
	[sflag:s4] =	ssyncadd.s32 @!p1 $0xFFFFFF00;
	s4 =	simm.s32 @!p1 $0x40  }
0x1d6: {  	[tilespmem:s12], [sflag:$0x1] =	stream.indirect.gather @!p1 [hbm4b:s1+s4], $0x80, s11, s4, $0xb8;
	[tilespmem:$0x1DD00] =	vst v63  }
0x1d7: {  	s19 =	simm.s32 @!p1 $0x2200;
	s12 =	simm.s32 @!p1 $0x80  }
0x1d8: {  	[tilespmem:s19], [sflag:$0x1] =	stream.indirect.gather @!p1 [hbm4b:s5+s4], $0x80, s12, s4, $0xb8;
	[tilespmem:$0x1DD00] =	vst v63  }
0x1d9: {  	s12 =	simm.s32 @!p1 $0x8200  }
0x1da: {  	[tilespmem:s12], [sflag:$0x1] =	stream.indirect.gather @!p1 [hbm4b:s6+s4], $0x1, s11, s4, $0xb8;
	[tilespmem:$0x1DD00] =	vst v63  }
0x1db: {  	_ =	swait.ge [sflag:s8], $0x2000  }
0x1dc: {  	s11 =	simm.s32 $0x0;
	[sflag:s8] =	ssyncset.done $0x0  }
0x1dd: {  	v5 =	vadd.s32 s11, v0;
	[sflag:s8] =	ssyncadd.s32 $0xFFFFE000  }
0x1de: {  	s12 =	simm.s32 $0x1;
	v5 =	vand.u32 $0x7F, v5;
	_ =	swait.ge [sflag:s8], $0x2000  }
0x1df: {  	v6 =	vadd.s32 s12, v0;
	v5 =	vor.u32 v1, v5;
	[sflag:s8] =	ssyncset.done $0x0  }
0x1e0: {  	s19 =	simm.s32 $0x2;
	v6 =	vand.u32 $0x7F, v6;
	[sflag:s8] =	ssyncadd.s32 $0xFFFFE000  }
0x1e1: {  	v7 =	vadd.s32 s19, v0;
	v6 =	vor.u32 v1, v6;
	_ =	swait.ge [sflag:s8], $0x40  }
0x1e2: {  	v7 =	vand.u32 $0x7F, v7;
	s11 =	simm.s32 $0x3;
	[sflag:s8] =	ssyncset.done $0x0  }
0x1e3: {  	v7 =	vor.u32 v1, v7;
	v8 =	vadd.s32 s11, v0;
	[sflag:s8] =	ssyncadd.s32 $0xFFFFFFC0  }
0x1e4: {  	s12 =	simm.s32 $0x4;
	v8 =	vand.u32 $0x7F, v8;
	v11 =	vld.idx.msk [tilespmem:v5+s29+$0x0], $0xffff  }
0x1e5: {  	v9 =	vadd.s32 s12, v0;
	v8 =	vor.u32 v1, v8;
	v12 =	vld.idx.msk [tilespmem:v5+s31+$0x0], $0xffff  }
0x1e6: {  	s19 =	simm.s32 $0x5;
	v13 =	vld.idx.msk [tilespmem:v6+s29+$0x0], $0xffff;
	v5 =	vand.u32 $0x7F, v9  }
0x1e7: {  	v9 =	vadd.s32 s19, v0;
	v14 =	vld.idx.msk [tilespmem:v6+s31+$0x0], $0xffff;
	v17 =	vor.u32 v1, v5  }
0x1e8: {  	s11 =	simm.s32 $0x6;
	v6 =	vld.idx.msk [tilespmem:v7+s29+$0x0], $0xffff;
	v5 =	vand.u32 $0x7F, v9  }
0x1e9: {  	v9 =	vld.idx.msk [tilespmem:v7+s31+$0x0], $0xffff;
	v7 =	vadd.s32 s11, v0;
	v10 =	vor.u32 v1, v5  }
0x1ea: {  	s12 =	simm.s32 $0x7;
	v5 =	vld.idx.msk [tilespmem:v8+s29+$0x0], $0xffff;
	v7 =	vand.u32 $0x7F, v7  }
0x1eb: {  	s4 =	simm.s32 $0x8;
	v16 =	vmul.f32 v12, v11;
	v11 =	vld.idx.msk [tilespmem:v8+s31+$0x0], $0xffff;
	v8 =	vadd.s32 s12, v0;
	v12 =	vor.u32 v1, v7  }
0x1ec: {  	v15 =	vimm.f32 $0.0e+00;
	v18 =	vadd.s32 s4, v0;
	v7 =	vld.idx.msk [tilespmem:v17+s29+$0x0], $0xffff;
	v8 =	vand.u32 $0x7F, v8  }
0x1ed: {  	s19 =	simm.s32 $0x9;
	v15 =	vadd.f32 v16, v15;
	v16 =	vmul.f32 v14, v13;
	v14 =	vld.idx.msk [tilespmem:v17+s31+$0x0], $0xffff;
	v13 =	vor.u32 v1, v8  }
0x1ee: {  	v18 =	vand.u32 $0x7F, v18;
	s11 =	simm.s32 $0x10;
	v17 =	vadd.s32 s19, v0;
	v8 =	vld.idx.msk [tilespmem:v10+s29+$0x0], $0xffff  }
.LBB2_19:
0x1ef: {  	p1 =	slt.u32 s11, $0x78;
	v18 =	vor.u32 v1, v18;
	s12 =	sadd.s32 $0x2, s4;
	v15 =	vadd.f32 v16, v15;
	v6 =	vmul.f32 v9, v6;
	v9 =	vld.idx.msk [tilespmem:v10+s31+$0x0], $0xffff  }
0x1f0: {  	v10 =	vand.u32 $0x7F, v17;
	v16 =	vadd.s32 s12, v0;
	v17 =	vld.idx.msk [tilespmem:v12+s29+$0x0], $0xffff  }
0x1f1: {  	v10 =	vor.u32 v1, v10;
	s12 =	sadd.s32 $0x3, s4;
	v5 =	vmul.f32 v11, v5;
	v6 =	vadd.f32 v6, v15;
	v11 =	vld.idx.msk [tilespmem:v12+s31+$0x0], $0xffff  }
0x1f2: {  	v12 =	vand.u32 $0x7F, v16;
	v15 =	vadd.s32 s12, v0;
	v16 =	vld.idx.msk [tilespmem:v13+s29+$0x0], $0xffff  }
0x1f3: {  	s12 =	sadd.s32 $0x4, s4;
	v12 =	vor.u32 v1, v12;
	v5 =	vadd.f32 v5, v6;
	v6 =	vmul.f32 v14, v7;
	v7 =	vld.idx.msk [tilespmem:v13+s31+$0x0], $0xffff  }
0x1f4: {  	v14 =	vand.u32 $0x7F, v15;
	v15 =	vadd.s32 s12, v0;
	v13 =	vld.idx.msk [tilespmem:v18+s29+$0x0], $0xffff  }
0x1f5: {  	s12 =	sadd.s32 $0x5, s4;
	v14 =	vor.u32 v1, v14;
	v18 =	vld.idx.msk [tilespmem:v18+s31+$0x0], $0xffff;
	v5 =	vadd.f32 v6, v5;
	v6 =	vmul.f32 v9, v8  }
0x1f6: {  	v9 =	vand.u32 $0x7F, v15;
	v15 =	vadd.s32 s12, v0;
	v8 =	vld.idx.msk [tilespmem:v10+s29+$0x0], $0xffff  }
0x1f7: {  	s12 =	sadd.s32 $0x6, s4;
	v20 =	vor.u32 v1, v9;
	v11 =	vmul.f32 v11, v17;
	v19 =	vld.idx.msk [tilespmem:v10+s31+$0x0], $0xffff;
	v5 =	vadd.f32 v6, v5  }
0x1f8: {  	v10 =	vand.u32 $0x7F, v15;
	v15 =	vadd.s32 s12, v0;
	v6 =	vld.idx.msk [tilespmem:v12+s29+$0x0], $0xffff  }
0x1f9: {  	s12 =	sadd.s32 $0x7, s4;
	s4 =	smov.u32 s11;
	v10 =	vor.u32 v1, v10;
	v7 =	vmul.f32 v7, v16;
	v9 =	vld.idx.msk [tilespmem:v12+s31+$0x0], $0xffff;
	v17 =	vadd.f32 v11, v5  }
.Ltmp8:
0x1fa: {  	v12 =	vand.u32 $0x7F, v15;
	v15 =	vadd.s32 s12, v0;
	v5 =	vld.idx.msk [tilespmem:v14+s29+$0x0], $0xffff;
	(pc) =	sbr.rel @p1 .LBB2_19-.Ltmp8, $4  }
0x1fb: {  	v13 =	vmul.f32 v18, v13;
	v12 =	vor.u32 v1, v12;
	v11 =	vld.idx.msk [tilespmem:v14+s31+$0x0], $0xffff;
	v14 =	vadd.f32 v7, v17  }
0x1fc: {  	v18 =	vand.u32 $0x7F, v15;
	v17 =	vadd.s32 s11, v0;
	v7 =	vld.idx.msk [tilespmem:v20+s29+$0x0], $0xffff  }
0x1fd: {  	s12 =	sadd.s32 $0x1, s11;
	v16 =	vmul.f32 v19, v8;
	v15 =	vadd.f32 v13, v14;
	v14 =	vld.idx.msk [tilespmem:v20+s31+$0x0], $0xffff;
	v13 =	vor.u32 v1, v18  }
0x1fe: {  	s11 =	sadd.s32 $0x8, s11;
	v18 =	vand.u32 $0x7F, v17;
	v17 =	vadd.s32 s12, v0;
	v8 =	vld.idx.msk [tilespmem:v10+s29+$0x0], $0xffff  }
0x1ff: {  	_ =	sdelay $0x3  }
0x200: {  	v18 =	vor.u32 v1, v18;
	s11 =	sadd.s32 $0x2, s4;
	v15 =	vadd.f32 v16, v15;
	v6 =	vmul.f32 v9, v6;
	v9 =	vld.idx.msk [tilespmem:v10+s31+$0x0], $0xffff  }
0x201: {  	v10 =	vand.u32 $0x7F, v17;
	v17 =	vld.idx.msk [tilespmem:v12+s29+$0x0], $0xffff;
	v16 =	vadd.s32 s11, v0  }
0x202: {  	s19 =	sadd.s32 $0x3, s4;
	v10 =	vor.u32 v1, v10;
	v5 =	vmul.f32 v11, v5;
	v11 =	vld.idx.msk [tilespmem:v12+s31+$0x0], $0xffff;
	v6 =	vadd.f32 v6, v15  }
0x203: {  	v12 =	vand.u32 $0x7F, v16;
	v15 =	vadd.s32 s19, v0;
	v16 =	vld.idx.msk [tilespmem:v13+s29+$0x0], $0xffff  }
0x204: {  	v12 =	vor.u32 v1, v12;
	v5 =	vadd.f32 v5, v6;
	v6 =	vmul.f32 v14, v7;
	v7 =	vld.idx.msk [tilespmem:v13+s31+$0x0], $0xffff  }
0x205: {  	s12 =	sadd.s32 $0x4, s4;
	v14 =	vand.u32 $0x7F, v15;
	v13 =	vld.idx.msk [tilespmem:v18+s29+$0x0], $0xffff  }
0x206: {  	v15 =	vadd.s32 s12, v0;
	v18 =	vld.idx.msk [tilespmem:v18+s31+$0x0], $0xffff;
	v14 =	vor.u32 v1, v14  }
0x207: {  	v5 =	vadd.f32 v6, v5;
	v6 =	vmul.f32 v9, v8;
	v8 =	vld.idx.msk [tilespmem:v10+s29+$0x0], $0xffff;
	v9 =	vand.u32 $0x7F, v15  }
0x208: {  	s19 =	sadd.s32 $0x5, s4;
	v10 =	vld.idx.msk [tilespmem:v10+s31+$0x0], $0xffff;
	v9 =	vor.u32 v1, v9  }
0x209: {  	s12 =	sadd.s32 $0x6, s4;
	v15 =	vadd.s32 s19, v0;
	v5 =	vadd.f32 v6, v5;
	v6 =	vmul.f32 v11, v17;
	v11 =	vld.idx.msk [tilespmem:v12+s29+$0x0], $0xffff  }
0x20a: {  	v15 =	vand.u32 $0x7F, v15;
	v17 =	vadd.s32 s12, v0;
	v12 =	vld.idx.msk [tilespmem:v12+s31+$0x0], $0xffff  }
0x20b: {  	s19 =	sadd.s32 $0x7, s4;
	v15 =	vor.u32 v1, v15;
	v5 =	vadd.f32 v6, v5;
	v6 =	vmul.f32 v7, v16;
	v7 =	vld.idx.msk [tilespmem:v14+s29+$0x0], $0xffff  }
0x20c: {  	v16 =	vand.u32 $0x7F, v17;
	v17 =	vadd.s32 s19, v0;
	v13 =	vmul.f32 v18, v13;
	v14 =	vld.idx.msk [tilespmem:v14+s31+$0x0], $0xffff  }
0x20d: {  	v16 =	vor.u32 v1, v16;
	v17 =	vand.u32 $0x7F, v17;
	v5 =	vadd.f32 v6, v5;
	v6 =	vld.idx.msk [tilespmem:v9+s29+$0x0], $0xffff  }
0x20e: {  	v8 =	vmul.f32 v10, v8;
	v9 =	vld.idx.msk [tilespmem:v9+s31+$0x0], $0xffff;
	v10 =	vor.u32 v1, v17  }
0x20f: {  	s11 =	simm.s32 $0x0;
	v5 =	vadd.f32 v13, v5  }
0x210: {  	v17 =	vadd.s32 s11, v0;
	v13 =	vld.idx.msk [tilespmem:v15+s29+$0x0], $0xffff  }
0x211: {  	s12 =	simm.s32 $0x1;
	v5 =	vadd.f32 v8, v5;
	v8 =	vmul.f32 v12, v11;
	v11 =	vld.idx.msk [tilespmem:v15+s31+$0x0], $0xffff;
	v12 =	vand.u32 $0x7F, v17  }
0x212: {  	v7 =	vmul.f32 v14, v7;
	v15 =	vld.idx.msk [tilespmem:v16+s29+$0x0], $0xffff;
	v17 =	vadd.s32 s12, v0;
	v12 =	vor.u32 v2, v12  }
0x213: {  	s19 =	simm.s32 $0x2;
	v14 =	vand.u32 $0x7F, v17;
	v6 =	vmul.f32 v9, v6;
	v9 =	vld.idx.msk [tilespmem:v10+s31+$0x0], $0xffff;
	v5 =	vadd.f32 v8, v5  }
0x214: {  	v17 =	vadd.s32 s19, v0;
	v8 =	vld.idx.msk [tilespmem:v16+s31+$0x0], $0xffff;
	v14 =	vor.u32 v2, v14  }
0x215: {  	s11 =	simm.s32 $0x3;
	v16 =	vld.idx.msk [tilespmem:v10+s29+$0x0], $0xffff;
	v10 =	vand.u32 $0x7F, v17;
	v7 =	vadd.f32 v7, v5  }
0x216: {  	v17 =	vadd.s32 s11, v0;
	v10 =	vor.u32 v2, v10;
	v5 =	vld [tilespmem:$0x8280]  }
0x217: {  	s12 =	simm.s32 $0x4;
	v6 =	vadd.f32 v6, v7;
	v7 =	vmul.f32 v11, v13;
	v13 =	vld.idx.msk [tilespmem:v12+s29+$0x0], $0xffff;
	v11 =	vand.u32 $0x7F, v17  }
0x218: {  	v17 =	vadd.s32 s12, v0;
	v18 =	vld.idx.msk [tilespmem:v12+s31+$0x0], $0xffff;
	v19 =	vor.u32 v2, v11  }
0x219: {  	s19 =	simm.s32 $0x5;
	v20 =	vld.idx.msk [tilespmem:v14+s31+$0x0], $0xffff;
	v6 =	vadd.f32 v7, v6;
	v7 =	vmul.f32 v8, v15;
	v8 =	vand.u32 $0x7F, v17  }
0x21a: {  	v11 =	vadd.s32 s19, v0;
	v15 =	vld.idx.msk [tilespmem:v14+s29+$0x0], $0xffff;
	v21 =	vor.u32 v2, v8  }
0x21b: {  	s11 =	simm.s32 $0x6;
	v8 =	vmul.f32 v9, v16;
	v9 =	vand.u32 $0x7F, v11;
	v11 =	vld.idx.msk [tilespmem:v10+s31+$0x0], $0xffff;
	v7 =	vadd.f32 v7, v6  }
0x21c: {  	v6 =	vld.idx.msk [tilespmem:v10+s29+$0x0], $0xffff;
	v12 =	vor.u32 v2, v9;
	v9 =	vadd.s32 s11, v0  }
0x21d: {  	s12 =	simm.s32 $0x7;
	v9 =	vand.u32 $0x7F, v9;
	v7 =	vadd.f32 v8, v7;
	v8 =	vld.idx.msk [tilespmem:v19+s29+$0x0], $0xffff  }
0x21e: {  	s4 =	simm.s32 $0x8;
	v17 =	vadd.s32 s12, v0;
	v16 =	vmul.f32 v18, v13;
	v13 =	vld.idx.msk [tilespmem:v19+s31+$0x0], $0xffff;
	v14 =	vor.u32 v2, v9  }
0x21f: {  	v22 =	vand.u32 $0x7F, v17;
	v10 =	vimm.f32 $0.0e+00;
	v19 =	vadd.s32 s4, v0;
	v9 =	vld.idx.msk [tilespmem:v21+s29+$0x0], $0xffff  }
0x220: {  	s19 =	simm.s32 $0x9;
	v17 =	vadd.f32 v16, v10;
	v18 =	vmul.f32 v20, v15;
	v15 =	vor.u32 v2, v22;
	v16 =	vld.idx.msk [tilespmem:v21+s31+$0x0], $0xffff  }
0x221: {  	s11 =	simm.s32 $0x10;
	v20 =	vand.u32 $0x7F, v19;
	v19 =	vadd.s32 s19, v0;
	v10 =	vld.idx.msk [tilespmem:v12+s29+$0x0], $0xffff  }
.LBB2_21:
0x222: {  	p1 =	slt.u32 s11, $0x78;
	v20 =	vor.u32 v2, v20;
	s12 =	sadd.s32 $0x2, s4;
	v17 =	vadd.f32 v18, v17;
	v6 =	vmul.f32 v11, v6;
	v11 =	vld.idx.msk [tilespmem:v12+s31+$0x0], $0xffff  }
0x223: {  	v12 =	vand.u32 $0x7F, v19;
	v18 =	vadd.s32 s12, v0;
	v19 =	vld.idx.msk [tilespmem:v14+s29+$0x0], $0xffff  }
0x224: {  	v12 =	vor.u32 v2, v12;
	s12 =	sadd.s32 $0x3, s4;
	v8 =	vmul.f32 v13, v8;
	v6 =	vadd.f32 v6, v17;
	v13 =	vld.idx.msk [tilespmem:v14+s31+$0x0], $0xffff  }
0x225: {  	v14 =	vand.u32 $0x7F, v18;
	v17 =	vadd.s32 s12, v0;
	v18 =	vld.idx.msk [tilespmem:v15+s29+$0x0], $0xffff  }
0x226: {  	s12 =	sadd.s32 $0x4, s4;
	v14 =	vor.u32 v2, v14;
	v6 =	vadd.f32 v8, v6;
	v8 =	vmul.f32 v16, v9;
	v9 =	vld.idx.msk [tilespmem:v15+s31+$0x0], $0xffff  }
0x227: {  	v16 =	vand.u32 $0x7F, v17;
	v17 =	vadd.s32 s12, v0;
	v15 =	vld.idx.msk [tilespmem:v20+s29+$0x0], $0xffff  }
0x228: {  	s12 =	sadd.s32 $0x5, s4;
	v16 =	vor.u32 v2, v16;
	v20 =	vld.idx.msk [tilespmem:v20+s31+$0x0], $0xffff;
	v6 =	vadd.f32 v8, v6;
	v8 =	vmul.f32 v11, v10  }
0x229: {  	v11 =	vand.u32 $0x7F, v17;
	v17 =	vadd.s32 s12, v0;
	v10 =	vld.idx.msk [tilespmem:v12+s29+$0x0], $0xffff  }
0x22a: {  	s12 =	sadd.s32 $0x6, s4;
	v22 =	vor.u32 v2, v11;
	v13 =	vmul.f32 v13, v19;
	v21 =	vld.idx.msk [tilespmem:v12+s31+$0x0], $0xffff;
	v8 =	vadd.f32 v8, v6  }
0x22b: {  	v12 =	vand.u32 $0x7F, v17;
	v17 =	vadd.s32 s12, v0;
	v6 =	vld.idx.msk [tilespmem:v14+s29+$0x0], $0xffff  }
0x22c: {  	s12 =	sadd.s32 $0x7, s4;
	s4 =	smov.u32 s11;
	v12 =	vor.u32 v2, v12;
	v9 =	vmul.f32 v9, v18;
	v11 =	vld.idx.msk [tilespmem:v14+s31+$0x0], $0xffff;
	v19 =	vadd.f32 v13, v8  }
.Ltmp9:
0x22d: {  	v14 =	vand.u32 $0x7F, v17;
	v17 =	vadd.s32 s12, v0;
	v8 =	vld.idx.msk [tilespmem:v16+s29+$0x0], $0xffff;
	(pc) =	sbr.rel @p1 .LBB2_21-.Ltmp9, $4  }
0x22e: {  	v15 =	vmul.f32 v20, v15;
	v14 =	vor.u32 v2, v14;
	v13 =	vld.idx.msk [tilespmem:v16+s31+$0x0], $0xffff;
	v16 =	vadd.f32 v9, v19  }
0x22f: {  	v20 =	vand.u32 $0x7F, v17;
	v19 =	vadd.s32 s11, v0;
	v9 =	vld.idx.msk [tilespmem:v22+s29+$0x0], $0xffff  }
0x230: {  	s12 =	sadd.s32 $0x1, s11;
	v18 =	vmul.f32 v21, v10;
	v17 =	vadd.f32 v15, v16;
	v16 =	vld.idx.msk [tilespmem:v22+s31+$0x0], $0xffff;
	v15 =	vor.u32 v2, v20  }
0x231: {  	s11 =	sadd.s32 $0x8, s11;
	v20 =	vand.u32 $0x7F, v19;
	v19 =	vadd.s32 s12, v0;
	v10 =	vld.idx.msk [tilespmem:v12+s29+$0x0], $0xffff  }
0x232: {  	_ =	sdelay $0x3  }
0x233: {  	v20 =	vor.u32 v2, v20;
	s11 =	sadd.s32 $0x2, s4;
	v17 =	vadd.f32 v18, v17;
	v6 =	vmul.f32 v11, v6;
	v11 =	vld.idx.msk [tilespmem:v12+s31+$0x0], $0xffff  }
0x234: {  	v12 =	vand.u32 $0x7F, v19;
	v19 =	vld.idx.msk [tilespmem:v14+s29+$0x0], $0xffff;
	v18 =	vadd.s32 s11, v0  }
0x235: {  	s19 =	sadd.s32 $0x3, s4;
	v12 =	vor.u32 v2, v12;
	v8 =	vmul.f32 v13, v8;
	v13 =	vld.idx.msk [tilespmem:v14+s31+$0x0], $0xffff;
	v6 =	vadd.f32 v6, v17  }
0x236: {  	v14 =	vand.u32 $0x7F, v18;
	v17 =	vadd.s32 s19, v0;
	v18 =	vld.idx.msk [tilespmem:v15+s29+$0x0], $0xffff  }
0x237: {  	v14 =	vor.u32 v2, v14;
	v6 =	vadd.f32 v8, v6;
	v8 =	vmul.f32 v16, v9;
	v9 =	vld.idx.msk [tilespmem:v15+s31+$0x0], $0xffff  }
0x238: {  	s12 =	sadd.s32 $0x4, s4;
	v16 =	vand.u32 $0x7F, v17;
	v15 =	vld.idx.msk [tilespmem:v20+s29+$0x0], $0xffff  }
0x239: {  	v17 =	vadd.s32 s12, v0;
	v20 =	vld.idx.msk [tilespmem:v20+s31+$0x0], $0xffff;
	v16 =	vor.u32 v2, v16  }
0x23a: {  	v6 =	vadd.f32 v8, v6;
	v8 =	vmul.f32 v11, v10;
	v10 =	vld.idx.msk [tilespmem:v12+s29+$0x0], $0xffff;
	v11 =	vand.u32 $0x7F, v17  }
0x23b: {  	s19 =	sadd.s32 $0x5, s4;
	v12 =	vld.idx.msk [tilespmem:v12+s31+$0x0], $0xffff;
	v11 =	vor.u32 v2, v11  }
0x23c: {  	s12 =	sadd.s32 $0x6, s4;
	v17 =	vadd.s32 s19, v0;
	v6 =	vadd.f32 v8, v6;
	v8 =	vmul.f32 v13, v19;
	v13 =	vld.idx.msk [tilespmem:v14+s29+$0x0], $0xffff  }
0x23d: {  	v17 =	vand.u32 $0x7F, v17;
	v19 =	vadd.s32 s12, v0;
	v14 =	vld.idx.msk [tilespmem:v14+s31+$0x0], $0xffff  }
0x23e: {  	s19 =	sadd.s32 $0x7, s4;
	v17 =	vor.u32 v2, v17;
	v6 =	vadd.f32 v8, v6;
	v8 =	vmul.f32 v9, v18;
	v9 =	vld.idx.msk [tilespmem:v16+s29+$0x0], $0xffff  }
0x23f: {  	v18 =	vand.u32 $0x7F, v19;
	v19 =	vadd.s32 s19, v0;
	v15 =	vmul.f32 v20, v15;
	v16 =	vld.idx.msk [tilespmem:v16+s31+$0x0], $0xffff  }
0x240: {  	v18 =	vor.u32 v2, v18;
	v19 =	vand.u32 $0x7F, v19;
	v6 =	vadd.f32 v8, v6;
	v8 =	vld.idx.msk [tilespmem:v11+s29+$0x0], $0xffff  }
0x241: {  	v10 =	vmul.f32 v12, v10;
	v11 =	vld.idx.msk [tilespmem:v11+s31+$0x0], $0xffff;
	v12 =	vor.u32 v2, v19  }
0x242: {  	s11 =	simm.s32 $0x0;
	v6 =	vadd.f32 v15, v6  }
0x243: {  	v19 =	vadd.s32 s11, v0;
	v15 =	vld.idx.msk [tilespmem:v17+s29+$0x0], $0xffff  }
0x244: {  	s12 =	simm.s32 $0x1;
	v6 =	vadd.f32 v10, v6;
	v10 =	vmul.f32 v14, v13;
	v13 =	vld.idx.msk [tilespmem:v17+s31+$0x0], $0xffff;
	v14 =	vand.u32 $0x7F, v19  }
0x245: {  	v9 =	vmul.f32 v16, v9;
	v17 =	vld.idx.msk [tilespmem:v18+s29+$0x0], $0xffff;
	v19 =	vadd.s32 s12, v0;
	v14 =	vor.u32 v3, v14  }
0x246: {  	s19 =	simm.s32 $0x2;
	v16 =	vand.u32 $0x7F, v19;
	v8 =	vmul.f32 v11, v8;
	v11 =	vld.idx.msk [tilespmem:v12+s31+$0x0], $0xffff;
	v6 =	vadd.f32 v10, v6  }
0x247: {  	v19 =	vadd.s32 s19, v0;
	v10 =	vld.idx.msk [tilespmem:v18+s31+$0x0], $0xffff;
	v16 =	vor.u32 v3, v16  }
0x248: {  	s11 =	simm.s32 $0x3;
	v18 =	vld.idx.msk [tilespmem:v12+s29+$0x0], $0xffff;
	v12 =	vand.u32 $0x7F, v19;
	v9 =	vadd.f32 v9, v6  }
0x249: {  	v19 =	vadd.s32 s11, v0;
	v12 =	vor.u32 v3, v12;
	v6 =	vld [tilespmem:$0x8290]  }
0x24a: {  	s12 =	simm.s32 $0x4;
	v8 =	vadd.f32 v8, v9;
	v9 =	vmul.f32 v13, v15;
	v15 =	vld.idx.msk [tilespmem:v14+s29+$0x0], $0xffff;
	v13 =	vand.u32 $0x7F, v19  }
0x24b: {  	v19 =	vadd.s32 s12, v0;
	v20 =	vld.idx.msk [tilespmem:v14+s31+$0x0], $0xffff;
	v21 =	vor.u32 v3, v13  }
0x24c: {  	s19 =	simm.s32 $0x5;
	v22 =	vld.idx.msk [tilespmem:v16+s31+$0x0], $0xffff;
	v8 =	vadd.f32 v9, v8;
	v9 =	vmul.f32 v10, v17;
	v10 =	vand.u32 $0x7F, v19  }
0x24d: {  	v13 =	vadd.s32 s19, v0;
	v17 =	vld.idx.msk [tilespmem:v16+s29+$0x0], $0xffff;
	v23 =	vor.u32 v3, v10  }
0x24e: {  	s11 =	simm.s32 $0x6;
	v10 =	vmul.f32 v11, v18;
	v11 =	vand.u32 $0x7F, v13;
	v13 =	vld.idx.msk [tilespmem:v12+s31+$0x0], $0xffff;
	v9 =	vadd.f32 v9, v8  }
0x24f: {  	v8 =	vld.idx.msk [tilespmem:v12+s29+$0x0], $0xffff;
	v14 =	vor.u32 v3, v11;
	v11 =	vadd.s32 s11, v0  }
0x250: {  	s12 =	simm.s32 $0x7;
	v11 =	vand.u32 $0x7F, v11;
	v10 =	vadd.f32 v10, v9;
	v9 =	vld.idx.msk [tilespmem:v21+s29+$0x0], $0xffff  }
0x251: {  	s4 =	simm.s32 $0x8;
	v19 =	vadd.s32 s12, v0;
	v18 =	vmul.f32 v20, v15;
	v15 =	vld.idx.msk [tilespmem:v21+s31+$0x0], $0xffff;
	v16 =	vor.u32 v3, v11  }
0x252: {  	v24 =	vand.u32 $0x7F, v19;
	v12 =	vimm.f32 $0.0e+00;
	v21 =	vadd.s32 s4, v0;
	v11 =	vld.idx.msk [tilespmem:v23+s29+$0x0], $0xffff  }
0x253: {  	s19 =	simm.s32 $0x9;
	v19 =	vadd.f32 v18, v12;
	v20 =	vmul.f32 v22, v17;
	v17 =	vor.u32 v3, v24;
	v18 =	vld.idx.msk [tilespmem:v23+s31+$0x0], $0xffff  }
0x254: {  	s11 =	simm.s32 $0x10;
	v22 =	vand.u32 $0x7F, v21;
	v21 =	vadd.s32 s19, v0;
	v12 =	vld.idx.msk [tilespmem:v14+s29+$0x0], $0xffff  }
.LBB2_23:
0x255: {  	p1 =	slt.u32 s11, $0x78;
	v22 =	vor.u32 v3, v22;
	s12 =	sadd.s32 $0x2, s4;
	v19 =	vadd.f32 v20, v19;
	v8 =	vmul.f32 v13, v8;
	v13 =	vld.idx.msk [tilespmem:v14+s31+$0x0], $0xffff  }
0x256: {  	v14 =	vand.u32 $0x7F, v21;
	v20 =	vadd.s32 s12, v0;
	v21 =	vld.idx.msk [tilespmem:v16+s29+$0x0], $0xffff  }
0x257: {  	v14 =	vor.u32 v3, v14;
	s12 =	sadd.s32 $0x3, s4;
	v9 =	vmul.f32 v15, v9;
	v8 =	vadd.f32 v8, v19;
	v15 =	vld.idx.msk [tilespmem:v16+s31+$0x0], $0xffff  }
0x258: {  	v16 =	vand.u32 $0x7F, v20;
	v19 =	vadd.s32 s12, v0;
	v20 =	vld.idx.msk [tilespmem:v17+s29+$0x0], $0xffff  }
0x259: {  	s12 =	sadd.s32 $0x4, s4;
	v16 =	vor.u32 v3, v16;
	v8 =	vadd.f32 v9, v8;
	v9 =	vmul.f32 v18, v11;
	v11 =	vld.idx.msk [tilespmem:v17+s31+$0x0], $0xffff  }
0x25a: {  	v18 =	vand.u32 $0x7F, v19;
	v19 =	vadd.s32 s12, v0;
	v17 =	vld.idx.msk [tilespmem:v22+s29+$0x0], $0xffff  }
0x25b: {  	s12 =	sadd.s32 $0x5, s4;
	v18 =	vor.u32 v3, v18;
	v22 =	vld.idx.msk [tilespmem:v22+s31+$0x0], $0xffff;
	v8 =	vadd.f32 v9, v8;
	v9 =	vmul.f32 v13, v12  }
0x25c: {  	v13 =	vand.u32 $0x7F, v19;
	v19 =	vadd.s32 s12, v0;
	v12 =	vld.idx.msk [tilespmem:v14+s29+$0x0], $0xffff  }
0x25d: {  	s12 =	sadd.s32 $0x6, s4;
	v24 =	vor.u32 v3, v13;
	v15 =	vmul.f32 v15, v21;
	v23 =	vld.idx.msk [tilespmem:v14+s31+$0x0], $0xffff;
	v9 =	vadd.f32 v9, v8  }
0x25e: {  	v14 =	vand.u32 $0x7F, v19;
	v19 =	vadd.s32 s12, v0;
	v8 =	vld.idx.msk [tilespmem:v16+s29+$0x0], $0xffff  }
0x25f: {  	s12 =	sadd.s32 $0x7, s4;
	s4 =	smov.u32 s11;
	v14 =	vor.u32 v3, v14;
	v11 =	vmul.f32 v11, v20;
	v13 =	vld.idx.msk [tilespmem:v16+s31+$0x0], $0xffff;
	v21 =	vadd.f32 v15, v9  }
.Ltmp10:
0x260: {  	v16 =	vand.u32 $0x7F, v19;
	v19 =	vadd.s32 s12, v0;
	v9 =	vld.idx.msk [tilespmem:v18+s29+$0x0], $0xffff;
	(pc) =	sbr.rel @p1 .LBB2_23-.Ltmp10, $4  }
0x261: {  	v17 =	vmul.f32 v22, v17;
	v16 =	vor.u32 v3, v16;
	v15 =	vld.idx.msk [tilespmem:v18+s31+$0x0], $0xffff;
	v18 =	vadd.f32 v11, v21  }
0x262: {  	v22 =	vand.u32 $0x7F, v19;
	v21 =	vadd.s32 s11, v0;
	v11 =	vld.idx.msk [tilespmem:v24+s29+$0x0], $0xffff  }
0x263: {  	s12 =	sadd.s32 $0x1, s11;
	v20 =	vmul.f32 v23, v12;
	v19 =	vadd.f32 v17, v18;
	v18 =	vld.idx.msk [tilespmem:v24+s31+$0x0], $0xffff;
	v17 =	vor.u32 v3, v22  }
0x264: {  	s11 =	sadd.s32 $0x8, s11;
	v22 =	vand.u32 $0x7F, v21;
	v21 =	vadd.s32 s12, v0;
	v12 =	vld.idx.msk [tilespmem:v14+s29+$0x0], $0xffff  }
0x265: {  	_ =	sdelay $0x3  }
0x266: {  	v22 =	vor.u32 v3, v22;
	s11 =	sadd.s32 $0x2, s4;
	v19 =	vadd.f32 v20, v19;
	v8 =	vmul.f32 v13, v8;
	v13 =	vld.idx.msk [tilespmem:v14+s31+$0x0], $0xffff  }
0x267: {  	v14 =	vand.u32 $0x7F, v21;
	v21 =	vld.idx.msk [tilespmem:v16+s29+$0x0], $0xffff;
	v20 =	vadd.s32 s11, v0  }
0x268: {  	s12 =	sadd.s32 $0x3, s4;
	v14 =	vor.u32 v3, v14;
	v9 =	vmul.f32 v15, v9;
	v15 =	vld.idx.msk [tilespmem:v16+s31+$0x0], $0xffff;
	v8 =	vadd.f32 v8, v19  }
0x269: {  	v16 =	vand.u32 $0x7F, v20;
	v19 =	vadd.s32 s12, v0;
	v20 =	vld.idx.msk [tilespmem:v17+s29+$0x0], $0xffff  }
0x26a: {  	v16 =	vor.u32 v3, v16;
	v8 =	vadd.f32 v9, v8;
	v9 =	vmul.f32 v18, v11;
	v11 =	vld.idx.msk [tilespmem:v17+s31+$0x0], $0xffff  }
0x26b: {  	s19 =	sadd.s32 $0x4, s4;
	v18 =	vand.u32 $0x7F, v19;
	v17 =	vld.idx.msk [tilespmem:v22+s29+$0x0], $0xffff  }
0x26c: {  	v19 =	vadd.s32 s19, v0;
	v22 =	vld.idx.msk [tilespmem:v22+s31+$0x0], $0xffff;
	v18 =	vor.u32 v3, v18  }
0x26d: {  	v8 =	vadd.f32 v9, v8;
	v9 =	vmul.f32 v13, v12;
	v12 =	vld.idx.msk [tilespmem:v14+s29+$0x0], $0xffff;
	v13 =	vand.u32 $0x7F, v19  }
0x26e: {  	s12 =	sadd.s32 $0x5, s4;
	v14 =	vld.idx.msk [tilespmem:v14+s31+$0x0], $0xffff;
	v13 =	vor.u32 v3, v13  }
0x26f: {  	s19 =	sadd.s32 $0x6, s4;
	v19 =	vadd.s32 s12, v0;
	v8 =	vadd.f32 v9, v8;
	v9 =	vmul.f32 v15, v21;
	v15 =	vld.idx.msk [tilespmem:v16+s29+$0x0], $0xffff  }
0x270: {  	v19 =	vand.u32 $0x7F, v19;
	v21 =	vadd.s32 s19, v0;
	v16 =	vld.idx.msk [tilespmem:v16+s31+$0x0], $0xffff  }
0x271: {  	s12 =	sadd.s32 $0x7, s4;
	v19 =	vor.u32 v3, v19;
	v8 =	vadd.f32 v9, v8;
	v9 =	vmul.f32 v11, v20;
	v11 =	vld.idx.msk [tilespmem:v18+s29+$0x0], $0xffff  }
0x272: {  	v20 =	vand.u32 $0x7F, v21;
	v21 =	vadd.s32 s12, v0;
	v17 =	vmul.f32 v22, v17;
	v18 =	vld.idx.msk [tilespmem:v18+s31+$0x0], $0xffff  }
0x273: {  	v20 =	vor.u32 v3, v20;
	v21 =	vand.u32 $0x7F, v21;
	v8 =	vadd.f32 v9, v8;
	v9 =	vld.idx.msk [tilespmem:v13+s29+$0x0], $0xffff  }
0x274: {  	v12 =	vmul.f32 v14, v12;
	v13 =	vld.idx.msk [tilespmem:v13+s31+$0x0], $0xffff;
	v14 =	vor.u32 v3, v21  }
0x275: {  	s19 =	simm.s32 $0x0;
	v8 =	vadd.f32 v17, v8  }
0x276: {  	v21 =	vadd.s32 s19, v0;
	v17 =	vld.idx.msk [tilespmem:v19+s29+$0x0], $0xffff  }
0x277: {  	s11 =	simm.s32 $0x1;
	v8 =	vadd.f32 v12, v8;
	v12 =	vmul.f32 v16, v15;
	v15 =	vld.idx.msk [tilespmem:v19+s31+$0x0], $0xffff;
	v16 =	vand.u32 $0x7F, v21  }
0x278: {  	v11 =	vmul.f32 v18, v11;
	v19 =	vld.idx.msk [tilespmem:v20+s29+$0x0], $0xffff;
	v21 =	vadd.s32 s11, v0;
	v16 =	vor.u32 v4, v16  }
0x279: {  	s12 =	simm.s32 $0x2;
	v18 =	vand.u32 $0x7F, v21;
	v9 =	vmul.f32 v13, v9;
	v13 =	vld.idx.msk [tilespmem:v14+s31+$0x0], $0xffff;
	v8 =	vadd.f32 v12, v8  }
0x27a: {  	v21 =	vadd.s32 s12, v0;
	v12 =	vld.idx.msk [tilespmem:v20+s31+$0x0], $0xffff;
	v18 =	vor.u32 v4, v18  }
0x27b: {  	s19 =	simm.s32 $0x3;
	v20 =	vld.idx.msk [tilespmem:v14+s29+$0x0], $0xffff;
	v14 =	vand.u32 $0x7F, v21;
	v11 =	vadd.f32 v11, v8  }
0x27c: {  	v21 =	vadd.s32 s19, v0;
	v14 =	vor.u32 v4, v14;
	v8 =	vld [tilespmem:$0x82A0]  }
0x27d: {  	s11 =	simm.s32 $0x4;
	v9 =	vadd.f32 v9, v11;
	v11 =	vmul.f32 v15, v17;
	v15 =	vld.idx.msk [tilespmem:v16+s29+$0x0], $0xffff;
	v17 =	vand.u32 $0x7F, v21  }
0x27e: {  	v21 =	vadd.s32 s11, v0;
	v22 =	vld.idx.msk [tilespmem:v16+s31+$0x0], $0xffff;
	v17 =	vor.u32 v4, v17  }
0x27f: {  	s12 =	simm.s32 $0x5;
	v23 =	vld.idx.msk [tilespmem:v18+s31+$0x0], $0xffff;
	v9 =	vadd.f32 v11, v9;
	v11 =	vmul.f32 v12, v19;
	v12 =	vand.u32 $0x7F, v21  }
0x280: {  	v16 =	vadd.s32 s12, v0;
	v19 =	vld.idx.msk [tilespmem:v18+s29+$0x0], $0xffff;
	v24 =	vor.u32 v4, v12  }
0x281: {  	s19 =	simm.s32 $0x6;
	v12 =	vmul.f32 v13, v20;
	v13 =	vand.u32 $0x7F, v16;
	v16 =	vld.idx.msk [tilespmem:v14+s31+$0x0], $0xffff;
	v11 =	vadd.f32 v11, v9  }
0x282: {  	v9 =	vld.idx.msk [tilespmem:v14+s29+$0x0], $0xffff;
	v14 =	vor.u32 v4, v13;
	v13 =	vadd.s32 s19, v0  }
0x283: {  	s11 =	simm.s32 $0x7;
	v13 =	vand.u32 $0x7F, v13;
	v11 =	vadd.f32 v12, v11;
	v12 =	vld.idx.msk [tilespmem:v17+s29+$0x0], $0xffff  }
0x284: {  	v21 =	vadd.s32 s11, v0;
	s19 =	simm.s32 $0x8;
	v15 =	vmul.f32 v22, v15;
	v18 =	vld.idx.msk [tilespmem:v17+s31+$0x0], $0xffff;
	v17 =	vor.u32 v4, v13  }
0x285: {  	v20 =	vimm.f32 $0.0e+00;
	v26 =	vand.u32 $0x7F, v21;
	v25 =	vadd.s32 s19, v0;
	v13 =	vld.idx.msk [tilespmem:v24+s29+$0x0], $0xffff  }
0x286: {  	s12 =	simm.s32 $0x9;
	v21 =	vadd.f32 v15, v20;
	v22 =	vmul.f32 v23, v19;
	v19 =	vor.u32 v4, v26;
	v20 =	vld.idx.msk [tilespmem:v24+s31+$0x0], $0xffff  }
0x287: {  	s4 =	simm.s32 $0x10;
	v23 =	vadd.s32 s12, v0;
	v24 =	vand.u32 $0x7F, v25;
	v15 =	vld.idx.msk [tilespmem:v14+s29+$0x0], $0xffff  }
.LBB2_25:
0x288: {  	p1 =	slt.u32 s4, $0x78;
	v24 =	vor.u32 v4, v24;
	s11 =	sadd.s32 $0x2, s19;
	v21 =	vadd.f32 v22, v21;
	v9 =	vmul.f32 v16, v9;
	v14 =	vld.idx.msk [tilespmem:v14+s31+$0x0], $0xffff  }
0x289: {  	v16 =	vand.u32 $0x7F, v23;
	v22 =	vadd.s32 s11, v0;
	v23 =	vld.idx.msk [tilespmem:v17+s29+$0x0], $0xffff  }
0x28a: {  	v16 =	vor.u32 v4, v16;
	s11 =	sadd.s32 $0x3, s19;
	v12 =	vmul.f32 v18, v12;
	v9 =	vadd.f32 v9, v21;
	v17 =	vld.idx.msk [tilespmem:v17+s31+$0x0], $0xffff  }
0x28b: {  	v18 =	vand.u32 $0x7F, v22;
	v21 =	vadd.s32 s11, v0;
	v22 =	vld.idx.msk [tilespmem:v19+s29+$0x0], $0xffff  }
0x28c: {  	s11 =	sadd.s32 $0x4, s19;
	v18 =	vor.u32 v4, v18;
	v9 =	vadd.f32 v12, v9;
	v12 =	vmul.f32 v20, v13;
	v13 =	vld.idx.msk [tilespmem:v19+s31+$0x0], $0xffff  }
0x28d: {  	v20 =	vand.u32 $0x7F, v21;
	v21 =	vadd.s32 s11, v0;
	v19 =	vld.idx.msk [tilespmem:v24+s29+$0x0], $0xffff  }
0x28e: {  	s11 =	sadd.s32 $0x5, s19;
	v20 =	vor.u32 v4, v20;
	v24 =	vld.idx.msk [tilespmem:v24+s31+$0x0], $0xffff;
	v9 =	vadd.f32 v12, v9;
	v12 =	vmul.f32 v14, v15  }
0x28f: {  	v14 =	vand.u32 $0x7F, v21;
	v21 =	vadd.s32 s11, v0;
	v15 =	vld.idx.msk [tilespmem:v16+s29+$0x0], $0xffff  }
0x290: {  	s11 =	sadd.s32 $0x6, s19;
	v26 =	vor.u32 v4, v14;
	v17 =	vmul.f32 v17, v23;
	v25 =	vld.idx.msk [tilespmem:v16+s31+$0x0], $0xffff;
	v12 =	vadd.f32 v12, v9  }
0x291: {  	v14 =	vand.u32 $0x7F, v21;
	v21 =	vadd.s32 s11, v0;
	v9 =	vld.idx.msk [tilespmem:v18+s29+$0x0], $0xffff  }
0x292: {  	s11 =	sadd.s32 $0x7, s19;
	s19 =	smov.u32 s4;
	v14 =	vor.u32 v4, v14;
	v13 =	vmul.f32 v13, v22;
	v16 =	vld.idx.msk [tilespmem:v18+s31+$0x0], $0xffff;
	v23 =	vadd.f32 v17, v12  }
.Ltmp11:
0x293: {  	v17 =	vand.u32 $0x7F, v21;
	v21 =	vadd.s32 s11, v0;
	v12 =	vld.idx.msk [tilespmem:v20+s29+$0x0], $0xffff;
	(pc) =	sbr.rel @p1 .LBB2_25-.Ltmp11, $4  }
0x294: {  	v19 =	vmul.f32 v24, v19;
	v17 =	vor.u32 v4, v17;
	v18 =	vld.idx.msk [tilespmem:v20+s31+$0x0], $0xffff;
	v20 =	vadd.f32 v13, v23  }
0x295: {  	v24 =	vand.u32 $0x7F, v21;
	v23 =	vadd.s32 s4, v0;
	v13 =	vld.idx.msk [tilespmem:v26+s29+$0x0], $0xffff  }
0x296: {  	s11 =	sadd.s32 $0x1, s4;
	v22 =	vmul.f32 v25, v15;
	v21 =	vadd.f32 v19, v20;
	v20 =	vld.idx.msk [tilespmem:v26+s31+$0x0], $0xffff;
	v19 =	vor.u32 v4, v24  }
0x297: {  	s4 =	sadd.s32 $0x8, s4;
	v24 =	vand.u32 $0x7F, v23;
	v23 =	vadd.s32 s11, v0;
	v15 =	vld.idx.msk [tilespmem:v14+s29+$0x0], $0xffff  }
0x298: {  	_ =	sdelay $0x2  }
0x299: {  	v21 =	vadd.f32 v22, v21;
	v9 =	vmul.f32 v16, v9  }
0x29a: {  	v16 =	vor.u32 v4, v24;
	v14 =	vld.idx.msk [tilespmem:v14+s31+$0x0], $0xffff  }
0x29b: {  	s4 =	sadd.s32 $0x2, s19;
	v22 =	vand.u32 $0x7F, v23;
	v23 =	vld.idx.msk [tilespmem:v17+s29+$0x0], $0xffff;
	v12 =	vmul.f32 v18, v12;
	v9 =	vadd.f32 v9, v21  }
0x29c: {  	v17 =	vld.idx.msk [tilespmem:v17+s31+$0x0], $0xffff;
	v18 =	vadd.s32 s4, v0;
	v21 =	vor.u32 v4, v22  }
0x29d: {  	s11 =	sadd.s32 $0x3, s19;
	v18 =	vand.u32 $0x7F, v18;
	v22 =	vld.idx.msk [tilespmem:v19+s29+$0x0], $0xffff;
	v9 =	vadd.f32 v12, v9;
	v12 =	vmul.f32 v20, v13  }
0x29e: {  	v19 =	vld.idx.msk [tilespmem:v19+s31+$0x0], $0xffff;
	v18 =	vor.u32 v4, v18;
	v13 =	vadd.s32 s11, v0  }
0x29f: {  	s12 =	sadd.s32 $0x4, s19;
	v20 =	vld.idx.msk [tilespmem:v16+s29+$0x0], $0xffff;
	v13 =	vand.u32 $0x7F, v13;
	v9 =	vadd.f32 v12, v9;
	v12 =	vmul.f32 v14, v15  }
0x2a0: {  	v14 =	vadd.s32 s12, v0;
	v15 =	vld.idx.msk [tilespmem:v16+s31+$0x0], $0xffff;
	v13 =	vor.u32 v4, v13  }
0x2a1: {  	s11 =	sadd.s32 $0x5, s19;
	v16 =	vld.idx.msk [tilespmem:v21+s29+$0x0], $0xffff;
	v14 =	vand.u32 $0x7F, v14;
	v9 =	vadd.f32 v12, v9;
	v12 =	vmul.f32 v17, v23  }
0x2a2: {  	v21 =	vld.idx.msk [tilespmem:v21+s31+$0x0], $0xffff;
	v17 =	vadd.s32 s11, v0;
	v14 =	vor.u32 v4, v14  }
0x2a3: {  	s12 =	sadd.s32 $0x6, s19;
	v23 =	vld.idx.msk [tilespmem:v18+s29+$0x0], $0xffff;
	v17 =	vand.u32 $0x7F, v17;
	v9 =	vadd.f32 v12, v9;
	v12 =	vmul.f32 v19, v22  }
0x2a4: {  	v18 =	vld.idx.msk [tilespmem:v18+s31+$0x0], $0xffff;
	v19 =	vadd.s32 s12, v0;
	v17 =	vor.u32 v4, v17  }
0x2a5: {  	s19 =	sadd.s32 $0x7, s19;
	v22 =	vld.idx.msk [tilespmem:v13+s29+$0x0], $0xffff;
	v19 =	vand.u32 $0x7F, v19;
	v15 =	vmul.f32 v15, v20;
	v9 =	vadd.f32 v12, v9  }
0x2a6: {  	v12 =	vld.idx.msk [tilespmem:v13+s31+$0x0], $0xffff;
	v13 =	vor.u32 v4, v19;
	v19 =	vadd.s32 s19, v0  }
0x2a7: {  	v20 =	vld.idx.msk [tilespmem:v14+s29+$0x0], $0xffff;
	v9 =	vadd.f32 v15, v9;
	v15 =	vmul.f32 v21, v16;
	v16 =	vand.u32 $0x7F, v19  }
0x2a8: {  	v14 =	vld.idx.msk [tilespmem:v14+s31+$0x0], $0xffff;
	v16 =	vor.u32 v4, v16  }
0x2a9: {  	v19 =	vld.idx.msk [tilespmem:v17+s29+$0x0], $0xffff;
	v9 =	vadd.f32 v15, v9;
	v15 =	vmul.f32 v18, v23  }
0x2aa: {  	v17 =	vld.idx.msk [tilespmem:v17+s31+$0x0], $0xffff  }
0x2ab: {  	v18 =	vld.idx.msk [tilespmem:v13+s29+$0x0], $0xffff;
	v12 =	vmul.f32 v12, v22;
	v9 =	vadd.f32 v15, v9  }
0x2ac: {  	v13 =	vld.idx.msk [tilespmem:v13+s31+$0x0], $0xffff  }
0x2ad: {  	v9 =	vadd.f32 v12, v9;
	v12 =	vmul.f32 v14, v20;
	v14 =	vld.idx.msk [tilespmem:v16+s29+$0x0], $0xffff  }
0x2ae: {  	v20 =	vld.idx.msk [tilespmem:v16+s31+$0x0], $0xffff  }
0x2af: {  	v15 =	vmul.f32 v17, v19;
	v12 =	vadd.f32 v12, v9  }
0x2b0: {  	v7 =	vadd.f32 v5, v7  }
0x2b1: {  	s19 =	simm.s32 $0x5;
	v9 =	vld [tilespmem:$0x82B0];
	v13 =	vmul.f32 v13, v18;
	_ =	swait.ge [sflag:s10], $0x2000;
	v12 =	vadd.f32 v15, v12  }
0x2b2: {  	vm0 =	vgt.f32 v7, $0.0e+00;
	s11 =	simm.s32 $0x0;
	[sflag:s10] =	ssyncset.done $0x0;
	v15 =	vadd.s32 s19, v0  }
0x2b3: {  	s12 =	simm.s32 $0x7;
	[sflag:s10] =	ssyncadd.s32 $0xFFFFE000;
	v14 =	vmul.f32 v20, v14;
	v17 =	vadd.f32 v13, v12;
	v12 =	vadd.s32 s11, v0  }
0x2b4: {  	v5 =	vld [tilespmem:$0x180];
	v20 =	vmul.f32 $9.999999770e-03, v7;
	s11 =	simm.s32 $0x6;
	v13 =	vadd.s32 s12, v0;
	v12 =	vand.u32 $0x7F, v12  }
0x2b5: {  	v13 =	vand.u32 $0x7F, v13;
	v21 =	vor.u32 v1, v12;
	v12 =	vadd.s32 s11, v0  }
0x2b6: {  	s12 =	simm.s32 $0x4;
	v22 =	vor.u32 v1, v13;
	v13 =	vand.u32 $0x7F, v15;
	v12 =	vand.u32 $0x7F, v12  }
0x2b7: {  	s19 =	simm.s32 $0x3;
	v28 =	vor.u32 v1, v13;
	v26 =	vor.u32 v1, v12;
	v12 =	vadd.s32 s12, v0  }
0x2b8: {  	v7 =	vsel vm0, v7, v20;
	s11 =	simm.s32 $0x2;
	v13 =	vadd.s32 s19, v0;
	v12 =	vand.u32 $0x7F, v12  }
0x2b9: {  	[tilespmem:$0xA300] =	vst v5;
	v5 =	vand.u32 $0x7F, v13;
	s12 =	simm.s32 $0x1;
	v15 =	vor.u32 v1, v12;
	v12 =	vadd.s32 s11, v0  }
0x2ba: {  	s19 =	simm.s32 $0x8;
	v16 =	vor.u32 v1, v5;
	v5 =	vadd.s32 s12, v0;
	v18 =	vld.idx.msk [tilespmem:v21+s29+$0x0], $0xffff;
	v12 =	vand.u32 $0x7F, v12  }
0x2bb: {  	v23 =	vadd.s32 s19, v0;
	v5 =	vand.u32 $0x7F, v5;
	v19 =	vld.idx.msk [tilespmem:v22+s29+$0x0], $0xffff;
	v12 =	vor.u32 v1, v12  }
0x2bc: {  	s12 =	simm.s32 $0xE;
	s11 =	simm.s32 $0xF;
	v13 =	vor.u32 v1, v5;
	v5 =	vadd.f32 v14, v17;
	v14 =	vand.u32 $0x7F, v23;
	v27 =	vld.idx.msk [tilespmem:v28+s29+$0x0], $0xffff  }
0x2bd: {  	v20 =	vadd.s32 s12, v0;
	v17 =	vadd.s32 s11, v0;
	s11 =	simm.s32 $0xC;
	v14 =	vor.u32 v1, v14;
	v25 =	vld.idx.msk [tilespmem:v26+s29+$0x0], $0xffff  }
0x2be: {  	s19 =	simm.s32 $0xD;
	v20 =	vand.u32 $0x7F, v20;
	v17 =	vand.u32 $0x7F, v17;
	v34 =	vadd.s32 s11, v0;
	v29 =	vld.idx.msk [tilespmem:v15+s29+$0x0], $0xffff  }
0x2bf: {  	v17 =	vor.u32 v1, v17;
	v31 =	vld.idx.msk [tilespmem:v16+s29+$0x0], $0xffff;
	v30 =	vmul.f32 v18, v7;
	v18 =	vadd.s32 s19, v0  }
0x2c0: {  	v33 =	vmul.f32 v19, v7;
	v23 =	vld.idx.msk [tilespmem:v12+s29+$0x0], $0xffff;
	v32 =	vand.u32 $0x7F, v18;
	v18 =	vor.u32 v1, v20  }
0x2c1: {  	s12 =	simm.s32 $0xB;
	v24 =	vld.idx.msk [tilespmem:v13+s29+$0x0], $0xffff;
	v63 =	vmul.f32 v27, v7;
	v19 =	vor.u32 v1, v32;
	[tilespmem:v21+s24+$0x0] =	vst.idx.msk $0xffff, v30  }
0x2c2: {  	v20 =	vld.idx.msk [tilespmem:v14+s29+$0x0], $0xffff;
	v62 =	vmul.f32 v25, v7;
	v21 =	vadd.s32 s12, v0;
	v25 =	vand.u32 $0x7F, v34;
	[tilespmem:v22+s24+$0x0] =	vst.idx.msk $0xffff, v33  }
0x2c3: {  	s19 =	simm.s32 $0xA;
	v22 =	vand.u32 $0x7F, v21;
	v21 =	vor.u32 v1, v25;
	[tilespmem:v28+s24+$0x0] =	vst.idx.msk $0xffff, v63;
	v25 =	vmul.f32 v29, v7  }
0x2c4: {  	s4 =	simm.s32 $0x10;
	s11 =	simm.s32 $0x9;
	v27 =	vadd.s32 s19, v0;
	[tilespmem:v26+s24+$0x0] =	vst.idx.msk $0xffff, v62;
	v22 =	vor.u32 v1, v22;
	v26 =	vmul.f32 v31, v7  }
.LBB2_27:
0x2c5: {  	p1 =	slt.u32 s4, $0x78;
	v28 =	vadd.s32 s11, v0;
	v27 =	vand.u32 $0x7F, v27;
	v29 =	vld.idx.msk [tilespmem:v17+s29+$0x0], $0xffff;
	v23 =	vmul.f32 v23, v7;
	[tilespmem:v15+s24+$0x0] =	vst.idx.msk $0xffff, v25  }
0x2c6: {  	v24 =	vmul.f32 v24, v7;
	v15 =	vand.u32 $0x7F, v28;
	v25 =	vor.u32 v1, v27;
	[tilespmem:v16+s24+$0x0] =	vst.idx.msk $0xffff, v26  }
0x2c7: {  	v16 =	vadd.s32 s4, v0;
	v26 =	vor.u32 v1, v15;
	v27 =	vld.idx.msk [tilespmem:v18+s29+$0x0], $0xffff;
	[tilespmem:v12+s24+$0x0] =	vst.idx.msk $0xffff, v23;
	v12 =	vmov v25  }
0x2c8: {  	s11 =	sadd.s32 $0x7, s4;
	v30 =	vmovc v14;
	v31 =	vmov v17;
	v23 =	vand.u32 $0x7F, v16;
	v28 =	vld.idx.msk [tilespmem:v19+s29+$0x0], $0xffff;
	[tilespmem:v13+s24+$0x0] =	vst.idx.msk $0xffff, v24;
	v13 =	vmov v26  }
0x2c9: {  	s12 =	sadd.s32 $0x6, s4;
	v33 =	vmovc v18;
	v34 =	vmovc v19;
	v14 =	vor.u32 v1, v23;
	v23 =	vadd.s32 s11, v0;
	v32 =	vld.idx.msk [tilespmem:v21+s29+$0x0], $0xffff;
	v15 =	vmov v21  }
0x2ca: {  	v17 =	vadd.s32 s12, v0;
	v20 =	vmul.f32 v20, v7;
	s11 =	sadd.s32 $0x5, s4;
	v18 =	vand.u32 $0x7F, v23;
	v16 =	vmovc v22;
	v35 =	vld.idx.msk [tilespmem:v22+s29+$0x0], $0xffff  }
0x2cb: {  	v19 =	vadd.s32 s11, v0;
	v21 =	vand.u32 $0x7F, v17;
	v17 =	vor.u32 v1, v18;
	v23 =	vld.idx.msk [tilespmem:v25+s29+$0x0], $0xffff  }
.Ltmp12:
0x2cc: {  	s11 =	sadd.s32 $0x4, s4;
	v19 =	vand.u32 $0x7F, v19;
	v18 =	vor.u32 v1, v21;
	v21 =	vmul.f32 v29, v7;
	v24 =	vld.idx.msk [tilespmem:v26+s29+$0x0], $0xffff;
	(pc) =	sbr.rel @p1 .LBB2_27-.Ltmp12, $4  }
0x2cd: {  	s12 =	sadd.s32 $0x3, s4;
	v22 =	vadd.s32 s11, v0;
	v19 =	vor.u32 v1, v19;
	v26 =	vmul.f32 v27, v7;
	[tilespmem:v30+s24+$0x0] =	vst.idx.msk $0xffff, v20  }
0x2ce: {  	v25 =	vadd.s32 s12, v0;
	v22 =	vand.u32 $0x7F, v22;
	v28 =	vmul.f32 v28, v7;
	v20 =	vld.idx.msk [tilespmem:v14+s29+$0x0], $0xffff;
	[tilespmem:v31+s24+$0x0] =	vst.idx.msk $0xffff, v21  }
0x2cf: {  	s12 =	sadd.s32 $0x2, s4;
	v29 =	vand.u32 $0x7F, v25;
	v21 =	vor.u32 v1, v22;
	v25 =	vmul.f32 v32, v7;
	[tilespmem:v33+s24+$0x0] =	vst.idx.msk $0xffff, v26  }
0x2d0: {  	s11 =	sadd.s32 $0x1, s4;
	s4 =	sadd.s32 $0x8, s4;
	v27 =	vadd.s32 s12, v0;
	v22 =	vor.u32 v1, v29;
	v26 =	vmul.f32 v35, v7;
	[tilespmem:v34+s24+$0x0] =	vst.idx.msk $0xffff, v28  }
0x2d1: {  	_ =	sdelay $0x2  }
0x2d2: {  	v28 =	vadd.s32 s11, v0;
	v27 =	vand.u32 $0x7F, v27  }
0x2d3: {  	v29 =	vld.idx.msk [tilespmem:v17+s29+$0x0], $0xffff;
	v28 =	vand.u32 $0x7F, v28;
	v27 =	vor.u32 v1, v27  }
0x2d4: {  	v30 =	vld.idx.msk [tilespmem:v18+s29+$0x0], $0xffff;
	v28 =	vor.u32 v1, v28  }
0x2d5: {  	v23 =	vmul.f32 v23, v7;
	[tilespmem:v15+s24+$0x0] =	vst.idx.msk $0xffff, v25;
	v15 =	vld.idx.msk [tilespmem:v19+s29+$0x0], $0xffff  }
0x2d6: {  	v24 =	vmul.f32 v24, v7;
	[tilespmem:v16+s24+$0x0] =	vst.idx.msk $0xffff, v26;
	v16 =	vld.idx.msk [tilespmem:v21+s29+$0x0], $0xffff  }
0x2d7: {  	[tilespmem:v12+s24+$0x0] =	vst.idx.msk $0xffff, v23;
	v12 =	vmul.f32 v20, v7;
	v20 =	vld.idx.msk [tilespmem:v22+s29+$0x0], $0xffff  }
0x2d8: {  	[tilespmem:v13+s24+$0x0] =	vst.idx.msk $0xffff, v24;
	v23 =	vmul.f32 v29, v7;
	v13 =	vld.idx.msk [tilespmem:v27+s29+$0x0], $0xffff  }
0x2d9: {  	[tilespmem:v14+s24+$0x0] =	vst.idx.msk $0xffff, v12;
	v12 =	vmul.f32 v30, v7;
	v24 =	vld.idx.msk [tilespmem:v28+s29+$0x0], $0xffff  }
0x2da: {  	v14 =	vmul.f32 v15, v7;
	[tilespmem:v17+s24+$0x0] =	vst.idx.msk $0xffff, v23  }
0x2db: {  	v15 =	vmul.f32 v16, v7;
	[tilespmem:v18+s24+$0x0] =	vst.idx.msk $0xffff, v12  }
0x2dc: {  	v12 =	vmul.f32 v20, v7;
	[tilespmem:v19+s24+$0x0] =	vst.idx.msk $0xffff, v14  }
0x2dd: {  	[tilespmem:v21+s24+$0x0] =	vst.idx.msk $0xffff, v15;
	v13 =	vmul.f32 v13, v7  }
0x2de: {  	s11 =	simm.s32 $0x7;
	[tilespmem:v22+s24+$0x0] =	vst.idx.msk $0xffff, v12;
	v7 =	vmul.f32 v24, v7  }
0x2df: {  	s4 =	simm.s32 $0x0;
	v12 =	vadd.s32 s11, v0;
	[tilespmem:v27+s24+$0x0] =	vst.idx.msk $0xffff, v13  }
0x2e0: {  	v6 =	vadd.f32 v6, v10;
	s19 =	simm.s32 $0x5;
	v12 =	vand.u32 $0x7F, v12;
	[tilespmem:v28+s24+$0x0] =	vst.idx.msk $0xffff, v7;
	v7 =	vadd.s32 s4, v0  }
0x2e1: {  	s12 =	simm.s32 $0x6;
	v19 =	vor.u32 v2, v12;
	v13 =	vadd.s32 s19, v0;
	v10 =	vld [tilespmem:$0x190];
	v7 =	vand.u32 $0x7F, v7  }
0x2e2: {  	v12 =	vand.u32 $0x7F, v13;
	v18 =	vor.u32 v2, v7;
	v7 =	vadd.s32 s12, v0  }
0x2e3: {  	s19 =	simm.s32 $0x3;
	v26 =	vor.u32 v2, v12;
	s12 =	simm.s32 $0x4;
	v7 =	vand.u32 $0x7F, v7  }
0x2e4: {  	v12 =	vadd.s32 s19, v0;
	s19 =	simm.s32 $0x8;
	v20 =	vor.u32 v2, v7;
	v7 =	vadd.s32 s12, v0  }
0x2e5: {  	vm0 =	vgt.f32 v6, $0.0e+00;
	s11 =	simm.s32 $0x2;
	v16 =	vadd.s32 s19, v0;
	v7 =	vand.u32 $0x7F, v7  }
0x2e6: {  	s12 =	simm.s32 $0x1;
	[tilespmem:$0xA310] =	vst v10;
	v10 =	vand.u32 $0x7F, v12;
	v13 =	vor.u32 v2, v7;
	v7 =	vadd.s32 s11, v0  }
0x2e7: {  	v15 =	vld.idx.msk [tilespmem:v18+s29+$0x0], $0xffff;
	v14 =	vor.u32 v2, v10;
	v10 =	vadd.s32 s12, v0;
	v7 =	vand.u32 $0x7F, v7  }
0x2e8: {  	s19 =	simm.s32 $0xD;
	v12 =	vmul.f32 $9.999999770e-03, v6;
	v17 =	vld.idx.msk [tilespmem:v19+s29+$0x0], $0xffff;
	v10 =	vand.u32 $0x7F, v10;
	v7 =	vor.u32 v2, v7  }
0x2e9: {  	v16 =	vand.u32 $0x7F, v16;
	v22 =	vadd.s32 s19, v0;
	s11 =	simm.s32 $0xF;
	v24 =	vld.idx.msk [tilespmem:v26+s29+$0x0], $0xffff;
	v10 =	vor.u32 v2, v10  }
0x2ea: {  	s12 =	simm.s32 $0xE;
	v6 =	vsel vm0, v6, v12;
	v12 =	vor.u32 v2, v16;
	v16 =	vadd.s32 s11, v0;
	v23 =	vld.idx.msk [tilespmem:v20+s29+$0x0], $0xffff  }
0x2eb: {  	v60 =	vand.u32 $0x7F, v22;
	v21 =	vadd.s32 s12, v0;
	s11 =	simm.s32 $0xC;
	v16 =	vand.u32 $0x7F, v16;
	v25 =	vld.idx.msk [tilespmem:v13+s29+$0x0], $0xffff  }
0x2ec: {  	v59 =	vand.u32 $0x7F, v21;
	v31 =	vadd.s32 s11, v0;
	v27 =	vmul.f32 v15, v6;
	v28 =	vld.idx.msk [tilespmem:v14+s29+$0x0], $0xffff  }
0x2ed: {  	v15 =	vor.u32 v2, v16;
	v16 =	vor.u32 v2, v59;
	v61 =	vmul.f32 v17, v6;
	v21 =	vld.idx.msk [tilespmem:v7+s29+$0x0], $0xffff  }
0x2ee: {  	s12 =	simm.s32 $0xB;
	v17 =	vor.u32 v2, v60;
	v63 =	vmul.f32 v24, v6;
	v22 =	vld.idx.msk [tilespmem:v10+s29+$0x0], $0xffff;
	[tilespmem:v18+s24+$0x0] =	vst.idx.msk $0xffff, v27  }
0x2ef: {  	v62 =	vand.u32 $0x7F, v31;
	v27 =	vmul.f32 v23, v6;
	v18 =	vld.idx.msk [tilespmem:v12+s29+$0x0], $0xffff;
	v23 =	vadd.s32 s12, v0;
	[tilespmem:v19+s24+$0x0] =	vst.idx.msk $0xffff, v61  }
0x2f0: {  	s19 =	simm.s32 $0xA;
	v19 =	vor.u32 v2, v62;
	[tilespmem:v26+s24+$0x0] =	vst.idx.msk $0xffff, v63;
	v24 =	vand.u32 $0x7F, v23;
	v23 =	vmul.f32 v25, v6  }
0x2f1: {  	s4 =	simm.s32 $0x10;
	s11 =	simm.s32 $0x9;
	[tilespmem:v20+s24+$0x0] =	vst.idx.msk $0xffff, v27;
	v25 =	vadd.s32 s19, v0;
	v20 =	vor.u32 v2, v24;
	v24 =	vmul.f32 v28, v6  }
.LBB2_29:
0x2f2: {  	p1 =	slt.u32 s4, $0x78;
	v26 =	vadd.s32 s11, v0;
	v25 =	vand.u32 $0x7F, v25;
	v27 =	vld.idx.msk [tilespmem:v15+s29+$0x0], $0xffff;
	v21 =	vmul.f32 v21, v6;
	[tilespmem:v13+s24+$0x0] =	vst.idx.msk $0xffff, v23  }
0x2f3: {  	v22 =	vmul.f32 v22, v6;
	v13 =	vand.u32 $0x7F, v26;
	v23 =	vor.u32 v2, v25;
	[tilespmem:v14+s24+$0x0] =	vst.idx.msk $0xffff, v24  }
0x2f4: {  	v14 =	vadd.s32 s4, v0;
	v24 =	vor.u32 v2, v13;
	v25 =	vld.idx.msk [tilespmem:v16+s29+$0x0], $0xffff;
	[tilespmem:v7+s24+$0x0] =	vst.idx.msk $0xffff, v21;
	v7 =	vmov v23  }
0x2f5: {  	s11 =	sadd.s32 $0x7, s4;
	v28 =	vmovc v12;
	v29 =	vmov v15;
	v21 =	vand.u32 $0x7F, v14;
	v26 =	vld.idx.msk [tilespmem:v17+s29+$0x0], $0xffff;
	[tilespmem:v10+s24+$0x0] =	vst.idx.msk $0xffff, v22;
	v10 =	vmov v24  }
0x2f6: {  	s12 =	sadd.s32 $0x6, s4;
	v31 =	vmovc v16;
	v32 =	vmovc v17;
	v12 =	vor.u32 v2, v21;
	v21 =	vadd.s32 s11, v0;
	v30 =	vld.idx.msk [tilespmem:v19+s29+$0x0], $0xffff;
	v13 =	vmov v19  }
0x2f7: {  	v15 =	vadd.s32 s12, v0;
	v18 =	vmul.f32 v18, v6;
	s11 =	sadd.s32 $0x5, s4;
	v16 =	vand.u32 $0x7F, v21;
	v14 =	vmovc v20;
	v33 =	vld.idx.msk [tilespmem:v20+s29+$0x0], $0xffff  }
0x2f8: {  	v17 =	vadd.s32 s11, v0;
	v19 =	vand.u32 $0x7F, v15;
	v15 =	vor.u32 v2, v16;
	v21 =	vld.idx.msk [tilespmem:v23+s29+$0x0], $0xffff  }
.Ltmp13:
0x2f9: {  	s11 =	sadd.s32 $0x4, s4;
	v17 =	vand.u32 $0x7F, v17;
	v16 =	vor.u32 v2, v19;
	v19 =	vmul.f32 v27, v6;
	v22 =	vld.idx.msk [tilespmem:v24+s29+$0x0], $0xffff;
	(pc) =	sbr.rel @p1 .LBB2_29-.Ltmp13, $4  }
0x2fa: {  	s12 =	sadd.s32 $0x3, s4;
	v20 =	vadd.s32 s11, v0;
	v17 =	vor.u32 v2, v17;
	v24 =	vmul.f32 v25, v6;
	[tilespmem:v28+s24+$0x0] =	vst.idx.msk $0xffff, v18  }
0x2fb: {  	v23 =	vadd.s32 s12, v0;
	v20 =	vand.u32 $0x7F, v20;
	v26 =	vmul.f32 v26, v6;
	v18 =	vld.idx.msk [tilespmem:v12+s29+$0x0], $0xffff;
	[tilespmem:v29+s24+$0x0] =	vst.idx.msk $0xffff, v19  }
0x2fc: {  	s12 =	sadd.s32 $0x2, s4;
	v27 =	vand.u32 $0x7F, v23;
	v19 =	vor.u32 v2, v20;
	v23 =	vmul.f32 v30, v6;
	[tilespmem:v31+s24+$0x0] =	vst.idx.msk $0xffff, v24  }
0x2fd: {  	s11 =	sadd.s32 $0x1, s4;
	s4 =	sadd.s32 $0x8, s4;
	v25 =	vadd.s32 s12, v0;
	v20 =	vor.u32 v2, v27;
	v24 =	vmul.f32 v33, v6;
	[tilespmem:v32+s24+$0x0] =	vst.idx.msk $0xffff, v26  }
0x2fe: {  	_ =	sdelay $0x2  }
0x2ff: {  	v26 =	vadd.s32 s11, v0;
	v25 =	vand.u32 $0x7F, v25  }
0x300: {  	v27 =	vld.idx.msk [tilespmem:v15+s29+$0x0], $0xffff;
	v26 =	vand.u32 $0x7F, v26;
	v25 =	vor.u32 v2, v25  }
0x301: {  	v28 =	vld.idx.msk [tilespmem:v16+s29+$0x0], $0xffff;
	v26 =	vor.u32 v2, v26  }
0x302: {  	v21 =	vmul.f32 v21, v6;
	[tilespmem:v13+s24+$0x0] =	vst.idx.msk $0xffff, v23;
	v13 =	vld.idx.msk [tilespmem:v17+s29+$0x0], $0xffff  }
0x303: {  	v22 =	vmul.f32 v22, v6;
	[tilespmem:v14+s24+$0x0] =	vst.idx.msk $0xffff, v24;
	v14 =	vld.idx.msk [tilespmem:v19+s29+$0x0], $0xffff  }
0x304: {  	[tilespmem:v7+s24+$0x0] =	vst.idx.msk $0xffff, v21;
	v7 =	vmul.f32 v18, v6;
	v18 =	vld.idx.msk [tilespmem:v20+s29+$0x0], $0xffff  }
0x305: {  	[tilespmem:v10+s24+$0x0] =	vst.idx.msk $0xffff, v22;
	v21 =	vmul.f32 v27, v6;
	v10 =	vld.idx.msk [tilespmem:v25+s29+$0x0], $0xffff  }
0x306: {  	[tilespmem:v12+s24+$0x0] =	vst.idx.msk $0xffff, v7;
	v7 =	vmul.f32 v28, v6;
	v22 =	vld.idx.msk [tilespmem:v26+s29+$0x0], $0xffff  }
0x307: {  	v12 =	vmul.f32 v13, v6;
	[tilespmem:v15+s24+$0x0] =	vst.idx.msk $0xffff, v21  }
0x308: {  	v13 =	vmul.f32 v14, v6;
	[tilespmem:v16+s24+$0x0] =	vst.idx.msk $0xffff, v7  }
0x309: {  	v7 =	vmul.f32 v18, v6;
	[tilespmem:v17+s24+$0x0] =	vst.idx.msk $0xffff, v12  }
0x30a: {  	[tilespmem:v19+s24+$0x0] =	vst.idx.msk $0xffff, v13;
	v10 =	vmul.f32 v10, v6  }
0x30b: {  	s11 =	simm.s32 $0x7;
	[tilespmem:v20+s24+$0x0] =	vst.idx.msk $0xffff, v7;
	v6 =	vmul.f32 v22, v6  }
0x30c: {  	s4 =	simm.s32 $0x0;
	[tilespmem:v25+s24+$0x0] =	vst.idx.msk $0xffff, v10;
	v10 =	vadd.f32 v8, v11;
	v8 =	vadd.s32 s11, v0  }
0x30d: {  	s19 =	simm.s32 $0x5;
	[tilespmem:v26+s24+$0x0] =	vst.idx.msk $0xffff, v6;
	v6 =	vadd.s32 s4, v0;
	v8 =	vand.u32 $0x7F, v8  }
0x30e: {  	s12 =	simm.s32 $0x6;
	v11 =	vadd.s32 s19, v0;
	v7 =	vld [tilespmem:$0x1A0];
	v6 =	vand.u32 $0x7F, v6;
	v17 =	vor.u32 v3, v8  }
0x30f: {  	s19 =	simm.s32 $0x3;
	v8 =	vand.u32 $0x7F, v11;
	v16 =	vor.u32 v3, v6;
	v6 =	vadd.s32 s12, v0  }
0x310: {  	s12 =	simm.s32 $0x4;
	v56 =	vor.u32 v3, v8;
	v8 =	vadd.s32 s19, v0;
	s19 =	simm.s32 $0x8;
	v6 =	vand.u32 $0x7F, v6  }
0x311: {  	v14 =	vadd.s32 s19, v0;
	v18 =	vor.u32 v3, v6;
	v6 =	vadd.s32 s12, v0  }
0x312: {  	s11 =	simm.s32 $0x2;
	vm0 =	vgt.f32 v10, $0.0e+00;
	v14 =	vand.u32 $0x7F, v14;
	v6 =	vand.u32 $0x7F, v6  }
0x313: {  	s12 =	simm.s32 $0x1;
	[tilespmem:$0xA320] =	vst v7;
	v7 =	vand.u32 $0x7F, v8;
	v11 =	vor.u32 v3, v6;
	v6 =	vadd.s32 s11, v0  }
0x314: {  	v13 =	vld.idx.msk [tilespmem:v16+s29+$0x0], $0xffff;
	v12 =	vor.u32 v3, v7;
	v7 =	vadd.s32 s12, v0;
	v6 =	vand.u32 $0x7F, v6  }
0x315: {  	s19 =	simm.s32 $0xD;
	v15 =	vld.idx.msk [tilespmem:v17+s29+$0x0], $0xffff;
	s12 =	simm.s32 $0xE;
	v8 =	vand.u32 $0x7F, v7;
	v7 =	vor.u32 v3, v6;
	v6 =	vmul.f32 $9.999999770e-03, v10  }
0x316: {  	v20 =	vadd.s32 s19, v0;
	s11 =	simm.s32 $0xF;
	v22 =	vld.idx.msk [tilespmem:v56+s29+$0x0], $0xffff;
	v19 =	vadd.s32 s12, v0;
	v8 =	vor.u32 v3, v8  }
0x317: {  	v21 =	vld.idx.msk [tilespmem:v18+s29+$0x0], $0xffff;
	v6 =	vsel vm0, v10, v6;
	v10 =	vor.u32 v3, v14;
	v14 =	vadd.s32 s11, v0  }
0x318: {  	v59 =	vand.u32 $0x7F, v20;
	v58 =	vand.u32 $0x7F, v19;
	s11 =	simm.s32 $0xC;
	v23 =	vld.idx.msk [tilespmem:v11+s29+$0x0], $0xffff;
	v14 =	vand.u32 $0x7F, v14  }
0x319: {  	v29 =	vadd.s32 s11, v0;
	v57 =	vmul.f32 v13, v6;
	v26 =	vld.idx.msk [tilespmem:v12+s29+$0x0], $0xffff;
	v13 =	vor.u32 v3, v14  }
0x31a: {  	v14 =	vor.u32 v3, v58;
	v60 =	vmul.f32 v15, v6;
	v15 =	vor.u32 v3, v59;
	v19 =	vld.idx.msk [tilespmem:v7+s29+$0x0], $0xffff  }
0x31b: {  	s12 =	simm.s32 $0xB;
	v62 =	vand.u32 $0x7F, v29;
	v63 =	vmul.f32 v22, v6;
	v20 =	vld.idx.msk [tilespmem:v8+s29+$0x0], $0xffff;
	[tilespmem:v16+s24+$0x0] =	vst.idx.msk $0xffff, v57  }
0x31c: {  	v61 =	vmul.f32 v21, v6;
	v21 =	vadd.s32 s12, v0;
	[tilespmem:v17+s24+$0x0] =	vst.idx.msk $0xffff, v60;
	v17 =	vor.u32 v3, v62  }
0x31d: {  	s19 =	simm.s32 $0xA;
	[tilespmem:v56+s24+$0x0] =	vst.idx.msk $0xffff, v63;
	v16 =	vld.idx.msk [tilespmem:v10+s29+$0x0], $0xffff;
	v22 =	vand.u32 $0x7F, v21;
	v21 =	vmul.f32 v23, v6  }
0x31e: {  	s4 =	simm.s32 $0x10;
	s11 =	simm.s32 $0x9;
	[tilespmem:v18+s24+$0x0] =	vst.idx.msk $0xffff, v61;
	v23 =	vadd.s32 s19, v0;
	v18 =	vor.u32 v3, v22;
	v22 =	vmul.f32 v26, v6  }
.LBB2_31:
0x31f: {  	p1 =	slt.u32 s4, $0x78;
	v24 =	vadd.s32 s11, v0;
	v23 =	vand.u32 $0x7F, v23;
	v25 =	vld.idx.msk [tilespmem:v13+s29+$0x0], $0xffff;
	v19 =	vmul.f32 v19, v6;
	[tilespmem:v11+s24+$0x0] =	vst.idx.msk $0xffff, v21  }
0x320: {  	v20 =	vmul.f32 v20, v6;
	v11 =	vand.u32 $0x7F, v24;
	v21 =	vor.u32 v3, v23;
	[tilespmem:v12+s24+$0x0] =	vst.idx.msk $0xffff, v22  }
0x321: {  	v12 =	vadd.s32 s4, v0;
	v22 =	vor.u32 v3, v11;
	v23 =	vld.idx.msk [tilespmem:v14+s29+$0x0], $0xffff;
	[tilespmem:v7+s24+$0x0] =	vst.idx.msk $0xffff, v19;
	v7 =	vmov v21  }
0x322: {  	s11 =	sadd.s32 $0x7, s4;
	v26 =	vmovc v10;
	v27 =	vmov v13;
	v19 =	vand.u32 $0x7F, v12;
	v24 =	vld.idx.msk [tilespmem:v15+s29+$0x0], $0xffff;
	[tilespmem:v8+s24+$0x0] =	vst.idx.msk $0xffff, v20;
	v8 =	vmov v22  }
0x323: {  	s12 =	sadd.s32 $0x6, s4;
	v29 =	vmovc v14;
	v30 =	vmovc v15;
	v10 =	vor.u32 v3, v19;
	v19 =	vadd.s32 s11, v0;
	v28 =	vld.idx.msk [tilespmem:v17+s29+$0x0], $0xffff;
	v11 =	vmov v17  }
0x324: {  	v13 =	vadd.s32 s12, v0;
	v16 =	vmul.f32 v16, v6;
	s11 =	sadd.s32 $0x5, s4;
	v14 =	vand.u32 $0x7F, v19;
	v12 =	vmovc v18;
	v31 =	vld.idx.msk [tilespmem:v18+s29+$0x0], $0xffff  }
0x325: {  	v15 =	vadd.s32 s11, v0;
	v17 =	vand.u32 $0x7F, v13;
	v13 =	vor.u32 v3, v14;
	v19 =	vld.idx.msk [tilespmem:v21+s29+$0x0], $0xffff  }
.Ltmp14:
0x326: {  	s11 =	sadd.s32 $0x4, s4;
	v15 =	vand.u32 $0x7F, v15;
	v14 =	vor.u32 v3, v17;
	v17 =	vmul.f32 v25, v6;
	v20 =	vld.idx.msk [tilespmem:v22+s29+$0x0], $0xffff;
	(pc) =	sbr.rel @p1 .LBB2_31-.Ltmp14, $4  }
0x327: {  	s12 =	sadd.s32 $0x3, s4;
	v18 =	vadd.s32 s11, v0;
	v15 =	vor.u32 v3, v15;
	v22 =	vmul.f32 v23, v6;
	[tilespmem:v26+s24+$0x0] =	vst.idx.msk $0xffff, v16  }
0x328: {  	v21 =	vadd.s32 s12, v0;
	v18 =	vand.u32 $0x7F, v18;
	v24 =	vmul.f32 v24, v6;
	v16 =	vld.idx.msk [tilespmem:v10+s29+$0x0], $0xffff;
	[tilespmem:v27+s24+$0x0] =	vst.idx.msk $0xffff, v17  }
0x329: {  	s12 =	sadd.s32 $0x2, s4;
	v25 =	vand.u32 $0x7F, v21;
	v17 =	vor.u32 v3, v18;
	v21 =	vmul.f32 v28, v6;
	[tilespmem:v29+s24+$0x0] =	vst.idx.msk $0xffff, v22  }
0x32a: {  	s11 =	sadd.s32 $0x1, s4;
	s4 =	sadd.s32 $0x8, s4;
	v23 =	vadd.s32 s12, v0;
	v18 =	vor.u32 v3, v25;
	v22 =	vmul.f32 v31, v6;
	[tilespmem:v30+s24+$0x0] =	vst.idx.msk $0xffff, v24  }
0x32b: {  	_ =	sdelay $0x2  }
0x32c: {  	v24 =	vadd.s32 s11, v0;
	v23 =	vand.u32 $0x7F, v23  }
0x32d: {  	v25 =	vld.idx.msk [tilespmem:v13+s29+$0x0], $0xffff;
	v24 =	vand.u32 $0x7F, v24;
	v23 =	vor.u32 v3, v23  }
0x32e: {  	v26 =	vld.idx.msk [tilespmem:v14+s29+$0x0], $0xffff;
	v24 =	vor.u32 v3, v24  }
0x32f: {  	v19 =	vmul.f32 v19, v6;
	[tilespmem:v11+s24+$0x0] =	vst.idx.msk $0xffff, v21;
	v11 =	vld.idx.msk [tilespmem:v15+s29+$0x0], $0xffff  }
0x330: {  	v20 =	vmul.f32 v20, v6;
	[tilespmem:v12+s24+$0x0] =	vst.idx.msk $0xffff, v22;
	v12 =	vld.idx.msk [tilespmem:v17+s29+$0x0], $0xffff  }
0x331: {  	[tilespmem:v7+s24+$0x0] =	vst.idx.msk $0xffff, v19;
	v7 =	vmul.f32 v16, v6;
	v16 =	vld.idx.msk [tilespmem:v18+s29+$0x0], $0xffff  }
0x332: {  	[tilespmem:v8+s24+$0x0] =	vst.idx.msk $0xffff, v20;
	v19 =	vmul.f32 v25, v6;
	v8 =	vld.idx.msk [tilespmem:v23+s29+$0x0], $0xffff  }
0x333: {  	[tilespmem:v10+s24+$0x0] =	vst.idx.msk $0xffff, v7;
	v7 =	vmul.f32 v26, v6;
	v20 =	vld.idx.msk [tilespmem:v24+s29+$0x0], $0xffff  }
0x334: {  	v10 =	vmul.f32 v11, v6;
	[tilespmem:v13+s24+$0x0] =	vst.idx.msk $0xffff, v19  }
0x335: {  	v11 =	vmul.f32 v12, v6;
	[tilespmem:v14+s24+$0x0] =	vst.idx.msk $0xffff, v7  }
0x336: {  	v7 =	vmul.f32 v16, v6;
	[tilespmem:v15+s24+$0x0] =	vst.idx.msk $0xffff, v10  }
0x337: {  	[tilespmem:v17+s24+$0x0] =	vst.idx.msk $0xffff, v11;
	v8 =	vmul.f32 v8, v6  }
0x338: {  	s11 =	simm.s32 $0x7;
	[tilespmem:v18+s24+$0x0] =	vst.idx.msk $0xffff, v7;
	v6 =	vmul.f32 v20, v6  }
0x339: {  	s4 =	simm.s32 $0x0;
	[tilespmem:v23+s24+$0x0] =	vst.idx.msk $0xffff, v8;
	v8 =	vadd.s32 s11, v0  }
0x33a: {  	v5 =	vadd.f32 v9, v5;
	s19 =	simm.s32 $0x5;
	[tilespmem:v24+s24+$0x0] =	vst.idx.msk $0xffff, v6;
	v6 =	vadd.s32 s4, v0;
	v8 =	vand.u32 $0x7F, v8  }
0x33b: {  	s12 =	simm.s32 $0x6;
	v9 =	vadd.s32 s19, v0;
	v7 =	vld [tilespmem:$0x1B0];
	v6 =	vand.u32 $0x7F, v6;
	v15 =	vor.u32 v4, v8  }
0x33c: {  	v8 =	vand.u32 $0x7F, v9;
	v14 =	vor.u32 v4, v6;
	v6 =	vadd.s32 s12, v0  }
0x33d: {  	s19 =	simm.s32 $0x3;
	s12 =	simm.s32 $0x4;
	v22 =	vor.u32 v4, v8;
	v6 =	vand.u32 $0x7F, v6  }
0x33e: {  	v8 =	vadd.s32 s19, v0;
	s19 =	simm.s32 $0x8;
	v16 =	vor.u32 v4, v6;
	v6 =	vadd.s32 s12, v0  }
0x33f: {  	vm0 =	vgt.f32 v5, $0.0e+00;
	s11 =	simm.s32 $0x2;
	v12 =	vadd.s32 s19, v0;
	v6 =	vand.u32 $0x7F, v6  }
0x340: {  	s12 =	simm.s32 $0x1;
	[tilespmem:$0xA330] =	vst v7;
	v7 =	vand.u32 $0x7F, v8;
	v9 =	vor.u32 v4, v6;
	v6 =	vadd.s32 s11, v0  }
0x341: {  	v11 =	vld.idx.msk [tilespmem:v14+s29+$0x0], $0xffff;
	v10 =	vor.u32 v4, v7;
	v7 =	vadd.s32 s12, v0;
	v6 =	vand.u32 $0x7F, v6  }
0x342: {  	s19 =	simm.s32 $0xD;
	v8 =	vmul.f32 $9.999999770e-03, v5;
	v13 =	vld.idx.msk [tilespmem:v15+s29+$0x0], $0xffff;
	v7 =	vand.u32 $0x7F, v7;
	v6 =	vor.u32 v4, v6  }
0x343: {  	v12 =	vand.u32 $0x7F, v12;
	v18 =	vadd.s32 s19, v0;
	s11 =	simm.s32 $0xF;
	v20 =	vld.idx.msk [tilespmem:v22+s29+$0x0], $0xffff;
	v7 =	vor.u32 v4, v7  }
0x344: {  	s12 =	simm.s32 $0xE;
	v5 =	vsel vm0, v5, v8;
	v8 =	vor.u32 v4, v12;
	v12 =	vadd.s32 s11, v0;
	v19 =	vld.idx.msk [tilespmem:v16+s29+$0x0], $0xffff  }
0x345: {  	v60 =	vand.u32 $0x7F, v18;
	v17 =	vadd.s32 s12, v0;
	s11 =	simm.s32 $0xC;
	v12 =	vand.u32 $0x7F, v12;
	v21 =	vld.idx.msk [tilespmem:v9+s29+$0x0], $0xffff  }
0x346: {  	v59 =	vand.u32 $0x7F, v17;
	v27 =	vadd.s32 s11, v0;
	v23 =	vmul.f32 v11, v5;
	v24 =	vld.idx.msk [tilespmem:v10+s29+$0x0], $0xffff  }
0x347: {  	v11 =	vor.u32 v4, v12;
	v12 =	vor.u32 v4, v59;
	v61 =	vmul.f32 v13, v5;
	v17 =	vld.idx.msk [tilespmem:v6+s29+$0x0], $0xffff  }
0x348: {  	s12 =	simm.s32 $0xB;
	v13 =	vor.u32 v4, v60;
	v63 =	vmul.f32 v20, v5;
	v18 =	vld.idx.msk [tilespmem:v7+s29+$0x0], $0xffff;
	[tilespmem:v14+s24+$0x0] =	vst.idx.msk $0xffff, v23  }
0x349: {  	v62 =	vand.u32 $0x7F, v27;
	v23 =	vmul.f32 v19, v5;
	v14 =	vld.idx.msk [tilespmem:v8+s29+$0x0], $0xffff;
	v19 =	vadd.s32 s12, v0;
	[tilespmem:v15+s24+$0x0] =	vst.idx.msk $0xffff, v61  }
0x34a: {  	s19 =	simm.s32 $0xA;
	v15 =	vor.u32 v4, v62;
	[tilespmem:v22+s24+$0x0] =	vst.idx.msk $0xffff, v63;
	v20 =	vand.u32 $0x7F, v19;
	v19 =	vmul.f32 v21, v5  }
0x34b: {  	s4 =	simm.s32 $0x10;
	s11 =	simm.s32 $0x9;
	[tilespmem:v16+s24+$0x0] =	vst.idx.msk $0xffff, v23;
	v21 =	vadd.s32 s19, v0;
	v16 =	vor.u32 v4, v20;
	v20 =	vmul.f32 v24, v5  }
.LBB2_33:
0x34c: {  	p1 =	slt.u32 s4, $0x78;
	v22 =	vadd.s32 s11, v0;
	v21 =	vand.u32 $0x7F, v21;
	v23 =	vld.idx.msk [tilespmem:v11+s29+$0x0], $0xffff;
	v17 =	vmul.f32 v17, v5;
	[tilespmem:v9+s24+$0x0] =	vst.idx.msk $0xffff, v19  }
0x34d: {  	v18 =	vmul.f32 v18, v5;
	v9 =	vand.u32 $0x7F, v22;
	v19 =	vor.u32 v4, v21;
	[tilespmem:v10+s24+$0x0] =	vst.idx.msk $0xffff, v20  }
0x34e: {  	v10 =	vadd.s32 s4, v0;
	v20 =	vor.u32 v4, v9;
	v21 =	vld.idx.msk [tilespmem:v12+s29+$0x0], $0xffff;
	[tilespmem:v6+s24+$0x0] =	vst.idx.msk $0xffff, v17;
	v6 =	vmov v19  }
0x34f: {  	s11 =	sadd.s32 $0x7, s4;
	v24 =	vmovc v8;
	v25 =	vmov v11;
	v17 =	vand.u32 $0x7F, v10;
	v22 =	vld.idx.msk [tilespmem:v13+s29+$0x0], $0xffff;
	[tilespmem:v7+s24+$0x0] =	vst.idx.msk $0xffff, v18;
	v7 =	vmov v20  }
0x350: {  	s12 =	sadd.s32 $0x6, s4;
	v27 =	vmovc v12;
	v28 =	vmovc v13;
	v8 =	vor.u32 v4, v17;
	v17 =	vadd.s32 s11, v0;
	v26 =	vld.idx.msk [tilespmem:v15+s29+$0x0], $0xffff;
	v9 =	vmov v15  }
0x351: {  	v11 =	vadd.s32 s12, v0;
	v14 =	vmul.f32 v14, v5;
	s11 =	sadd.s32 $0x5, s4;
	v12 =	vand.u32 $0x7F, v17;
	v10 =	vmovc v16;
	v29 =	vld.idx.msk [tilespmem:v16+s29+$0x0], $0xffff  }
0x352: {  	v13 =	vadd.s32 s11, v0;
	v15 =	vand.u32 $0x7F, v11;
	v11 =	vor.u32 v4, v12;
	v17 =	vld.idx.msk [tilespmem:v19+s29+$0x0], $0xffff  }
.Ltmp15:
0x353: {  	s11 =	sadd.s32 $0x4, s4;
	v13 =	vand.u32 $0x7F, v13;
	v12 =	vor.u32 v4, v15;
	v15 =	vmul.f32 v23, v5;
	v18 =	vld.idx.msk [tilespmem:v20+s29+$0x0], $0xffff;
	(pc) =	sbr.rel @p1 .LBB2_33-.Ltmp15, $4  }
0x354: {  	s12 =	sadd.s32 $0x3, s4;
	v16 =	vadd.s32 s11, v0;
	v13 =	vor.u32 v4, v13;
	v20 =	vmul.f32 v21, v5;
	[tilespmem:v24+s24+$0x0] =	vst.idx.msk $0xffff, v14  }
0x355: {  	v19 =	vadd.s32 s12, v0;
	v16 =	vand.u32 $0x7F, v16;
	v22 =	vmul.f32 v22, v5;
	v14 =	vld.idx.msk [tilespmem:v8+s29+$0x0], $0xffff;
	[tilespmem:v25+s24+$0x0] =	vst.idx.msk $0xffff, v15  }
0x356: {  	s12 =	sadd.s32 $0x2, s4;
	v23 =	vand.u32 $0x7F, v19;
	v15 =	vor.u32 v4, v16;
	v19 =	vmul.f32 v26, v5;
	[tilespmem:v27+s24+$0x0] =	vst.idx.msk $0xffff, v20  }
0x357: {  	s11 =	sadd.s32 $0x1, s4;
	s4 =	sadd.s32 $0x8, s4;
	v21 =	vadd.s32 s12, v0;
	v16 =	vor.u32 v4, v23;
	v20 =	vmul.f32 v29, v5;
	[tilespmem:v28+s24+$0x0] =	vst.idx.msk $0xffff, v22  }
0x358: {  	_ =	sdelay $0x2  }
0x359: {  	v22 =	vadd.s32 s11, v0;
	v21 =	vand.u32 $0x7F, v21  }
0x35a: {  	v23 =	vld.idx.msk [tilespmem:v11+s29+$0x0], $0xffff;
	v22 =	vand.u32 $0x7F, v22;
	v21 =	vor.u32 v4, v21  }
0x35b: {  	v24 =	vld.idx.msk [tilespmem:v12+s29+$0x0], $0xffff;
	v22 =	vor.u32 v4, v22  }
0x35c: {  	[tilespmem:v9+s24+$0x0] =	vst.idx.msk $0xffff, v19;
	v57 =	vmul.f32 v17, v5;
	v58 =	vld.idx.msk [tilespmem:v13+s29+$0x0], $0xffff  }
0x35d: {  	v18 =	vmul.f32 v18, v5;
	v59 =	vld.idx.msk [tilespmem:v15+s29+$0x0], $0xffff;
	[tilespmem:v10+s24+$0x0] =	vst.idx.msk $0xffff, v20  }
0x35e: {  	v60 =	vld.idx.msk [tilespmem:v16+s29+$0x0], $0xffff;
	[tilespmem:v6+s24+$0x0] =	vst.idx.msk $0xffff, v57;
	v6 =	vmul.f32 v14, v5  }
0x35f: {  	[tilespmem:v7+s24+$0x0] =	vst.idx.msk $0xffff, v18;
	v61 =	vmul.f32 v23, v5;
	v7 =	vld.idx.msk [tilespmem:v21+s29+$0x0], $0xffff  }
0x360: {  	[tilespmem:v8+s24+$0x0] =	vst.idx.msk $0xffff, v6;
	v6 =	vmul.f32 v24, v5;
	v62 =	vld.idx.msk [tilespmem:v22+s29+$0x0], $0xffff  }
0x361: {  	v63 =	vmul.f32 v58, v5;
	[tilespmem:v11+s24+$0x0] =	vst.idx.msk $0xffff, v61  }
0x362: {  	s18 =	sadd.s32 $0x1, s18;
	v10 =	vmul.f32 v59, v5;
	[tilespmem:v12+s24+$0x0] =	vst.idx.msk $0xffff, v6  }
0x363: {  	p1 =	sne.s32 s18, $0x4E;
	v6 =	vmul.f32 v60, v5;
	[tilespmem:v13+s24+$0x0] =	vst.idx.msk $0xffff, v63  }
.Ltmp16:
0x364: {  	[tilespmem:v15+s24+$0x0] =	vst.idx.msk $0xffff, v10;
	v7 =	vmul.f32 v7, v5;
	(pc) =	sbr.rel @p1 .LBB2_2-.Ltmp16, $4  }
0x365: {  	[tilespmem:v16+s24+$0x0] =	vst.idx.msk $0xffff, v6;
	v5 =	vmul.f32 v62, v5  }
0x366: {  	[tilespmem:v21+s24+$0x0] =	vst.idx.msk $0xffff, v7  }
0x367: {  	[tilespmem:v22+s24+$0x0] =	vst.idx.msk $0xffff, v5  }
0x368: {  	[spmem:s2] =	stream.indirect.scatter.add.f32 [tilespmem:s24], [sflag:$0x3], $0x80, s26, s22, $0xb8;
	[tilespmem:$0x1DD00] =	vst v63  }
0x369: {  	_ =	swait.ge [sflag:s10], $0x2000  }
0x36a: {  	s4 =	simm.s32 $0x0;
	[sflag:s10] =	ssyncset.done $0x0  }
0x36b: {  	s12 =	simm.s32 $0xA380;
	s11 =	rddreg [dreg:$0x8];
	[sflag:s10] =	ssyncadd.s32 $0xFFFFE000  }
0x36c: {  	[tilespmem:s12], [sflag:$0x4] =	stream.linear.gather [hbm4b:s11+s4], $0x10, $0x38;
	[tilespmem:$0x1DD00] =	vst v63  }
0x36d: {  	_ =	swait.ge [sflag:s21], $0x10  }
0x36e: {  	[sflag:s21] =	ssyncset.done $0x0  }
0x36f: {  	s18 =	simm.s32 $0xA400;
	s19 =	rddreg [dreg:$0x9];
	[sflag:s21] =	ssyncadd.s32 $0xFFFFFFF0  }
0x370: {  	[tilespmem:s18], [sflag:$0x4] =	stream.linear.gather [hbm4b:s19+s4], $0x10, $0x38;
	[tilespmem:$0x1DD00] =	vst v63  }
0x371: {  	_ =	swait.ge [sflag:s21], $0x10  }
0x372: {  	[sflag:s21] =	ssyncset.done $0x0  }
0x373: {  	[sflag:s21] =	ssyncadd.s32 $0xFFFFFFF0  }
0x374: {  	[tilespmem:s23], [sflag:$0x1] =	stream.indirect.gather [hbm4b:s1+s15], $0x80, s12, s15, $0xb8;
	[tilespmem:$0x1DD00] =	vst v63  }
0x375: {  	_ =	swait.ge [sflag:s3], $0x800  }
0x376: {  	[sflag:s3] =	ssyncset.done $0x0  }
0x377: {  	[sflag:s3] =	ssyncadd.s32 $0xFFFFF800  }
0x378: {  	[tilespmem:s25], [sflag:$0x1] =	stream.indirect.gather [hbm4b:s5+s15], $0x80, s18, s15, $0xb8;
	[tilespmem:$0x1DD00] =	vst v63  }
0x379: {  	v5 =	vadd.s32 s4, v0;
	_ =	swait.ge [sflag:s3], $0x800  }
0x37a: {  	v5 =	vand.u32 $0x7F, v5;
	s11 =	simm.s32 $0x1;
	[sflag:s3] =	ssyncset.done $0x0  }
0x37b: {  	v5 =	vor.u32 v1, v5;
	v6 =	vadd.s32 s11, v0;
	s11 =	simm.s32 $0x2;
	s18 =	simm.s32 $0x8200;
	[sflag:s3] =	ssyncadd.s32 $0xFFFFF800  }
0x37c: {  	v6 =	vand.u32 $0x7F, v6;
	[tilespmem:s18], [sflag:$0x1] =	stream.indirect.gather [hbm4b:s6+s15], $0x1, s12, s15, $0xb8;
	[tilespmem:$0x1DD00] =	vst v63  }
0x37d: {  	v7 =	vadd.s32 s11, v0;
	v6 =	vor.u32 v1, v6;
	_ =	swait.ge [sflag:s3], $0x10  }
0x37e: {  	v7 =	vand.u32 $0x7F, v7;
	s12 =	simm.s32 $0x3;
	[sflag:s3] =	ssyncset.done $0x0  }
0x37f: {  	v7 =	vor.u32 v1, v7;
	v8 =	vadd.s32 s12, v0;
	[sflag:s3] =	ssyncadd.s32 $0xFFFFFFF0  }
0x380: {  	s11 =	simm.s32 $0x4;
	v8 =	vand.u32 $0x7F, v8;
	v11 =	vld.idx.msk [tilespmem:v5+s23+$0x0], $0xffff  }
0x381: {  	v9 =	vadd.s32 s11, v0;
	v8 =	vor.u32 v1, v8;
	v12 =	vld.idx.msk [tilespmem:v5+s25+$0x0], $0xffff  }
0x382: {  	s12 =	simm.s32 $0x5;
	v13 =	vld.idx.msk [tilespmem:v6+s23+$0x0], $0xffff;
	v5 =	vand.u32 $0x7F, v9  }
0x383: {  	v9 =	vadd.s32 s12, v0;
	v14 =	vld.idx.msk [tilespmem:v6+s25+$0x0], $0xffff;
	v17 =	vor.u32 v1, v5  }
0x384: {  	s11 =	simm.s32 $0x6;
	v10 =	vld.idx.msk [tilespmem:v7+s25+$0x0], $0xffff;
	v6 =	vand.u32 $0x7F, v9  }
0x385: {  	v5 =	vld.idx.msk [tilespmem:v7+s23+$0x0], $0xffff;
	v7 =	vadd.s32 s11, v0;
	v9 =	vor.u32 v1, v6  }
0x386: {  	s12 =	simm.s32 $0x7;
	v7 =	vand.u32 $0x7F, v7;
	v6 =	vld.idx.msk [tilespmem:v8+s23+$0x0], $0xffff  }
0x387: {  	s4 =	simm.s32 $0x8;
	v16 =	vmul.f32 v12, v11;
	v12 =	vld.idx.msk [tilespmem:v8+s25+$0x0], $0xffff;
	v8 =	vadd.s32 s12, v0;
	v11 =	vor.u32 v1, v7  }
0x388: {  	v15 =	vimm.f32 $0.0e+00;
	v18 =	vadd.s32 s4, v0;
	v7 =	vld.idx.msk [tilespmem:v17+s23+$0x0], $0xffff;
	v8 =	vand.u32 $0x7F, v8  }
0x389: {  	s12 =	simm.s32 $0x9;
	v15 =	vadd.f32 v16, v15;
	v16 =	vmul.f32 v14, v13;
	v14 =	vld.idx.msk [tilespmem:v17+s25+$0x0], $0xffff;
	v13 =	vor.u32 v1, v8  }
0x38a: {  	s19 =	simm.s32 $0xA400;
	v18 =	vand.u32 $0x7F, v18;
	s11 =	simm.s32 $0x10;
	v17 =	vadd.s32 s12, v0;
	v8 =	vld.idx.msk [tilespmem:v9+s23+$0x0], $0xffff  }
.LBB2_36:
0x38b: {  	p1 =	slt.u32 s11, $0x78;
	v18 =	vor.u32 v1, v18;
	s12 =	sadd.s32 $0x2, s4;
	v15 =	vadd.f32 v16, v15;
	v5 =	vmul.f32 v10, v5;
	v9 =	vld.idx.msk [tilespmem:v9+s25+$0x0], $0xffff  }
0x38c: {  	v10 =	vand.u32 $0x7F, v17;
	v16 =	vadd.s32 s12, v0;
	v17 =	vld.idx.msk [tilespmem:v11+s23+$0x0], $0xffff  }
0x38d: {  	v10 =	vor.u32 v1, v10;
	s12 =	sadd.s32 $0x3, s4;
	v6 =	vmul.f32 v12, v6;
	v5 =	vadd.f32 v5, v15;
	v11 =	vld.idx.msk [tilespmem:v11+s25+$0x0], $0xffff  }
0x38e: {  	v12 =	vand.u32 $0x7F, v16;
	v15 =	vadd.s32 s12, v0;
	v16 =	vld.idx.msk [tilespmem:v13+s23+$0x0], $0xffff  }
0x38f: {  	s12 =	sadd.s32 $0x4, s4;
	v12 =	vor.u32 v1, v12;
	v5 =	vadd.f32 v6, v5;
	v6 =	vmul.f32 v14, v7;
	v7 =	vld.idx.msk [tilespmem:v13+s25+$0x0], $0xffff  }
0x390: {  	v14 =	vand.u32 $0x7F, v15;
	v15 =	vadd.s32 s12, v0;
	v13 =	vld.idx.msk [tilespmem:v18+s23+$0x0], $0xffff  }
0x391: {  	s12 =	sadd.s32 $0x5, s4;
	v14 =	vor.u32 v1, v14;
	v18 =	vld.idx.msk [tilespmem:v18+s25+$0x0], $0xffff;
	v5 =	vadd.f32 v6, v5;
	v6 =	vmul.f32 v9, v8  }
0x392: {  	v9 =	vand.u32 $0x7F, v15;
	v15 =	vadd.s32 s12, v0;
	v8 =	vld.idx.msk [tilespmem:v10+s23+$0x0], $0xffff  }
0x393: {  	s12 =	sadd.s32 $0x6, s4;
	v20 =	vor.u32 v1, v9;
	v11 =	vmul.f32 v11, v17;
	v19 =	vld.idx.msk [tilespmem:v10+s25+$0x0], $0xffff;
	v6 =	vadd.f32 v6, v5  }
0x394: {  	v9 =	vand.u32 $0x7F, v15;
	v15 =	vadd.s32 s12, v0;
	v5 =	vld.idx.msk [tilespmem:v12+s23+$0x0], $0xffff  }
0x395: {  	s12 =	sadd.s32 $0x7, s4;
	s4 =	smov.u32 s11;
	v9 =	vor.u32 v1, v9;
	v7 =	vmul.f32 v7, v16;
	v10 =	vld.idx.msk [tilespmem:v12+s25+$0x0], $0xffff;
	v17 =	vadd.f32 v11, v6  }
.Ltmp17:
0x396: {  	v11 =	vand.u32 $0x7F, v15;
	v15 =	vadd.s32 s12, v0;
	v6 =	vld.idx.msk [tilespmem:v14+s23+$0x0], $0xffff;
	(pc) =	sbr.rel @p1 .LBB2_36-.Ltmp17, $4  }
0x397: {  	v13 =	vmul.f32 v18, v13;
	v11 =	vor.u32 v1, v11;
	v12 =	vld.idx.msk [tilespmem:v14+s25+$0x0], $0xffff;
	v14 =	vadd.f32 v7, v17  }
0x398: {  	v18 =	vand.u32 $0x7F, v15;
	v17 =	vadd.s32 s11, v0;
	v7 =	vld.idx.msk [tilespmem:v20+s23+$0x0], $0xffff  }
0x399: {  	s12 =	sadd.s32 $0x1, s11;
	v16 =	vmul.f32 v19, v8;
	v15 =	vadd.f32 v13, v14;
	v14 =	vld.idx.msk [tilespmem:v20+s25+$0x0], $0xffff;
	v13 =	vor.u32 v1, v18  }
0x39a: {  	s11 =	sadd.s32 $0x8, s11;
	v18 =	vand.u32 $0x7F, v17;
	v17 =	vadd.s32 s12, v0;
	v8 =	vld.idx.msk [tilespmem:v9+s23+$0x0], $0xffff  }
0x39b: {  	_ =	sdelay $0x2  }
0x39c: {  	v15 =	vadd.f32 v16, v15;
	v5 =	vmul.f32 v10, v5  }
0x39d: {  	v10 =	vor.u32 v1, v18;
	v9 =	vld.idx.msk [tilespmem:v9+s25+$0x0], $0xffff  }
0x39e: {  	s11 =	sadd.s32 $0x2, s4;
	v16 =	vand.u32 $0x7F, v17;
	v17 =	vld.idx.msk [tilespmem:v11+s23+$0x0], $0xffff;
	v6 =	vmul.f32 v12, v6;
	v5 =	vadd.f32 v5, v15  }
0x39f: {  	v11 =	vld.idx.msk [tilespmem:v11+s25+$0x0], $0xffff;
	v12 =	vadd.s32 s11, v0;
	v15 =	vor.u32 v1, v16  }
0x3a0: {  	s12 =	sadd.s32 $0x3, s4;
	v12 =	vand.u32 $0x7F, v12;
	v16 =	vld.idx.msk [tilespmem:v13+s23+$0x0], $0xffff;
	v5 =	vadd.f32 v6, v5;
	v6 =	vmul.f32 v14, v7  }
0x3a1: {  	v13 =	vld.idx.msk [tilespmem:v13+s25+$0x0], $0xffff;
	v12 =	vor.u32 v1, v12;
	v7 =	vadd.s32 s12, v0  }
0x3a2: {  	s12 =	sadd.s32 $0x4, s4;
	v14 =	vld.idx.msk [tilespmem:v10+s23+$0x0], $0xffff;
	v7 =	vand.u32 $0x7F, v7;
	v5 =	vadd.f32 v6, v5;
	v6 =	vmul.f32 v9, v8  }
0x3a3: {  	v8 =	vadd.s32 s12, v0;
	v9 =	vld.idx.msk [tilespmem:v10+s25+$0x0], $0xffff;
	v7 =	vor.u32 v1, v7  }
0x3a4: {  	s12 =	sadd.s32 $0x5, s4;
	v10 =	vld.idx.msk [tilespmem:v15+s23+$0x0], $0xffff;
	v8 =	vand.u32 $0x7F, v8;
	v5 =	vadd.f32 v6, v5;
	v6 =	vmul.f32 v11, v17  }
0x3a5: {  	v15 =	vld.idx.msk [tilespmem:v15+s25+$0x0], $0xffff;
	v11 =	vadd.s32 s12, v0;
	v8 =	vor.u32 v1, v8  }
0x3a6: {  	s12 =	sadd.s32 $0x6, s4;
	v17 =	vld.idx.msk [tilespmem:v12+s23+$0x0], $0xffff;
	v11 =	vand.u32 $0x7F, v11;
	v5 =	vadd.f32 v6, v5;
	v6 =	vmul.f32 v13, v16  }
0x3a7: {  	v12 =	vld.idx.msk [tilespmem:v12+s25+$0x0], $0xffff;
	v13 =	vadd.s32 s12, v0;
	v11 =	vor.u32 v1, v11  }
0x3a8: {  	s12 =	sadd.s32 $0x7, s4;
	v16 =	vld.idx.msk [tilespmem:v7+s23+$0x0], $0xffff;
	v13 =	vand.u32 $0x7F, v13;
	v9 =	vmul.f32 v9, v14;
	v5 =	vadd.f32 v6, v5  }
0x3a9: {  	v7 =	vld.idx.msk [tilespmem:v7+s25+$0x0], $0xffff;
	v6 =	vadd.s32 s12, v0;
	v13 =	vor.u32 v1, v13  }
0x3aa: {  	v14 =	vld.idx.msk [tilespmem:v8+s23+$0x0], $0xffff;
	v6 =	vand.u32 $0x7F, v6;
	v5 =	vadd.f32 v9, v5;
	v9 =	vmul.f32 v15, v10  }
0x3ab: {  	v8 =	vld.idx.msk [tilespmem:v8+s25+$0x0], $0xffff;
	v6 =	vor.u32 v1, v6  }
0x3ac: {  	v10 =	vld.idx.msk [tilespmem:v11+s23+$0x0], $0xffff;
	v5 =	vadd.f32 v9, v5;
	v9 =	vmul.f32 v12, v17  }
0x3ad: {  	v11 =	vld.idx.msk [tilespmem:v11+s25+$0x0], $0xffff  }
0x3ae: {  	v7 =	vmul.f32 v7, v16;
	v12 =	vld.idx.msk [tilespmem:v13+s23+$0x0], $0xffff;
	v5 =	vadd.f32 v9, v5  }
0x3af: {  	v9 =	vld.idx.msk [tilespmem:v13+s25+$0x0], $0xffff  }
0x3b0: {  	v13 =	vld.idx.msk [tilespmem:v6+s23+$0x0], $0xffff;
	v5 =	vadd.f32 v7, v5;
	v7 =	vmul.f32 v8, v14  }
0x3b1: {  	v6 =	vld.idx.msk [tilespmem:v6+s25+$0x0], $0xffff  }
0x3b2: {  	v5 =	vadd.f32 v7, v5;
	v7 =	vmul.f32 v11, v10;
	_ =	sdelay $0x1  }
0x3b3: {  	v5 =	vadd.f32 v7, v5;
	v7 =	vmul.f32 v9, v12;
	_ =	sdelay $0x1  }
0x3b4: {  	v8 =	vld [tilespmem:$0x8200];
	v6 =	vmul.f32 v6, v13;
	v5 =	vadd.f32 v7, v5  }
0x3b5: {  	s11 =	simm.s32 $0x0;
	s12 =	simm.s32 $0x7  }
0x3b6: {  	v7 =	vadd.s32 s12, v0;
	v5 =	vadd.f32 v6, v5;
	v6 =	vadd.s32 s11, v0  }
0x3b7: {  	v7 =	vand.u32 $0x7F, v7;
	s11 =	simm.s32 $0x6;
	v6 =	vand.u32 $0x7F, v6  }
0x3b8: {  	s12 =	simm.s32 $0x5;
	v15 =	vor.u32 v1, v7;
	v14 =	vor.u32 v1, v6;
	v6 =	vadd.s32 s11, v0  }
0x3b9: {  	v5 =	vadd.f32 v8, v5;
	v8 =	vadd.s32 s12, v0;
	s11 =	simm.s32 $0x4;
	v6 =	vand.u32 $0x7F, v6  }
0x3ba: {  	s12 =	simm.s32 $0x3;
	v7 =	vand.u32 $0x7F, v8;
	v16 =	vor.u32 v1, v6;
	v6 =	vadd.s32 s11, v0  }
0x3bb: {  	v22 =	vor.u32 v1, v7;
	v7 =	vadd.s32 s12, v0;
	v8 =	vmul.f32 $9.999999770e-03, v5  }
0x3bc: {  	s11 =	simm.s32 $0x2;
	vm0 =	vgt.f32 v5, $0.0e+00;
	v6 =	vand.u32 $0x7F, v6;
	v7 =	vand.u32 $0x7F, v7  }
0x3bd: {  	s12 =	simm.s32 $0x1;
	v13 =	vld.idx.msk [tilespmem:v15+s23+$0x0], $0xffff;
	v9 =	vor.u32 v1, v6;
	v6 =	vadd.s32 s11, v0;
	v10 =	vor.u32 v1, v7  }
0x3be: {  	v7 =	vadd.s32 s12, v0;
	s11 =	simm.s32 $0x8;
	v5 =	vsel vm0, v5, v8;
	v11 =	vld.idx.msk [tilespmem:v14+s23+$0x0], $0xffff;
	v6 =	vand.u32 $0x7F, v6  }
0x3bf: {  	v7 =	vand.u32 $0x7F, v7;
	v12 =	vadd.s32 s11, v0;
	s11 =	simm.s32 $0xE;
	v6 =	vor.u32 v1, v6  }
0x3c0: {  	s12 =	simm.s32 $0xF;
	v7 =	vor.u32 v1, v7;
	v12 =	vand.u32 $0x7F, v12;
	v17 =	vadd.s32 s11, v0;
	v19 =	vld.idx.msk [tilespmem:v16+s23+$0x0], $0xffff  }
0x3c1: {  	s11 =	simm.s32 $0xC;
	v20 =	vld.idx.msk [tilespmem:v22+s23+$0x0], $0xffff;
	v8 =	vor.u32 v1, v12;
	v12 =	vadd.s32 s12, v0;
	s12 =	simm.s32 $0xD;
	v25 =	vand.u32 $0x7F, v17  }
0x3c2: {  	v27 =	vadd.s32 s11, v0;
	v12 =	vand.u32 $0x7F, v12;
	v18 =	vadd.s32 s12, v0;
	v21 =	vld.idx.msk [tilespmem:v9+s23+$0x0], $0xffff  }
0x3c3: {  	v61 =	vmul.f32 v13, v5;
	v62 =	vand.u32 $0x7F, v27;
	v24 =	vld.idx.msk [tilespmem:v10+s23+$0x0], $0xffff;
	v23 =	vmul.f32 v11, v5  }
0x3c4: {  	v26 =	vand.u32 $0x7F, v18;
	v11 =	vor.u32 v1, v12;
	v12 =	vor.u32 v1, v25;
	v17 =	vld.idx.msk [tilespmem:v6+s23+$0x0], $0xffff  }
0x3c5: {  	s12 =	simm.s32 $0xB;
	v13 =	vor.u32 v1, v26;
	v18 =	vld.idx.msk [tilespmem:v7+s23+$0x0], $0xffff;
	[tilespmem:v14+s24+$0x0] =	vst.idx.msk $0xffff, v23;
	v23 =	vmul.f32 v19, v5  }
0x3c6: {  	[tilespmem:v15+s24+$0x0] =	vst.idx.msk $0xffff, v61;
	v15 =	vor.u32 v1, v62;
	v19 =	vadd.s32 s12, v0;
	v63 =	vmul.f32 v20, v5  }
0x3c7: {  	v14 =	vld.idx.msk [tilespmem:v8+s23+$0x0], $0xffff;
	s12 =	simm.s32 $0xA;
	v20 =	vand.u32 $0x7F, v19;
	v19 =	vmul.f32 v21, v5;
	[tilespmem:v16+s24+$0x0] =	vst.idx.msk $0xffff, v23  }
0x3c8: {  	s4 =	simm.s32 $0x10;
	s11 =	simm.s32 $0x9;
	v21 =	vadd.s32 s12, v0;
	v16 =	vor.u32 v1, v20;
	v20 =	vmul.f32 v24, v5;
	[tilespmem:v22+s24+$0x0] =	vst.idx.msk $0xffff, v63  }
.LBB2_38:
0x3c9: {  	p1 =	slt.u32 s4, $0x78;
	v22 =	vadd.s32 s11, v0;
	v21 =	vand.u32 $0x7F, v21;
	v23 =	vld.idx.msk [tilespmem:v11+s23+$0x0], $0xffff;
	v17 =	vmul.f32 v17, v5;
	[tilespmem:v9+s24+$0x0] =	vst.idx.msk $0xffff, v19  }
0x3ca: {  	v18 =	vmul.f32 v18, v5;
	v9 =	vand.u32 $0x7F, v22;
	v19 =	vor.u32 v1, v21;
	[tilespmem:v10+s24+$0x0] =	vst.idx.msk $0xffff, v20  }
0x3cb: {  	v10 =	vadd.s32 s4, v0;
	v20 =	vor.u32 v1, v9;
	v21 =	vld.idx.msk [tilespmem:v12+s23+$0x0], $0xffff;
	[tilespmem:v6+s24+$0x0] =	vst.idx.msk $0xffff, v17;
	v6 =	vmov v19  }
0x3cc: {  	s11 =	sadd.s32 $0x7, s4;
	v24 =	vmovc v8;
	v25 =	vmov v11;
	v17 =	vand.u32 $0x7F, v10;
	v22 =	vld.idx.msk [tilespmem:v13+s23+$0x0], $0xffff;
	[tilespmem:v7+s24+$0x0] =	vst.idx.msk $0xffff, v18;
	v7 =	vmov v20  }
0x3cd: {  	s12 =	sadd.s32 $0x6, s4;
	v27 =	vmovc v12;
	v28 =	vmovc v13;
	v8 =	vor.u32 v1, v17;
	v17 =	vadd.s32 s11, v0;
	v26 =	vld.idx.msk [tilespmem:v15+s23+$0x0], $0xffff;
	v9 =	vmov v15  }
0x3ce: {  	v11 =	vadd.s32 s12, v0;
	v14 =	vmul.f32 v14, v5;
	s11 =	sadd.s32 $0x5, s4;
	v12 =	vand.u32 $0x7F, v17;
	v10 =	vmovc v16;
	v29 =	vld.idx.msk [tilespmem:v16+s23+$0x0], $0xffff  }
0x3cf: {  	v13 =	vadd.s32 s11, v0;
	v15 =	vand.u32 $0x7F, v11;
	v11 =	vor.u32 v1, v12;
	v17 =	vld.idx.msk [tilespmem:v19+s23+$0x0], $0xffff  }
.Ltmp18:
0x3d0: {  	s11 =	sadd.s32 $0x4, s4;
	v13 =	vand.u32 $0x7F, v13;
	v12 =	vor.u32 v1, v15;
	v15 =	vmul.f32 v23, v5;
	v18 =	vld.idx.msk [tilespmem:v20+s23+$0x0], $0xffff;
	(pc) =	sbr.rel @p1 .LBB2_38-.Ltmp18, $4  }
0x3d1: {  	s12 =	sadd.s32 $0x3, s4;
	v16 =	vadd.s32 s11, v0;
	v13 =	vor.u32 v1, v13;
	v20 =	vmul.f32 v21, v5;
	[tilespmem:v24+s24+$0x0] =	vst.idx.msk $0xffff, v14  }
0x3d2: {  	v19 =	vadd.s32 s12, v0;
	v16 =	vand.u32 $0x7F, v16;
	v22 =	vmul.f32 v22, v5;
	v14 =	vld.idx.msk [tilespmem:v8+s23+$0x0], $0xffff;
	[tilespmem:v25+s24+$0x0] =	vst.idx.msk $0xffff, v15  }
0x3d3: {  	s12 =	sadd.s32 $0x2, s4;
	v23 =	vand.u32 $0x7F, v19;
	v15 =	vor.u32 v1, v16;
	v19 =	vmul.f32 v26, v5;
	[tilespmem:v27+s24+$0x0] =	vst.idx.msk $0xffff, v20  }
0x3d4: {  	s11 =	sadd.s32 $0x1, s4;
	s4 =	sadd.s32 $0x8, s4;
	v21 =	vadd.s32 s12, v0;
	v16 =	vor.u32 v1, v23;
	v20 =	vmul.f32 v29, v5;
	[tilespmem:v28+s24+$0x0] =	vst.idx.msk $0xffff, v22  }
0x3d5: {  	_ =	sdelay $0x2  }
0x3d6: {  	v22 =	vadd.s32 s11, v0;
	v21 =	vand.u32 $0x7F, v21  }
0x3d7: {  	v23 =	vld.idx.msk [tilespmem:v11+s23+$0x0], $0xffff;
	v22 =	vand.u32 $0x7F, v22;
	v21 =	vor.u32 v1, v21  }
0x3d8: {  	v24 =	vld.idx.msk [tilespmem:v12+s23+$0x0], $0xffff;
	v22 =	vor.u32 v1, v22  }
0x3d9: {  	[tilespmem:v9+s24+$0x0] =	vst.idx.msk $0xffff, v19;
	v57 =	vmul.f32 v17, v5;
	v58 =	vld.idx.msk [tilespmem:v13+s23+$0x0], $0xffff  }
0x3da: {  	v18 =	vmul.f32 v18, v5;
	v59 =	vld.idx.msk [tilespmem:v15+s23+$0x0], $0xffff;
	[tilespmem:v10+s24+$0x0] =	vst.idx.msk $0xffff, v20  }
0x3db: {  	v60 =	vld.idx.msk [tilespmem:v16+s23+$0x0], $0xffff;
	[tilespmem:v6+s24+$0x0] =	vst.idx.msk $0xffff, v57;
	v6 =	vmul.f32 v14, v5  }
0x3dc: {  	[tilespmem:v7+s24+$0x0] =	vst.idx.msk $0xffff, v18;
	v61 =	vmul.f32 v23, v5;
	v7 =	vld.idx.msk [tilespmem:v21+s23+$0x0], $0xffff  }
0x3dd: {  	[tilespmem:v8+s24+$0x0] =	vst.idx.msk $0xffff, v6;
	v6 =	vmul.f32 v24, v5;
	v62 =	vld.idx.msk [tilespmem:v22+s23+$0x0], $0xffff  }
0x3de: {  	v63 =	vmul.f32 v58, v5;
	[tilespmem:v11+s24+$0x0] =	vst.idx.msk $0xffff, v61  }
0x3df: {  	v10 =	vmul.f32 v59, v5;
	[tilespmem:v12+s24+$0x0] =	vst.idx.msk $0xffff, v6  }
0x3e0: {  	v6 =	vmul.f32 v60, v5;
	[tilespmem:v13+s24+$0x0] =	vst.idx.msk $0xffff, v63  }
0x3e1: {  	[tilespmem:v15+s24+$0x0] =	vst.idx.msk $0xffff, v10;
	v7 =	vmul.f32 v7, v5  }
0x3e2: {  	[tilespmem:v16+s24+$0x0] =	vst.idx.msk $0xffff, v6;
	v5 =	vmul.f32 v62, v5  }
0x3e3: {  	[tilespmem:v21+s24+$0x0] =	vst.idx.msk $0xffff, v7  }
0x3e4: {  	[tilespmem:v22+s24+$0x0] =	vst.idx.msk $0xffff, v5  }
0x3e5: {  	[spmem:s2] =	stream.indirect.scatter.add.f32 [tilespmem:s24], [sflag:$0x4], $0x80, s19, s15, $0xb8;
	[tilespmem:$0x1DD00] =	vst v63  }
0x3e6: {  	_ =	swait.ge [sflag:s21], $0x800  }
0x3e7: {  	[sflag:s21] =	ssyncset.done $0x0  }
0x3e8: {  	[sflag:s21] =	ssyncadd.s32 $0xFFFFF800  }
0x3e9: {  	[bflag:$0x0] =	sbarrier.arrive $0xFFFF  }
0x3ea: {  	s4 =	rddreg [dreg:$0xa]  }
0x3eb: {  	[hbm:s4], [sflag:s9] =	dma.local [spmem:s20], $0x2700  }
0x3ec: {  	_ =	swait.ge [sflag:s21], $0x2700  }
0x3ed: {  	[sflag:s21] =	ssyncset.done $0x0  }
0x3ee: {  	s4 =	rddreg [dreg:$0xb];
	[sflag:s21] =	ssyncadd.s32 $0xFFFFD900  }
0x3ef: {  	[hbm:s4], [sflag:s9] =	dma.local @!p0 [spmem:s17], $0x100  }
0x3f0: {  	s4 =	simm.s32 @!p0 $0x4  }
0x3f1: {  	_ =	swait.ge @!p0 [sflag:s4], $0x100  }
0x3f2: {  	s16 =	sadd.s32 $0x1, s16;
	s19 =	rddreg [dreg:$0xc]  }
0x3f3: {  	p1 =	sne.s32 s16, s19  }
.Ltmp19:
0x3f4: {  	_ = 	snop;
	(pc) =	sbr.rel @p1 .LBB2_1-.Ltmp19, $3  }
0x3f5: {  	_ =	sdelay $0x1  }
0x3f6: {  	[sflag:s4] =	ssyncset.done @!p0 $0x0  }
0x3f7: {  	[sflag:s4] =	ssyncadd.s32 @!p0 $0xFFFFFF00  }
0x3f8: {  	_ =	sfence.sel $0x180000  }
0x3f9: {  	[bflag:$0x0] =	sbarrier.arrive $0xFFFF  }
0x3fa: {  	_ =	strace $0x90000047  }
0x3fb: {  	s0 =	stileid.u32;
	[bflag:$0x2] =	sbarrier.arrive $0xFFFF  }
0x3fc: {  	p0 =	sne.s32 s0, $0x0;
	s0 =	rddreg [dreg:$0x3]  }
0x3fd: {  	s0 =	sadd.s32 @!p0 $0x100000, s0  }
0x3fe: {  	[sflag:s0] =	ssyncadd.tile.s32 @!p0 $0x1;
	_ =	shalt  }
.Lfunc_end2:
_tile_overlayer_lowered:
.L_overlay_start_2:
0x3ff: {  	(tag) =	ssettag $0x2  }
0x400: {  	s0 =	rddreg [dreg:$0x0];
	s2 =	stileid.u32  }
0x401: {  	s1 =	rddreg [dreg:$0x1];
	p0 =	sne.s32 s2, $0x0  }
0x402: {  	s3 =	rddreg [dreg:$0x2];
	[bflag:$0x3] =	sbarrier.arrive $0xFFFF;
	s2 =	simm.s32 @!p0 $0x1C04  }
0x403: {  	[timem:s3], [sflag:s2] =	dma.local @!p0 [hbm:s0], s1  }
0x404: {  	s0 =	simm.s32 @!p0 $0x4  }
0x405: {  	_ =	swait.ge @!p0 [sflag:s0], s1  }
0x406: {  	s1 =	ssub.s32 @!p0 $0x0, s1;
	[sflag:s0] =	ssyncset.done @!p0 $0x0  }
0x407: {  	[sflag:s0] =	ssyncadd.s32 @!p0 s1  }
0x408: {  	[bflag:$0x3] =	sbarrier.arrive $0xFFFF  }
0x409: {  	_ =	shalt  }

</sc_bundles>
